<compile_context>
chip_gen: v7x
topology: tpu7x:2x2x1
jax: 0.10.2.dev20260603
libtpu: 0.0.44.dev20260713+nightly
codegen_flags: <defaults>
</compile_context>

<pallas_src>
import functools

import jax
import jax.numpy as jnp
from jax import lax
from jax.experimental import pallas as pl
from jax.experimental.pallas import tpu as pltpu
from jax.experimental.pallas import tpu_sc as plsc

HIST_LEN = 50
BATCH = 16384

_info = plsc.get_sparse_core_info()
_NC, _NS = _info.num_cores, _info.num_subcores
_NW = _NC * _NS
_B_PER_W = BATCH // _NW
_RING = 16


def _make_gather():
    mesh = plsc.VectorSubcoreMesh(core_axis_name="c", subcore_axis_name="s")

    @functools.partial(
        pl.kernel,
        mesh=mesh,
        out_type=jax.ShapeDtypeStruct((BATCH, HIST_LEN), jnp.int32),
        scratch_types=[
            pltpu.VMEM((_B_PER_W,), jnp.int32),
            pltpu.VMEM((_RING, 8, HIST_LEN), jnp.int32),
            pltpu.VMEM((_B_PER_W, HIST_LEN), jnp.int32),
            [pltpu.SemaphoreType.DMA] * _RING,
        ],
        compiler_params=pltpu.CompilerParams(
            use_tc_tiling_on_sc=True, needs_layout_passes=False
        ),
    )
    def gather_kernel(uid_hbm, table_hbm, out_hbm, idx_v, ring_v, out_v, sems):
        wid = lax.axis_index("s") * _NC + lax.axis_index("c")
        base = wid * _B_PER_W
        pltpu.sync_copy(uid_hbm.at[pl.ds(base, _B_PER_W)], idx_v)
        iota = lax.iota(jnp.int32, 16)

        def fire_uid(u, slot):
            r0 = pl.multiple_of((u >> 3) * 8, 8)
            return pltpu.async_copy(
                table_hbm.at[pl.ds(r0, 8)], ring_v.at[slot], sems[slot]
            )

        n_groups = _B_PER_W // 16
        uvec0 = idx_v[pl.ds(0, 16)]
        for s in range(_RING):
            fire_uid(uvec0[s], s)

        def body(gp, carry):
            uvec = idx_v[pl.ds(gp * 16, 16)]
            gnxt = jnp.minimum(gp + 1, n_groups - 1)
            uvec_next = idx_v[pl.ds(gnxt * 16, 16)]
            for half in (0, 1):
                for s in range(8):
                    slot = half * 8 + s
                    i = gp * 16 + slot
                    pltpu.make_async_copy(
                        table_hbm.at[pl.ds(0, 8)], ring_v.at[slot], sems[slot]
                    ).wait()
                    u = uvec[slot]
                    r8 = u & 7
                    out_v[i, pl.ds(0, 16)] = ring_v[slot, r8, pl.ds(0, 16)]
                    out_v[i, pl.ds(16, 16)] = ring_v[slot, r8, pl.ds(16, 16)]
                    out_v[i, pl.ds(32, 16)] = ring_v[slot, r8, pl.ds(32, 16)]
                    out_v[i, pl.ds(34, 16)] = plsc.load_gather(
                        ring_v, [iota * 0 + slot, iota * 0 + r8, iota + 34]
                    )

                @pl.when(gp + 1 < n_groups)
                def _():
                    for s in range(8):
                        slot = half * 8 + s
                        fire_uid(uvec_next[slot], slot)
            return carry

        lax.fori_loop(0, n_groups, body, 0)
        pltpu.sync_copy(out_v, out_hbm.at[pl.ds(base, _B_PER_W)])

    return gather_kernel


_gather = _make_gather()


def kernel(uid, table):
    return _gather(uid, table)

# --- scband reference (transcript-rebuilt; emitter-appended) ---
"""Pipeline reference for scband-user-history-embedding-53429393162951 (READ-ONLY COPY).

The authoritative reference and input builder live on the scoring server;
editing this copy changes nothing except your own understanding.
"""

import jax, jax.numpy as jnp
import numpy as np

NUM_USERS = 100000
HIST_LEN = 50
ITEM_VOCAB = 1000000
BATCH = 16384


def setup_inputs(seed: int = 0) -> dict:
    key = jax.random.key(seed)
    k1, k2 = jax.random.split(key)
    uid = jax.random.randint(k1, (BATCH,), 0, NUM_USERS, dtype=jnp.int64) if jax.config.jax_enable_x64 else jax.random.randint(k1, (BATCH,), 0, NUM_USERS, dtype=jnp.int32)
    # frozen pretrained user-history mapper: each user maps to HIST_LEN item ids
    table = jax.random.randint(k2, (NUM_USERS, HIST_LEN), 0, ITEM_VOCAB, dtype=jnp.int32)
    return {"uid": uid, "table": table}


def reference(uid, table):
    # nn.Embedding.from_pretrained(LongTensor(user_history_mapper), freeze=True)(uid)
    # == pure row gather from the frozen integer table
    return jnp.take(table, uid, axis=0)

if __name__ == "__main__":
    import jax
    _d = setup_inputs()
    print(jax.jit(kernel)(*tuple(_d.values())))

</pallas_src>

<mosaic_0001>
#map = affine_map<(d0, d1) -> (0)>
#map1 = affine_map<(d0, d1) -> (0, 0)>
module attributes {stable_mosaic.version = 14 : i64} {
  func.func @gather_kernel(%arg0: i32, %arg1: i32, %arg2: memref<16384xi32, #tpu.memory_space<hbm>>, %arg3: memref<100000x50xi32, #tpu.memory_space<hbm>>, %arg4: memref<16384x50xi32, #tpu.memory_space<hbm>>, %arg5: memref<512xi32, #tpu.memory_space<vmem>>, %arg6: memref<16x8x50xi32, #tpu.memory_space<vmem>>, %arg7: memref<512x50xi32, #tpu.memory_space<vmem>>, %arg8: memref<!tpu.dma_semaphore, #tpu.memory_space<semaphore_mem>>, %arg9: memref<!tpu.dma_semaphore, #tpu.memory_space<semaphore_mem>>, %arg10: memref<!tpu.dma_semaphore, #tpu.memory_space<semaphore_mem>>, %arg11: memref<!tpu.dma_semaphore, #tpu.memory_space<semaphore_mem>>, %arg12: memref<!tpu.dma_semaphore, #tpu.memory_space<semaphore_mem>>, %arg13: memref<!tpu.dma_semaphore, #tpu.memory_space<semaphore_mem>>, %arg14: memref<!tpu.dma_semaphore, #tpu.memory_space<semaphore_mem>>, %arg15: memref<!tpu.dma_semaphore, #tpu.memory_space<semaphore_mem>>, %arg16: memref<!tpu.dma_semaphore, #tpu.memory_space<semaphore_mem>>, %arg17: memref<!tpu.dma_semaphore, #tpu.memory_space<semaphore_mem>>, %arg18: memref<!tpu.dma_semaphore, #tpu.memory_space<semaphore_mem>>, %arg19: memref<!tpu.dma_semaphore, #tpu.memory_space<semaphore_mem>>, %arg20: memref<!tpu.dma_semaphore, #tpu.memory_space<semaphore_mem>>, %arg21: memref<!tpu.dma_semaphore, #tpu.memory_space<semaphore_mem>>, %arg22: memref<!tpu.dma_semaphore, #tpu.memory_space<semaphore_mem>>, %arg23: memref<!tpu.dma_semaphore, #tpu.memory_space<semaphore_mem>>) attributes {dimension_semantics = [#tpu.dimension_semantics<core_parallel>, #tpu.dimension_semantics<subcore_parallel>], iteration_bounds = array<i64: 2, 16>, scalar_prefetch = 0 : i64, scratch_operands = 19 : i64, tpu.core_type = #tpu.core_type<sc_vector_subcore>, window_params = [{transform_indices = #map}, {transform_indices = #map1}, {transform_indices = #map1}]} {
    %mul3A = arith.constant 2 : i32
    %mul3A_0 = arith.muli %arg1, %mul3A : i32
    %add3A = arith.addi %mul3A_0, %arg0 : i32
    %mul3A_1 = arith.constant 512 : i32
    %mul3A_2 = arith.muli %add3A, %mul3A_1 : i32
    "tpu.region"() ({
      %run_scoped3A = tpu.sem_alloc : memref<!tpu.dma_semaphore, #tpu.memory_space<semaphore_mem>>
      %dma_start3A_324 = tpu.memref_slice %arg2[%mul3A_2] : memref<16384xi32, #tpu.memory_space<hbm>> -> memref<512xi32, #tpu.memory_space<hbm>>
      %dma_start3A_325 = tpu.memref_slice %arg2[%mul3A_2] : memref<16384xi32, #tpu.memory_space<hbm>> -> memref<512xi32, #tpu.memory_space<hbm>>
      tpu.enqueue_dma source(%dma_start3A_325 : memref<512xi32, #tpu.memory_space<hbm>>) target(%arg5 : memref<512xi32, #tpu.memory_space<vmem>>) target_semaphore(%run_scoped3A : memref<!tpu.dma_semaphore, #tpu.memory_space<semaphore_mem>>)
      %dma_wait3A = tpu.memref_slice %arg2[%mul3A_2] : memref<16384xi32, #tpu.memory_space<hbm>> -> memref<512xi32, #tpu.memory_space<hbm>>
      %dma_wait3A_326 = tpu.memref_slice %arg2[%mul3A_2] : memref<16384xi32, #tpu.memory_space<hbm>> -> memref<512xi32, #tpu.memory_space<hbm>>
      tpu.wait_dma2 semaphore(%run_scoped3A : memref<!tpu.dma_semaphore, #tpu.memory_space<semaphore_mem>>) src(%dma_wait3A_326 : memref<512xi32, #tpu.memory_space<hbm>>) dst(%arg5 : memref<512xi32, #tpu.memory_space<vmem>>)
      tpu.yield
    }) : () -> ()
    %iota3A = tpu.iota {dimensions = array<i32: 0>} : vector<16xi32>
    %get3A = arith.constant 0 : index
    %get3A_3 = tpu.vector_load %arg5[%get3A] {strides = array<i32>} : memref<512xi32, #tpu.memory_space<vmem>>, vector<16xi32>,
    %slice3A = vector.extract_strided_slice %get3A_3 {offsets = [0], sizes = [1], strides = [1]} : vector<16xi32> to vector<1xi32>
    %squeeze3A = vector.extract %slice3A[0] : i32 from vector<1xi32>
    %shift_right_arithmetic3A = arith.constant 3 : i32
    %shift_right_arithmetic3A_4 = arith.shrsi %squeeze3A, %shift_right_arithmetic3A : i32
    %mul3A_5 = arith.constant 8 : i32
    %mul3A_6 = arith.muli %shift_right_arithmetic3A_4, %mul3A_5 : i32
    %multiple_of3A = tpu.assume_multiple %mul3A_6, 8 : i32
    %dma_start3A = arith.constant 0 : i32
    %dma_start3A_7 = arith.constant 0 : i32
    %dma_start3A_8 = arith.constant 0 : i32
    %dma_start3A_9 = tpu.memref_slice %arg6[%dma_start3A, %dma_start3A_7, %dma_start3A_8] : memref<16x8x50xi32, #tpu.memory_space<vmem>> -> memref<1x8x50xi32, #tpu.memory_space<vmem>>
    %dma_start3A_10 = tpu.memref_squeeze %dma_start3A_9 : memref<1x8x50xi32, #tpu.memory_space<vmem>> -> memref<8x50xi32, #tpu.memory_space<vmem>>
    %dma_start3A_11 = arith.constant 0 : i32
    %dma_start3A_12 = tpu.memref_slice %arg3[%multiple_of3A, %dma_start3A_11] : memref<100000x50xi32, #tpu.memory_space<hbm>> -> memref<8x50xi32, #tpu.memory_space<hbm>>
    %dma_start3A_13 = arith.constant 0 : i32
    %dma_start3A_14 = arith.constant 0 : i32
    %dma_start3A_15 = tpu.memref_slice %arg6[%dma_start3A, %dma_start3A_13, %dma_start3A_14] : memref<16x8x50xi32, #tpu.memory_space<vmem>> -> memref<1x8x50xi32, #tpu.memory_space<vmem>>
    %dma_start3A_16 = tpu.memref_squeeze %dma_start3A_15 : memref<1x8x50xi32, #tpu.memory_space<vmem>> -> memref<8x50xi32, #tpu.memory_space<vmem>>
    %dma_start3A_17 = arith.constant 0 : i32
    %dma_start3A_18 = tpu.memref_slice %arg3[%multiple_of3A, %dma_start3A_17] : memref<100000x50xi32, #tpu.memory_space<hbm>> -> memref<8x50xi32, #tpu.memory_space<hbm>>
    tpu.enqueue_dma source(%dma_start3A_18 : memref<8x50xi32, #tpu.memory_space<hbm>>) target(%dma_start3A_16 : memref<8x50xi32, #tpu.memory_space<vmem>>) target_semaphore(%arg8 : memref<!tpu.dma_semaphore, #tpu.memory_space<semaphore_mem>>)
    %slice3A_19 = vector.extract_strided_slice %get3A_3 {offsets = [1], sizes = [1], strides = [1]} : vector<16xi32> to vector<1xi32>
    %squeeze3A_20 = vector.extract %slice3A_19[0] : i32 from vector<1xi32>
    %shift_right_arithmetic3A_21 = arith.constant 3 : i32
    %shift_right_arithmetic3A_22 = arith.shrsi %squeeze3A_20, %shift_right_arithmetic3A_21 : i32
    %mul3A_23 = arith.constant 8 : i32
    %mul3A_24 = arith.muli %shift_right_arithmetic3A_22, %mul3A_23 : i32
    %multiple_of3A_25 = tpu.assume_multiple %mul3A_24, 8 : i32
    %dma_start3A_26 = arith.constant 1 : i32
    %dma_start3A_27 = arith.constant 0 : i32
    %dma_start3A_28 = arith.constant 0 : i32
    %dma_start3A_29 = tpu.memref_slice %arg6[%dma_start3A_26, %dma_start3A_27, %dma_start3A_28] : memref<16x8x50xi32, #tpu.memory_space<vmem>> -> memref<1x8x50xi32, #tpu.memory_space<vmem>>
    %dma_start3A_30 = tpu.memref_squeeze %dma_start3A_29 : memref<1x8x50xi32, #tpu.memory_space<vmem>> -> memref<8x50xi32, #tpu.memory_space<vmem>>
    %dma_start3A_31 = arith.constant 0 : i32
    %dma_start3A_32 = tpu.memref_slice %arg3[%multiple_of3A_25, %dma_start3A_31] : memref<100000x50xi32, #tpu.memory_space<hbm>> -> memref<8x50xi32, #tpu.memory_space<hbm>>
    %dma_start3A_33 = arith.constant 0 : i32
    %dma_start3A_34 = arith.constant 0 : i32
    %dma_start3A_35 = tpu.memref_slice %arg6[%dma_start3A_26, %dma_start3A_33, %dma_start3A_34] : memref<16x8x50xi32, #tpu.memory_space<vmem>> -> memref<1x8x50xi32, #tpu.memory_space<vmem>>
    %dma_start3A_36 = tpu.memref_squeeze %dma_start3A_35 : memref<1x8x50xi32, #tpu.memory_space<vmem>> -> memref<8x50xi32, #tpu.memory_space<vmem>>
    %dma_start3A_37 = arith.constant 0 : i32
    %dma_start3A_38 = tpu.memref_slice %arg3[%multiple_of3A_25, %dma_start3A_37] : memref<100000x50xi32, #tpu.memory_space<hbm>> -> memref<8x50xi32, #tpu.memory_space<hbm>>
    tpu.enqueue_dma source(%dma_start3A_38 : memref<8x50xi32, #tpu.memory_space<hbm>>) target(%dma_start3A_36 : memref<8x50xi32, #tpu.memory_space<vmem>>) target_semaphore(%arg9 : memref<!tpu.dma_semaphore, #tpu.memory_space<semaphore_mem>>)
    %slice3A_39 = vector.extract_strided_slice %get3A_3 {offsets = [2], sizes = [1], strides = [1]} : vector<16xi32> to vector<1xi32>
    %squeeze3A_40 = vector.extract %slice3A_39[0] : i32 from vector<1xi32>
    %shift_right_arithmetic3A_41 = arith.constant 3 : i32
    %shift_right_arithmetic3A_42 = arith.shrsi %squeeze3A_40, %shift_right_arithmetic3A_41 : i32
    %mul3A_43 = arith.constant 8 : i32
    %mul3A_44 = arith.muli %shift_right_arithmetic3A_42, %mul3A_43 : i32
    %multiple_of3A_45 = tpu.assume_multiple %mul3A_44, 8 : i32
    %dma_start3A_46 = arith.constant 2 : i32
    %dma_start3A_47 = arith.constant 0 : i32
    %dma_start3A_48 = arith.constant 0 : i32
    %dma_start3A_49 = tpu.memref_slice %arg6[%dma_start3A_46, %dma_start3A_47, %dma_start3A_48] : memref<16x8x50xi32, #tpu.memory_space<vmem>> -> memref<1x8x50xi32, #tpu.memory_space<vmem>>
    %dma_start3A_50 = tpu.memref_squeeze %dma_start3A_49 : memref<1x8x50xi32, #tpu.memory_space<vmem>> -> memref<8x50xi32, #tpu.memory_space<vmem>>
    %dma_start3A_51 = arith.constant 0 : i32
    %dma_start3A_52 = tpu.memref_slice %arg3[%multiple_of3A_45, %dma_start3A_51] : memref<100000x50xi32, #tpu.memory_space<hbm>> -> memref<8x50xi32, #tpu.memory_space<hbm>>
    %dma_start3A_53 = arith.constant 0 : i32
    %dma_start3A_54 = arith.constant 0 : i32
    %dma_start3A_55 = tpu.memref_slice %arg6[%dma_start3A_46, %dma_start3A_53, %dma_start3A_54] : memref<16x8x50xi32, #tpu.memory_space<vmem>> -> memref<1x8x50xi32, #tpu.memory_space<vmem>>
    %dma_start3A_56 = tpu.memref_squeeze %dma_start3A_55 : memref<1x8x50xi32, #tpu.memory_space<vmem>> -> memref<8x50xi32, #tpu.memory_space<vmem>>
    %dma_start3A_57 = arith.constant 0 : i32
    %dma_start3A_58 = tpu.memref_slice %arg3[%multiple_of3A_45, %dma_start3A_57] : memref<100000x50xi32, #tpu.memory_space<hbm>> -> memref<8x50xi32, #tpu.memory_space<hbm>>
    tpu.enqueue_dma source(%dma_start3A_58 : memref<8x50xi32, #tpu.memory_space<hbm>>) target(%dma_start3A_56 : memref<8x50xi32, #tpu.memory_space<vmem>>) target_semaphore(%arg10 : memref<!tpu.dma_semaphore, #tpu.memory_space<semaphore_mem>>)
    %slice3A_59 = vector.extract_strided_slice %get3A_3 {offsets = [3], sizes = [1], strides = [1]} : vector<16xi32> to vector<1xi32>
    %squeeze3A_60 = vector.extract %slice3A_59[0] : i32 from vector<1xi32>
    %shift_right_arithmetic3A_61 = arith.constant 3 : i32
    %shift_right_arithmetic3A_62 = arith.shrsi %squeeze3A_60, %shift_right_arithmetic3A_61 : i32
    %mul3A_63 = arith.constant 8 : i32
    %mul3A_64 = arith.muli %shift_right_arithmetic3A_62, %mul3A_63 : i32
    %multiple_of3A_65 = tpu.assume_multiple %mul3A_64, 8 : i32
    %dma_start3A_66 = arith.constant 3 : i32
    %dma_start3A_67 = arith.constant 0 : i32
    %dma_start3A_68 = arith.constant 0 : i32
    %dma_start3A_69 = tpu.memref_slice %arg6[%dma_start3A_66, %dma_start3A_67, %dma_start3A_68] : memref<16x8x50xi32, #tpu.memory_space<vmem>> -> memref<1x8x50xi32, #tpu.memory_space<vmem>>
    %dma_start3A_70 = tpu.memref_squeeze %dma_start3A_69 : memref<1x8x50xi32, #tpu.memory_space<vmem>> -> memref<8x50xi32, #tpu.memory_space<vmem>>
    %dma_start3A_71 = arith.constant 0 : i32
    %dma_start3A_72 = tpu.memref_slice %arg3[%multiple_of3A_65, %dma_start3A_71] : memref<100000x50xi32, #tpu.memory_space<hbm>> -> memref<8x50xi32, #tpu.memory_space<hbm>>
    %dma_start3A_73 = arith.constant 0 : i32
    %dma_start3A_74 = arith.constant 0 : i32
    %dma_start3A_75 = tpu.memref_slice %arg6[%dma_start3A_66, %dma_start3A_73, %dma_start3A_74] : memref<16x8x50xi32, #tpu.memory_space<vmem>> -> memref<1x8x50xi32, #tpu.memory_space<vmem>>
    %dma_start3A_76 = tpu.memref_squeeze %dma_start3A_75 : memref<1x8x50xi32, #tpu.memory_space<vmem>> -> memref<8x50xi32, #tpu.memory_space<vmem>>
    %dma_start3A_77 = arith.constant 0 : i32
    %dma_start3A_78 = tpu.memref_slice %arg3[%multiple_of3A_65, %dma_start3A_77] : memref<100000x50xi32, #tpu.memory_space<hbm>> -> memref<8x50xi32, #tpu.memory_space<hbm>>
    tpu.enqueue_dma source(%dma_start3A_78 : memref<8x50xi32, #tpu.memory_space<hbm>>) target(%dma_start3A_76 : memref<8x50xi32, #tpu.memory_space<vmem>>) target_semaphore(%arg11 : memref<!tpu.dma_semaphore, #tpu.memory_space<semaphore_mem>>)
    %slice3A_79 = vector.extract_strided_slice %get3A_3 {offsets = [4], sizes = [1], strides = [1]} : vector<16xi32> to vector<1xi32>
    %squeeze3A_80 = vector.extract %slice3A_79[0] : i32 from vector<1xi32>
    %shift_right_arithmetic3A_81 = arith.constant 3 : i32
    %shift_right_arithmetic3A_82 = arith.shrsi %squeeze3A_80, %shift_right_arithmetic3A_81 : i32
    %mul3A_83 = arith.constant 8 : i32
    %mul3A_84 = arith.muli %shift_right_arithmetic3A_82, %mul3A_83 : i32
    %multiple_of3A_85 = tpu.assume_multiple %mul3A_84, 8 : i32
    %dma_start3A_86 = arith.constant 4 : i32
    %dma_start3A_87 = arith.constant 0 : i32
    %dma_start3A_88 = arith.constant 0 : i32
    %dma_start3A_89 = tpu.memref_slice %arg6[%dma_start3A_86, %dma_start3A_87, %dma_start3A_88] : memref<16x8x50xi32, #tpu.memory_space<vmem>> -> memref<1x8x50xi32, #tpu.memory_space<vmem>>
    %dma_start3A_90 = tpu.memref_squeeze %dma_start3A_89 : memref<1x8x50xi32, #tpu.memory_space<vmem>> -> memref<8x50xi32, #tpu.memory_space<vmem>>
    %dma_start3A_91 = arith.constant 0 : i32
    %dma_start3A_92 = tpu.memref_slice %arg3[%multiple_of3A_85, %dma_start3A_91] : memref<100000x50xi32, #tpu.memory_space<hbm>> -> memref<8x50xi32, #tpu.memory_space<hbm>>
    %dma_start3A_93 = arith.constant 0 : i32
    %dma_start3A_94 = arith.constant 0 : i32
    %dma_start3A_95 = tpu.memref_slice %arg6[%dma_start3A_86, %dma_start3A_93, %dma_start3A_94] : memref<16x8x50xi32, #tpu.memory_space<vmem>> -> memref<1x8x50xi32, #tpu.memory_space<vmem>>
    %dma_start3A_96 = tpu.memref_squeeze %dma_start3A_95 : memref<1x8x50xi32, #tpu.memory_space<vmem>> -> memref<8x50xi32, #tpu.memory_space<vmem>>
    %dma_start3A_97 = arith.constant 0 : i32
    %dma_start3A_98 = tpu.memref_slice %arg3[%multiple_of3A_85, %dma_start3A_97] : memref<100000x50xi32, #tpu.memory_space<hbm>> -> memref<8x50xi32, #tpu.memory_space<hbm>>
    tpu.enqueue_dma source(%dma_start3A_98 : memref<8x50xi32, #tpu.memory_space<hbm>>) target(%dma_start3A_96 : memref<8x50xi32, #tpu.memory_space<vmem>>) target_semaphore(%arg12 : memref<!tpu.dma_semaphore, #tpu.memory_space<semaphore_mem>>)
    %slice3A_99 = vector.extract_strided_slice %get3A_3 {offsets = [5], sizes = [1], strides = [1]} : vector<16xi32> to vector<1xi32>
    %squeeze3A_100 = vector.extract %slice3A_99[0] : i32 from vector<1xi32>
    %shift_right_arithmetic3A_101 = arith.constant 3 : i32
    %shift_right_arithmetic3A_102 = arith.shrsi %squeeze3A_100, %shift_right_arithmetic3A_101 : i32
    %mul3A_103 = arith.constant 8 : i32
    %mul3A_104 = arith.muli %shift_right_arithmetic3A_102, %mul3A_103 : i32
    %multiple_of3A_105 = tpu.assume_multiple %mul3A_104, 8 : i32
    %dma_start3A_106 = arith.constant 5 : i32
    %dma_start3A_107 = arith.constant 0 : i32
    %dma_start3A_108 = arith.constant 0 : i32
    %dma_start3A_109 = tpu.memref_slice %arg6[%dma_start3A_106, %dma_start3A_107, %dma_start3A_108] : memref<16x8x50xi32, #tpu.memory_space<vmem>> -> memref<1x8x50xi32, #tpu.memory_space<vmem>>
    %dma_start3A_110 = tpu.memref_squeeze %dma_start3A_109 : memref<1x8x50xi32, #tpu.memory_space<vmem>> -> memref<8x50xi32, #tpu.memory_space<vmem>>
    %dma_start3A_111 = arith.constant 0 : i32
    %dma_start3A_112 = tpu.memref_slice %arg3[%multiple_of3A_105, %dma_start3A_111] : memref<100000x50xi32, #tpu.memory_space<hbm>> -> memref<8x50xi32, #tpu.memory_space<hbm>>
    %dma_start3A_113 = arith.constant 0 : i32
    %dma_start3A_114 = arith.constant 0 : i32
    %dma_start3A_115 = tpu.memref_slice %arg6[%dma_start3A_106, %dma_start3A_113, %dma_start3A_114] : memref<16x8x50xi32, #tpu.memory_space<vmem>> -> memref<1x8x50xi32, #tpu.memory_space<vmem>>
    %dma_start3A_116 = tpu.memref_squeeze %dma_start3A_115 : memref<1x8x50xi32, #tpu.memory_space<vmem>> -> memref<8x50xi32, #tpu.memory_space<vmem>>
    %dma_start3A_117 = arith.constant 0 : i32
    %dma_start3A_118 = tpu.memref_slice %arg3[%multiple_of3A_105, %dma_start3A_117] : memref<100000x50xi32, #tpu.memory_space<hbm>> -> memref<8x50xi32, #tpu.memory_space<hbm>>
    tpu.enqueue_dma source(%dma_start3A_118 : memref<8x50xi32, #tpu.memory_space<hbm>>) target(%dma_start3A_116 : memref<8x50xi32, #tpu.memory_space<vmem>>) target_semaphore(%arg13 : memref<!tpu.dma_semaphore, #tpu.memory_space<semaphore_mem>>)
    %slice3A_119 = vector.extract_strided_slice %get3A_3 {offsets = [6], sizes = [1], strides = [1]} : vector<16xi32> to vector<1xi32>
    %squeeze3A_120 = vector.extract %slice3A_119[0] : i32 from vector<1xi32>
    %shift_right_arithmetic3A_121 = arith.constant 3 : i32
    %shift_right_arithmetic3A_122 = arith.shrsi %squeeze3A_120, %shift_right_arithmetic3A_121 : i32
    %mul3A_123 = arith.constant 8 : i32
    %mul3A_124 = arith.muli %shift_right_arithmetic3A_122, %mul3A_123 : i32
    %multiple_of3A_125 = tpu.assume_multiple %mul3A_124, 8 : i32
    %dma_start3A_126 = arith.constant 6 : i32
    %dma_start3A_127 = arith.constant 0 : i32
    %dma_start3A_128 = arith.constant 0 : i32
    %dma_start3A_129 = tpu.memref_slice %arg6[%dma_start3A_126, %dma_start3A_127, %dma_start3A_128] : memref<16x8x50xi32, #tpu.memory_space<vmem>> -> memref<1x8x50xi32, #tpu.memory_space<vmem>>
    %dma_start3A_130 = tpu.memref_squeeze %dma_start3A_129 : memref<1x8x50xi32, #tpu.memory_space<vmem>> -> memref<8x50xi32, #tpu.memory_space<vmem>>
    %dma_start3A_131 = arith.constant 0 : i32
    %dma_start3A_132 = tpu.memref_slice %arg3[%multiple_of3A_125, %dma_start3A_131] : memref<100000x50xi32, #tpu.memory_space<hbm>> -> memref<8x50xi32, #tpu.memory_space<hbm>>
    %dma_start3A_133 = arith.constant 0 : i32
    %dma_start3A_134 = arith.constant 0 : i32
    %dma_start3A_135 = tpu.memref_slice %arg6[%dma_start3A_126, %dma_start3A_133, %dma_start3A_134] : memref<16x8x50xi32, #tpu.memory_space<vmem>> -> memref<1x8x50xi32, #tpu.memory_space<vmem>>
    %dma_start3A_136 = tpu.memref_squeeze %dma_start3A_135 : memref<1x8x50xi32, #tpu.memory_space<vmem>> -> memref<8x50xi32, #tpu.memory_space<vmem>>
    %dma_start3A_137 = arith.constant 0 : i32
    %dma_start3A_138 = tpu.memref_slice %arg3[%multiple_of3A_125, %dma_start3A_137] : memref<100000x50xi32, #tpu.memory_space<hbm>> -> memref<8x50xi32, #tpu.memory_space<hbm>>
    tpu.enqueue_dma source(%dma_start3A_138 : memref<8x50xi32, #tpu.memory_space<hbm>>) target(%dma_start3A_136 : memref<8x50xi32, #tpu.memory_space<vmem>>) target_semaphore(%arg14 : memref<!tpu.dma_semaphore, #tpu.memory_space<semaphore_mem>>)
    %slice3A_139 = vector.extract_strided_slice %get3A_3 {offsets = [7], sizes = [1], strides = [1]} : vector<16xi32> to vector<1xi32>
    %squeeze3A_140 = vector.extract %slice3A_139[0] : i32 from vector<1xi32>
    %shift_right_arithmetic3A_141 = arith.constant 3 : i32
    %shift_right_arithmetic3A_142 = arith.shrsi %squeeze3A_140, %shift_right_arithmetic3A_141 : i32
    %mul3A_143 = arith.constant 8 : i32
    %mul3A_144 = arith.muli %shift_right_arithmetic3A_142, %mul3A_143 : i32
    %multiple_of3A_145 = tpu.assume_multiple %mul3A_144, 8 : i32
    %dma_start3A_146 = arith.constant 7 : i32
    %dma_start3A_147 = arith.constant 0 : i32
    %dma_start3A_148 = arith.constant 0 : i32
    %dma_start3A_149 = tpu.memref_slice %arg6[%dma_start3A_146, %dma_start3A_147, %dma_start3A_148] : memref<16x8x50xi32, #tpu.memory_space<vmem>> -> memref<1x8x50xi32, #tpu.memory_space<vmem>>
    %dma_start3A_150 = tpu.memref_squeeze %dma_start3A_149 : memref<1x8x50xi32, #tpu.memory_space<vmem>> -> memref<8x50xi32, #tpu.memory_space<vmem>>
    %dma_start3A_151 = arith.constant 0 : i32
    %dma_start3A_152 = tpu.memref_slice %arg3[%multiple_of3A_145, %dma_start3A_151] : memref<100000x50xi32, #tpu.memory_space<hbm>> -> memref<8x50xi32, #tpu.memory_space<hbm>>
    %dma_start3A_153 = arith.constant 0 : i32
    %dma_start3A_154 = arith.constant 0 : i32
    %dma_start3A_155 = tpu.memref_slice %arg6[%dma_start3A_146, %dma_start3A_153, %dma_start3A_154] : memref<16x8x50xi32, #tpu.memory_space<vmem>> -> memref<1x8x50xi32, #tpu.memory_space<vmem>>
    %dma_start3A_156 = tpu.memref_squeeze %dma_start3A_155 : memref<1x8x50xi32, #tpu.memory_space<vmem>> -> memref<8x50xi32, #tpu.memory_space<vmem>>
    %dma_start3A_157 = arith.constant 0 : i32
    %dma_start3A_158 = tpu.memref_slice %arg3[%multiple_of3A_145, %dma_start3A_157] : memref<100000x50xi32, #tpu.memory_space<hbm>> -> memref<8x50xi32, #tpu.memory_space<hbm>>
    tpu.enqueue_dma source(%dma_start3A_158 : memref<8x50xi32, #tpu.memory_space<hbm>>) target(%dma_start3A_156 : memref<8x50xi32, #tpu.memory_space<vmem>>) target_semaphore(%arg15 : memref<!tpu.dma_semaphore, #tpu.memory_space<semaphore_mem>>)
    %slice3A_159 = vector.extract_strided_slice %get3A_3 {offsets = [8], sizes = [1], strides = [1]} : vector<16xi32> to vector<1xi32>
    %squeeze3A_160 = vector.extract %slice3A_159[0] : i32 from vector<1xi32>
    %shift_right_arithmetic3A_161 = arith.constant 3 : i32
    %shift_right_arithmetic3A_162 = arith.shrsi %squeeze3A_160, %shift_right_arithmetic3A_161 : i32
    %mul3A_163 = arith.constant 8 : i32
    %mul3A_164 = arith.muli %shift_right_arithmetic3A_162, %mul3A_163 : i32
    %multiple_of3A_165 = tpu.assume_multiple %mul3A_164, 8 : i32
    %dma_start3A_166 = arith.constant 8 : i32
    %dma_start3A_167 = arith.constant 0 : i32
    %dma_start3A_168 = arith.constant 0 : i32
    %dma_start3A_169 = tpu.memref_slice %arg6[%dma_start3A_166, %dma_start3A_167, %dma_start3A_168] : memref<16x8x50xi32, #tpu.memory_space<vmem>> -> memref<1x8x50xi32, #tpu.memory_space<vmem>>
    %dma_start3A_170 = tpu.memref_squeeze %dma_start3A_169 : memref<1x8x50xi32, #tpu.memory_space<vmem>> -> memref<8x50xi32, #tpu.memory_space<vmem>>
    %dma_start3A_171 = arith.constant 0 : i32
    %dma_start3A_172 = tpu.memref_slice %arg3[%multiple_of3A_165, %dma_start3A_171] : memref<100000x50xi32, #tpu.memory_space<hbm>> -> memref<8x50xi32, #tpu.memory_space<hbm>>
    %dma_start3A_173 = arith.constant 0 : i32
    %dma_start3A_174 = arith.constant 0 : i32
    %dma_start3A_175 = tpu.memref_slice %arg6[%dma_start3A_166, %dma_start3A_173, %dma_start3A_174] : memref<16x8x50xi32, #tpu.memory_space<vmem>> -> memref<1x8x50xi32, #tpu.memory_space<vmem>>
    %dma_start3A_176 = tpu.memref_squeeze %dma_start3A_175 : memref<1x8x50xi32, #tpu.memory_space<vmem>> -> memref<8x50xi32, #tpu.memory_space<vmem>>
    %dma_start3A_177 = arith.constant 0 : i32
    %dma_start3A_178 = tpu.memref_slice %arg3[%multiple_of3A_165, %dma_start3A_177] : memref<100000x50xi32, #tpu.memory_space<hbm>> -> memref<8x50xi32, #tpu.memory_space<hbm>>
    tpu.enqueue_dma source(%dma_start3A_178 : memref<8x50xi32, #tpu.memory_space<hbm>>) target(%dma_start3A_176 : memref<8x50xi32, #tpu.memory_space<vmem>>) target_semaphore(%arg16 : memref<!tpu.dma_semaphore, #tpu.memory_space<semaphore_mem>>)
    %slice3A_179 = vector.extract_strided_slice %get3A_3 {offsets = [9], sizes = [1], strides = [1]} : vector<16xi32> to vector<1xi32>
    %squeeze3A_180 = vector.extract %slice3A_179[0] : i32 from vector<1xi32>
    %shift_right_arithmetic3A_181 = arith.constant 3 : i32
    %shift_right_arithmetic3A_182 = arith.shrsi %squeeze3A_180, %shift_right_arithmetic3A_181 : i32
    %mul3A_183 = arith.constant 8 : i32
    %mul3A_184 = arith.muli %shift_right_arithmetic3A_182, %mul3A_183 : i32
    %multiple_of3A_185 = tpu.assume_multiple %mul3A_184, 8 : i32
    %dma_start3A_186 = arith.constant 9 : i32
    %dma_start3A_187 = arith.constant 0 : i32
    %dma_start3A_188 = arith.constant 0 : i32
    %dma_start3A_189 = tpu.memref_slice %arg6[%dma_start3A_186, %dma_start3A_187, %dma_start3A_188] : memref<16x8x50xi32, #tpu.memory_space<vmem>> -> memref<1x8x50xi32, #tpu.memory_space<vmem>>
    %dma_start3A_190 = tpu.memref_squeeze %dma_start3A_189 : memref<1x8x50xi32, #tpu.memory_space<vmem>> -> memref<8x50xi32, #tpu.memory_space<vmem>>
    %dma_start3A_191 = arith.constant 0 : i32
    %dma_start3A_192 = tpu.memref_slice %arg3[%multiple_of3A_185, %dma_start3A_191] : memref<100000x50xi32, #tpu.memory_space<hbm>> -> memref<8x50xi32, #tpu.memory_space<hbm>>
    %dma_start3A_193 = arith.constant 0 : i32
    %dma_start3A_194 = arith.constant 0 : i32
    %dma_start3A_195 = tpu.memref_slice %arg6[%dma_start3A_186, %dma_start3A_193, %dma_start3A_194] : memref<16x8x50xi32, #tpu.memory_space<vmem>> -> memref<1x8x50xi32, #tpu.memory_space<vmem>>
    %dma_start3A_196 = tpu.memref_squeeze %dma_start3A_195 : memref<1x8x50xi32, #tpu.memory_space<vmem>> -> memref<8x50xi32, #tpu.memory_space<vmem>>
    %dma_start3A_197 = arith.constant 0 : i32
    %dma_start3A_198 = tpu.memref_slice %arg3[%multiple_of3A_185, %dma_start3A_197] : memref<100000x50xi32, #tpu.memory_space<hbm>> -> memref<8x50xi32, #tpu.memory_space<hbm>>
    tpu.enqueue_dma source(%dma_start3A_198 : memref<8x50xi32, #tpu.memory_space<hbm>>) target(%dma_start3A_196 : memref<8x50xi32, #tpu.memory_space<vmem>>) target_semaphore(%arg17 : memref<!tpu.dma_semaphore, #tpu.memory_space<semaphore_mem>>)
    %slice3A_199 = vector.extract_strided_slice %get3A_3 {offsets = [10], sizes = [1], strides = [1]} : vector<16xi32> to vector<1xi32>
    %squeeze3A_200 = vector.extract %slice3A_199[0] : i32 from vector<1xi32>
    %shift_right_arithmetic3A_201 = arith.constant 3 : i32
    %shift_right_arithmetic3A_202 = arith.shrsi %squeeze3A_200, %shift_right_arithmetic3A_201 : i32
    %mul3A_203 = arith.constant 8 : i32
    %mul3A_204 = arith.muli %shift_right_arithmetic3A_202, %mul3A_203 : i32
    %multiple_of3A_205 = tpu.assume_multiple %mul3A_204, 8 : i32
    %dma_start3A_206 = arith.constant 10 : i32
    %dma_start3A_207 = arith.constant 0 : i32
    %dma_start3A_208 = arith.constant 0 : i32
    %dma_start3A_209 = tpu.memref_slice %arg6[%dma_start3A_206, %dma_start3A_207, %dma_start3A_208] : memref<16x8x50xi32, #tpu.memory_space<vmem>> -> memref<1x8x50xi32, #tpu.memory_space<vmem>>
    %dma_start3A_210 = tpu.memref_squeeze %dma_start3A_209 : memref<1x8x50xi32, #tpu.memory_space<vmem>> -> memref<8x50xi32, #tpu.memory_space<vmem>>
    %dma_start3A_211 = arith.constant 0 : i32
    %dma_start3A_212 = tpu.memref_slice %arg3[%multiple_of3A_205, %dma_start3A_211] : memref<100000x50xi32, #tpu.memory_space<hbm>> -> memref<8x50xi32, #tpu.memory_space<hbm>>
    %dma_start3A_213 = arith.constant 0 : i32
    %dma_start3A_214 = arith.constant 0 : i32
    %dma_start3A_215 = tpu.memref_slice %arg6[%dma_start3A_206, %dma_start3A_213, %dma_start3A_214] : memref<16x8x50xi32, #tpu.memory_space<vmem>> -> memref<1x8x50xi32, #tpu.memory_space<vmem>>
    %dma_start3A_216 = tpu.memref_squeeze %dma_start3A_215 : memref<1x8x50xi32, #tpu.memory_space<vmem>> -> memref<8x50xi32, #tpu.memory_space<vmem>>
    %dma_start3A_217 = arith.constant 0 : i32
    %dma_start3A_218 = tpu.memref_slice %arg3[%multiple_of3A_205, %dma_start3A_217] : memref<100000x50xi32, #tpu.memory_space<hbm>> -> memref<8x50xi32, #tpu.memory_space<hbm>>
    tpu.enqueue_dma source(%dma_start3A_218 : memref<8x50xi32, #tpu.memory_space<hbm>>) target(%dma_start3A_216 : memref<8x50xi32, #tpu.memory_space<vmem>>) target_semaphore(%arg18 : memref<!tpu.dma_semaphore, #tpu.memory_space<semaphore_mem>>)
    %slice3A_219 = vector.extract_strided_slice %get3A_3 {offsets = [11], sizes = [1], strides = [1]} : vector<16xi32> to vector<1xi32>
    %squeeze3A_220 = vector.extract %slice3A_219[0] : i32 from vector<1xi32>
    %shift_right_arithmetic3A_221 = arith.constant 3 : i32
    %shift_right_arithmetic3A_222 = arith.shrsi %squeeze3A_220, %shift_right_arithmetic3A_221 : i32
    %mul3A_223 = arith.constant 8 : i32
    %mul3A_224 = arith.muli %shift_right_arithmetic3A_222, %mul3A_223 : i32
    %multiple_of3A_225 = tpu.assume_multiple %mul3A_224, 8 : i32
    %dma_start3A_226 = arith.constant 11 : i32
    %dma_start3A_227 = arith.constant 0 : i32
    %dma_start3A_228 = arith.constant 0 : i32
    %dma_start3A_229 = tpu.memref_slice %arg6[%dma_start3A_226, %dma_start3A_227, %dma_start3A_228] : memref<16x8x50xi32, #tpu.memory_space<vmem>> -> memref<1x8x50xi32, #tpu.memory_space<vmem>>
    %dma_start3A_230 = tpu.memref_squeeze %dma_start3A_229 : memref<1x8x50xi32, #tpu.memory_space<vmem>> -> memref<8x50xi32, #tpu.memory_space<vmem>>
    %dma_start3A_231 = arith.constant 0 : i32
    %dma_start3A_232 = tpu.memref_slice %arg3[%multiple_of3A_225, %dma_start3A_231] : memref<100000x50xi32, #tpu.memory_space<hbm>> -> memref<8x50xi32, #tpu.memory_space<hbm>>
    %dma_start3A_233 = arith.constant 0 : i32
    %dma_start3A_234 = arith.constant 0 : i32
    %dma_start3A_235 = tpu.memref_slice %arg6[%dma_start3A_226, %dma_start3A_233, %dma_start3A_234] : memref<16x8x50xi32, #tpu.memory_space<vmem>> -> memref<1x8x50xi32, #tpu.memory_space<vmem>>
    %dma_start3A_236 = tpu.memref_squeeze %dma_start3A_235 : memref<1x8x50xi32, #tpu.memory_space<vmem>> -> memref<8x50xi32, #tpu.memory_space<vmem>>
    %dma_start3A_237 = arith.constant 0 : i32
    %dma_start3A_238 = tpu.memref_slice %arg3[%multiple_of3A_225, %dma_start3A_237] : memref<100000x50xi32, #tpu.memory_space<hbm>> -> memref<8x50xi32, #tpu.memory_space<hbm>>
    tpu.enqueue_dma source(%dma_start3A_238 : memref<8x50xi32, #tpu.memory_space<hbm>>) target(%dma_start3A_236 : memref<8x50xi32, #tpu.memory_space<vmem>>) target_semaphore(%arg19 : memref<!tpu.dma_semaphore, #tpu.memory_space<semaphore_mem>>)
    %slice3A_239 = vector.extract_strided_slice %get3A_3 {offsets = [12], sizes = [1], strides = [1]} : vector<16xi32> to vector<1xi32>
    %squeeze3A_240 = vector.extract %slice3A_239[0] : i32 from vector<1xi32>
    %shift_right_arithmetic3A_241 = arith.constant 3 : i32
    %shift_right_arithmetic3A_242 = arith.shrsi %squeeze3A_240, %shift_right_arithmetic3A_241 : i32
    %mul3A_243 = arith.constant 8 : i32
    %mul3A_244 = arith.muli %shift_right_arithmetic3A_242, %mul3A_243 : i32
    %multiple_of3A_245 = tpu.assume_multiple %mul3A_244, 8 : i32
    %dma_start3A_246 = arith.constant 12 : i32
    %dma_start3A_247 = arith.constant 0 : i32
    %dma_start3A_248 = arith.constant 0 : i32
    %dma_start3A_249 = tpu.memref_slice %arg6[%dma_start3A_246, %dma_start3A_247, %dma_start3A_248] : memref<16x8x50xi32, #tpu.memory_space<vmem>> -> memref<1x8x50xi32, #tpu.memory_space<vmem>>
    %dma_start3A_250 = tpu.memref_squeeze %dma_start3A_249 : memref<1x8x50xi32, #tpu.memory_space<vmem>> -> memref<8x50xi32, #tpu.memory_space<vmem>>
    %dma_start3A_251 = arith.constant 0 : i32
    %dma_start3A_252 = tpu.memref_slice %arg3[%multiple_of3A_245, %dma_start3A_251] : memref<100000x50xi32, #tpu.memory_space<hbm>> -> memref<8x50xi32, #tpu.memory_space<hbm>>
    %dma_start3A_253 = arith.constant 0 : i32
    %dma_start3A_254 = arith.constant 0 : i32
    %dma_start3A_255 = tpu.memref_slice %arg6[%dma_start3A_246, %dma_start3A_253, %dma_start3A_254] : memref<16x8x50xi32, #tpu.memory_space<vmem>> -> memref<1x8x50xi32, #tpu.memory_space<vmem>>
    %dma_start3A_256 = tpu.memref_squeeze %dma_start3A_255 : memref<1x8x50xi32, #tpu.memory_space<vmem>> -> memref<8x50xi32, #tpu.memory_space<vmem>>
    %dma_start3A_257 = arith.constant 0 : i32
    %dma_start3A_258 = tpu.memref_slice %arg3[%multiple_of3A_245, %dma_start3A_257] : memref<100000x50xi32, #tpu.memory_space<hbm>> -> memref<8x50xi32, #tpu.memory_space<hbm>>
    tpu.enqueue_dma source(%dma_start3A_258 : memref<8x50xi32, #tpu.memory_space<hbm>>) target(%dma_start3A_256 : memref<8x50xi32, #tpu.memory_space<vmem>>) target_semaphore(%arg20 : memref<!tpu.dma_semaphore, #tpu.memory_space<semaphore_mem>>)
    %slice3A_259 = vector.extract_strided_slice %get3A_3 {offsets = [13], sizes = [1], strides = [1]} : vector<16xi32> to vector<1xi32>
    %squeeze3A_260 = vector.extract %slice3A_259[0] : i32 from vector<1xi32>
    %shift_right_arithmetic3A_261 = arith.constant 3 : i32
    %shift_right_arithmetic3A_262 = arith.shrsi %squeeze3A_260, %shift_right_arithmetic3A_261 : i32
    %mul3A_263 = arith.constant 8 : i32
    %mul3A_264 = arith.muli %shift_right_arithmetic3A_262, %mul3A_263 : i32
    %multiple_of3A_265 = tpu.assume_multiple %mul3A_264, 8 : i32
    %dma_start3A_266 = arith.constant 13 : i32
    %dma_start3A_267 = arith.constant 0 : i32
    %dma_start3A_268 = arith.constant 0 : i32
    %dma_start3A_269 = tpu.memref_slice %arg6[%dma_start3A_266, %dma_start3A_267, %dma_start3A_268] : memref<16x8x50xi32, #tpu.memory_space<vmem>> -> memref<1x8x50xi32, #tpu.memory_space<vmem>>
    %dma_start3A_270 = tpu.memref_squeeze %dma_start3A_269 : memref<1x8x50xi32, #tpu.memory_space<vmem>> -> memref<8x50xi32, #tpu.memory_space<vmem>>
    %dma_start3A_271 = arith.constant 0 : i32
    %dma_start3A_272 = tpu.memref_slice %arg3[%multiple_of3A_265, %dma_start3A_271] : memref<100000x50xi32, #tpu.memory_space<hbm>> -> memref<8x50xi32, #tpu.memory_space<hbm>>
    %dma_start3A_273 = arith.constant 0 : i32
    %dma_start3A_274 = arith.constant 0 : i32
    %dma_start3A_275 = tpu.memref_slice %arg6[%dma_start3A_266, %dma_start3A_273, %dma_start3A_274] : memref<16x8x50xi32, #tpu.memory_space<vmem>> -> memref<1x8x50xi32, #tpu.memory_space<vmem>>
    %dma_start3A_276 = tpu.memref_squeeze %dma_start3A_275 : memref<1x8x50xi32, #tpu.memory_space<vmem>> -> memref<8x50xi32, #tpu.memory_space<vmem>>
    %dma_start3A_277 = arith.constant 0 : i32
    %dma_start3A_278 = tpu.memref_slice %arg3[%multiple_of3A_265, %dma_start3A_277] : memref<100000x50xi32, #tpu.memory_space<hbm>> -> memref<8x50xi32, #tpu.memory_space<hbm>>
    tpu.enqueue_dma source(%dma_start3A_278 : memref<8x50xi32, #tpu.memory_space<hbm>>) target(%dma_start3A_276 : memref<8x50xi32, #tpu.memory_space<vmem>>) target_semaphore(%arg21 : memref<!tpu.dma_semaphore, #tpu.memory_space<semaphore_mem>>)
    %slice3A_279 = vector.extract_strided_slice %get3A_3 {offsets = [14], sizes = [1], strides = [1]} : vector<16xi32> to vector<1xi32>
    %squeeze3A_280 = vector.extract %slice3A_279[0] : i32 from vector<1xi32>
    %shift_right_arithmetic3A_281 = arith.constant 3 : i32
    %shift_right_arithmetic3A_282 = arith.shrsi %squeeze3A_280, %shift_right_arithmetic3A_281 : i32
    %mul3A_283 = arith.constant 8 : i32
    %mul3A_284 = arith.muli %shift_right_arithmetic3A_282, %mul3A_283 : i32
    %multiple_of3A_285 = tpu.assume_multiple %mul3A_284, 8 : i32
    %dma_start3A_286 = arith.constant 14 : i32
    %dma_start3A_287 = arith.constant 0 : i32
    %dma_start3A_288 = arith.constant 0 : i32
    %dma_start3A_289 = tpu.memref_slice %arg6[%dma_start3A_286, %dma_start3A_287, %dma_start3A_288] : memref<16x8x50xi32, #tpu.memory_space<vmem>> -> memref<1x8x50xi32, #tpu.memory_space<vmem>>
    %dma_start3A_290 = tpu.memref_squeeze %dma_start3A_289 : memref<1x8x50xi32, #tpu.memory_space<vmem>> -> memref<8x50xi32, #tpu.memory_space<vmem>>
    %dma_start3A_291 = arith.constant 0 : i32
    %dma_start3A_292 = tpu.memref_slice %arg3[%multiple_of3A_285, %dma_start3A_291] : memref<100000x50xi32, #tpu.memory_space<hbm>> -> memref<8x50xi32, #tpu.memory_space<hbm>>
    %dma_start3A_293 = arith.constant 0 : i32
    %dma_start3A_294 = arith.constant 0 : i32
    %dma_start3A_295 = tpu.memref_slice %arg6[%dma_start3A_286, %dma_start3A_293, %dma_start3A_294] : memref<16x8x50xi32, #tpu.memory_space<vmem>> -> memref<1x8x50xi32, #tpu.memory_space<vmem>>
    %dma_start3A_296 = tpu.memref_squeeze %dma_start3A_295 : memref<1x8x50xi32, #tpu.memory_space<vmem>> -> memref<8x50xi32, #tpu.memory_space<vmem>>
    %dma_start3A_297 = arith.constant 0 : i32
    %dma_start3A_298 = tpu.memref_slice %arg3[%multiple_of3A_285, %dma_start3A_297] : memref<100000x50xi32, #tpu.memory_space<hbm>> -> memref<8x50xi32, #tpu.memory_space<hbm>>
    tpu.enqueue_dma source(%dma_start3A_298 : memref<8x50xi32, #tpu.memory_space<hbm>>) target(%dma_start3A_296 : memref<8x50xi32, #tpu.memory_space<vmem>>) target_semaphore(%arg22 : memref<!tpu.dma_semaphore, #tpu.memory_space<semaphore_mem>>)
    %slice3A_299 = vector.extract_strided_slice %get3A_3 {offsets = [15], sizes = [1], strides = [1]} : vector<16xi32> to vector<1xi32>
    %squeeze3A_300 = vector.extract %slice3A_299[0] : i32 from vector<1xi32>
    %shift_right_arithmetic3A_301 = arith.constant 3 : i32
    %shift_right_arithmetic3A_302 = arith.shrsi %squeeze3A_300, %shift_right_arithmetic3A_301 : i32
    %mul3A_303 = arith.constant 8 : i32
    %mul3A_304 = arith.muli %shift_right_arithmetic3A_302, %mul3A_303 : i32
    %multiple_of3A_305 = tpu.assume_multiple %mul3A_304, 8 : i32
    %dma_start3A_306 = arith.constant 15 : i32
    %dma_start3A_307 = arith.constant 0 : i32
    %dma_start3A_308 = arith.constant 0 : i32
    %dma_start3A_309 = tpu.memref_slice %arg6[%dma_start3A_306, %dma_start3A_307, %dma_start3A_308] : memref<16x8x50xi32, #tpu.memory_space<vmem>> -> memref<1x8x50xi32, #tpu.memory_space<vmem>>
    %dma_start3A_310 = tpu.memref_squeeze %dma_start3A_309 : memref<1x8x50xi32, #tpu.memory_space<vmem>> -> memref<8x50xi32, #tpu.memory_space<vmem>>
    %dma_start3A_311 = arith.constant 0 : i32
    %dma_start3A_312 = tpu.memref_slice %arg3[%multiple_of3A_305, %dma_start3A_311] : memref<100000x50xi32, #tpu.memory_space<hbm>> -> memref<8x50xi32, #tpu.memory_space<hbm>>
    %dma_start3A_313 = arith.constant 0 : i32
    %dma_start3A_314 = arith.constant 0 : i32
    %dma_start3A_315 = tpu.memref_slice %arg6[%dma_start3A_306, %dma_start3A_313, %dma_start3A_314] : memref<16x8x50xi32, #tpu.memory_space<vmem>> -> memref<1x8x50xi32, #tpu.memory_space<vmem>>
    %dma_start3A_316 = tpu.memref_squeeze %dma_start3A_315 : memref<1x8x50xi32, #tpu.memory_space<vmem>> -> memref<8x50xi32, #tpu.memory_space<vmem>>
    %dma_start3A_317 = arith.constant 0 : i32
    %dma_start3A_318 = tpu.memref_slice %arg3[%multiple_of3A_305, %dma_start3A_317] : memref<100000x50xi32, #tpu.memory_space<hbm>> -> memref<8x50xi32, #tpu.memory_space<hbm>>
    tpu.enqueue_dma source(%dma_start3A_318 : memref<8x50xi32, #tpu.memory_space<hbm>>) target(%dma_start3A_316 : memref<8x50xi32, #tpu.memory_space<vmem>>) target_semaphore(%arg23 : memref<!tpu.dma_semaphore, #tpu.memory_space<semaphore_mem>>)
    %scan3A = arith.constant 0 : i32
    %scan3A_319 = arith.constant 0 : i32
    %scan3A_320 = arith.constant 32 : i32
    %scan3A_321 = arith.addi %scan3A_319, %scan3A_320 : i32
    %scan3A_322 = arith.constant 1 : i32
    scf.for %scan3A_324 = %scan3A_319 to %scan3A_321 step %scan3A_322  : i32 {
      %mul3A_325 = arith.constant 16 : i32
      %mul3A_326 = arith.muli %scan3A_324, %mul3A_325 : i32
      %get3A_327 = arith.index_cast %mul3A_326 : i32 to index
      %get3A_328 = tpu.vector_load %arg5[%get3A_327] {strides = array<i32>} : memref<512xi32, #tpu.memory_space<vmem>>, vector<16xi32>,
      %add3A_329 = arith.constant 1 : i32
      %add3A_330 = arith.addi %scan3A_324, %add3A_329 : i32
      %min3A = arith.constant 31 : i32
      %min3A_331 = arith.minsi %add3A_330, %min3A : i32
      %mul3A_332 = arith.constant 16 : i32
      %mul3A_333 = arith.muli %min3A_331, %mul3A_332 : i32
      %get3A_334 = arith.index_cast %mul3A_333 : i32 to index
      %get3A_335 = tpu.vector_load %arg5[%get3A_334] {strides = array<i32>} : memref<512xi32, #tpu.memory_space<vmem>>, vector<16xi32>,
      %mul3A_336 = arith.constant 16 : i32
      %mul3A_337 = arith.muli %scan3A_324, %mul3A_336 : i32
      %add3A_338 = arith.constant 0 : i32
      %add3A_339 = arith.addi %mul3A_337, %add3A_338 : i32
      %dma_wait3A = arith.constant 0 : i32
      %dma_wait3A_340 = arith.constant 0 : i32
      %dma_wait3A_341 = arith.constant 0 : i32
      %dma_wait3A_342 = tpu.memref_slice %arg6[%dma_wait3A, %dma_wait3A_340, %dma_wait3A_341] : memref<16x8x50xi32, #tpu.memory_space<vmem>> -> memref<1x8x50xi32, #tpu.memory_space<vmem>>
      %dma_wait3A_343 = tpu.memref_squeeze %dma_wait3A_342 : memref<1x8x50xi32, #tpu.memory_space<vmem>> -> memref<8x50xi32, #tpu.memory_space<vmem>>
      %dma_wait3A_344 = arith.constant 0 : i32
      %dma_wait3A_345 = arith.constant 0 : i32
      %dma_wait3A_346 = tpu.memref_slice %arg3[%dma_wait3A_344, %dma_wait3A_345] : memref<100000x50xi32, #tpu.memory_space<hbm>> -> memref<8x50xi32, #tpu.memory_space<hbm>>
      %dma_wait3A_347 = arith.constant 0 : i32
      %dma_wait3A_348 = arith.constant 0 : i32
      %dma_wait3A_349 = tpu.memref_slice %arg6[%dma_wait3A, %dma_wait3A_347, %dma_wait3A_348] : memref<16x8x50xi32, #tpu.memory_space<vmem>> -> memref<1x8x50xi32, #tpu.memory_space<vmem>>
      %dma_wait3A_350 = tpu.memref_squeeze %dma_wait3A_349 : memref<1x8x50xi32, #tpu.memory_space<vmem>> -> memref<8x50xi32, #tpu.memory_space<vmem>>
      %dma_wait3A_351 = arith.constant 0 : i32
      %dma_wait3A_352 = arith.constant 0 : i32
      %dma_wait3A_353 = tpu.memref_slice %arg3[%dma_wait3A_351, %dma_wait3A_352] : memref<100000x50xi32, #tpu.memory_space<hbm>> -> memref<8x50xi32, #tpu.memory_space<hbm>>
      tpu.wait_dma2 semaphore(%arg8 : memref<!tpu.dma_semaphore, #tpu.memory_space<semaphore_mem>>) src(%dma_wait3A_353 : memref<8x50xi32, #tpu.memory_space<hbm>>) dst(%dma_wait3A_350 : memref<8x50xi32, #tpu.memory_space<vmem>>)
      %slice3A_354 = vector.extract_strided_slice %get3A_328 {offsets = [0], sizes = [1], strides = [1]} : vector<16xi32> to vector<1xi32>
      %squeeze3A_355 = vector.extract %slice3A_354[0] : i32 from vector<1xi32>
      %and3A = arith.constant 7 : i32
      %and3A_356 = arith.andi %squeeze3A_355, %and3A : i32
      %get3A_357 = arith.constant 0 : i32
      %get3A_358 = arith.index_cast %get3A_357 : i32 to index
      %get3A_359 = arith.index_cast %and3A_356 : i32 to index
      %get3A_360 = arith.constant 0 : index
      %get3A_361 = tpu.vector_load %arg6[%get3A_358, %get3A_359, %get3A_360] {strides = array<i32>} : memref<16x8x50xi32, #tpu.memory_space<vmem>>, vector<16xi32>,
      %swap3A = arith.index_cast %add3A_339 : i32 to index
      %swap3A_362 = arith.constant 0 : index
      %swap3A_363 = tpu.vector_load %arg7[%swap3A, %swap3A_362] {strides = array<i32>} : memref<512x50xi32, #tpu.memory_space<vmem>>, vector<16xi32>,
      tpu.vector_store %arg7[%swap3A, %swap3A_362], %get3A_361 {strides = array<i32>} : memref<512x50xi32, #tpu.memory_space<vmem>>, vector<16xi32>,
      %get3A_364 = arith.constant 0 : i32
      %get3A_365 = arith.index_cast %get3A_364 : i32 to index
      %get3A_366 = arith.index_cast %and3A_356 : i32 to index
      %get3A_367 = arith.constant 16 : index
      %get3A_368 = tpu.vector_load %arg6[%get3A_365, %get3A_366, %get3A_367] {strides = array<i32>} : memref<16x8x50xi32, #tpu.memory_space<vmem>>, vector<16xi32>,
      %swap3A_369 = arith.index_cast %add3A_339 : i32 to index
      %swap3A_370 = arith.constant 16 : index
      %swap3A_371 = tpu.vector_load %arg7[%swap3A_369, %swap3A_370] {strides = array<i32>} : memref<512x50xi32, #tpu.memory_space<vmem>>, vector<16xi32>,
      tpu.vector_store %arg7[%swap3A_369, %swap3A_370], %get3A_368 {strides = array<i32>} : memref<512x50xi32, #tpu.memory_space<vmem>>, vector<16xi32>,
      %get3A_372 = arith.constant 0 : i32
      %get3A_373 = arith.index_cast %get3A_372 : i32 to index
      %get3A_374 = arith.index_cast %and3A_356 : i32 to index
      %get3A_375 = arith.constant 32 : index
      %get3A_376 = tpu.vector_load %arg6[%get3A_373, %get3A_374, %get3A_375] {strides = array<i32>} : memref<16x8x50xi32, #tpu.memory_space<vmem>>, vector<16xi32>,
      %swap3A_377 = arith.index_cast %add3A_339 : i32 to index
      %swap3A_378 = arith.constant 32 : index
      %swap3A_379 = tpu.vector_load %arg7[%swap3A_377, %swap3A_378] {strides = array<i32>} : memref<512x50xi32, #tpu.memory_space<vmem>>, vector<16xi32>,
      tpu.vector_store %arg7[%swap3A_377, %swap3A_378], %get3A_376 {strides = array<i32>} : memref<512x50xi32, #tpu.memory_space<vmem>>, vector<16xi32>,
      %mul3A_380 = arith.constant 0 : i32
      %mul3A_381 = vector.broadcast %mul3A_380 : i32 to vector<16xi32>
      %mul3A_382 = arith.muli %iota3A, %mul3A_381 : vector<16xi32>
      %add3A_383 = arith.constant 0 : i32
      %add3A_384 = vector.broadcast %add3A_383 : i32 to vector<16xi32>
      %add3A_385 = arith.addi %mul3A_382, %add3A_384 : vector<16xi32>
      %mul3A_386 = arith.constant 0 : i32
      %mul3A_387 = vector.broadcast %mul3A_386 : i32 to vector<16xi32>
      %mul3A_388 = arith.muli %iota3A, %mul3A_387 : vector<16xi32>
      %add3A_389 = vector.broadcast %and3A_356 : i32 to vector<16xi32>
      %add3A_390 = arith.addi %mul3A_388, %add3A_389 : vector<16xi32>
      %add3A_391 = arith.constant 34 : i32
      %add3A_392 = vector.broadcast %add3A_391 : i32 to vector<16xi32>
      %add3A_393 = arith.addi %iota3A, %add3A_392 : vector<16xi32>
      %gather3A = tpu.vector_load_idx %arg6[%add3A_385, %add3A_390, %add3A_393] : memref<16x8x50xi32, #tpu.memory_space<vmem>>[vector<16xi32>, vector<16xi32>, vector<16xi32>], vector<16xi32>,
      %swap3A_394 = arith.index_cast %add3A_339 : i32 to index
      %swap3A_395 = arith.constant 34 : index
      %swap3A_396 = tpu.vector_load %arg7[%swap3A_394, %swap3A_395] {strides = array<i32>} : memref<512x50xi32, #tpu.memory_space<vmem>>, vector<16xi32>,
      tpu.vector_store %arg7[%swap3A_394, %swap3A_395], %gather3A {strides = array<i32>} : memref<512x50xi32, #tpu.memory_space<vmem>>, vector<16xi32>,
      %mul3A_397 = arith.constant 16 : i32
      %mul3A_398 = arith.muli %scan3A_324, %mul3A_397 : i32
      %add3A_399 = arith.constant 1 : i32
      %add3A_400 = arith.addi %mul3A_398, %add3A_399 : i32
      %dma_wait3A_401 = arith.constant 1 : i32
      %dma_wait3A_402 = arith.constant 0 : i32
      %dma_wait3A_403 = arith.constant 0 : i32
      %dma_wait3A_404 = tpu.memref_slice %arg6[%dma_wait3A_401, %dma_wait3A_402, %dma_wait3A_403] : memref<16x8x50xi32, #tpu.memory_space<vmem>> -> memref<1x8x50xi32, #tpu.memory_space<vmem>>
      %dma_wait3A_405 = tpu.memref_squeeze %dma_wait3A_404 : memref<1x8x50xi32, #tpu.memory_space<vmem>> -> memref<8x50xi32, #tpu.memory_space<vmem>>
      %dma_wait3A_406 = arith.constant 0 : i32
      %dma_wait3A_407 = arith.constant 0 : i32
      %dma_wait3A_408 = tpu.memref_slice %arg3[%dma_wait3A_406, %dma_wait3A_407] : memref<100000x50xi32, #tpu.memory_space<hbm>> -> memref<8x50xi32, #tpu.memory_space<hbm>>
      %dma_wait3A_409 = arith.constant 0 : i32
      %dma_wait3A_410 = arith.constant 0 : i32
      %dma_wait3A_411 = tpu.memref_slice %arg6[%dma_wait3A_401, %dma_wait3A_409, %dma_wait3A_410] : memref<16x8x50xi32, #tpu.memory_space<vmem>> -> memref<1x8x50xi32, #tpu.memory_space<vmem>>
      %dma_wait3A_412 = tpu.memref_squeeze %dma_wait3A_411 : memref<1x8x50xi32, #tpu.memory_space<vmem>> -> memref<8x50xi32, #tpu.memory_space<vmem>>
      %dma_wait3A_413 = arith.constant 0 : i32
      %dma_wait3A_414 = arith.constant 0 : i32
      %dma_wait3A_415 = tpu.memref_slice %arg3[%dma_wait3A_413, %dma_wait3A_414] : memref<100000x50xi32, #tpu.memory_space<hbm>> -> memref<8x50xi32, #tpu.memory_space<hbm>>
      tpu.wait_dma2 semaphore(%arg9 : memref<!tpu.dma_semaphore, #tpu.memory_space<semaphore_mem>>) src(%dma_wait3A_415 : memref<8x50xi32, #tpu.memory_space<hbm>>) dst(%dma_wait3A_412 : memref<8x50xi32, #tpu.memory_space<vmem>>)
      %slice3A_416 = vector.extract_strided_slice %get3A_328 {offsets = [1], sizes = [1], strides = [1]} : vector<16xi32> to vector<1xi32>
      %squeeze3A_417 = vector.extract %slice3A_416[0] : i32 from vector<1xi32>
      %and3A_418 = arith.constant 7 : i32
      %and3A_419 = arith.andi %squeeze3A_417, %and3A_418 : i32
      %get3A_420 = arith.constant 1 : i32
      %get3A_421 = arith.index_cast %get3A_420 : i32 to index
      %get3A_422 = arith.index_cast %and3A_419 : i32 to index
      %get3A_423 = arith.constant 0 : index
      %get3A_424 = tpu.vector_load %arg6[%get3A_421, %get3A_422, %get3A_423] {strides = array<i32>} : memref<16x8x50xi32, #tpu.memory_space<vmem>>, vector<16xi32>,
      %swap3A_425 = arith.index_cast %add3A_400 : i32 to index
      %swap3A_426 = arith.constant 0 : index
      %swap3A_427 = tpu.vector_load %arg7[%swap3A_425, %swap3A_426] {strides = array<i32>} : memref<512x50xi32, #tpu.memory_space<vmem>>, vector<16xi32>,
      tpu.vector_store %arg7[%swap3A_425, %swap3A_426], %get3A_424 {strides = array<i32>} : memref<512x50xi32, #tpu.memory_space<vmem>>, vector<16xi32>,
      %get3A_428 = arith.constant 1 : i32
      %get3A_429 = arith.index_cast %get3A_428 : i32 to index
      %get3A_430 = arith.index_cast %and3A_419 : i32 to index
      %get3A_431 = arith.constant 16 : index
      %get3A_432 = tpu.vector_load %arg6[%get3A_429, %get3A_430, %get3A_431] {strides = array<i32>} : memref<16x8x50xi32, #tpu.memory_space<vmem>>, vector<16xi32>,
      %swap3A_433 = arith.index_cast %add3A_400 : i32 to index
      %swap3A_434 = arith.constant 16 : index
      %swap3A_435 = tpu.vector_load %arg7[%swap3A_433, %swap3A_434] {strides = array<i32>} : memref<512x50xi32, #tpu.memory_space<vmem>>, vector<16xi32>,
      tpu.vector_store %arg7[%swap3A_433, %swap3A_434], %get3A_432 {strides = array<i32>} : memref<512x50xi32, #tpu.memory_space<vmem>>, vector<16xi32>,
      %get3A_436 = arith.constant 1 : i32
      %get3A_437 = arith.index_cast %get3A_436 : i32 to index
      %get3A_438 = arith.index_cast %and3A_419 : i32 to index
      %get3A_439 = arith.constant 32 : index
      %get3A_440 = tpu.vector_load %arg6[%get3A_437, %get3A_438, %get3A_439] {strides = array<i32>} : memref<16x8x50xi32, #tpu.memory_space<vmem>>, vector<16xi32>,
      %swap3A_441 = arith.index_cast %add3A_400 : i32 to index
      %swap3A_442 = arith.constant 32 : index
      %swap3A_443 = tpu.vector_load %arg7[%swap3A_441, %swap3A_442] {strides = array<i32>} : memref<512x50xi32, #tpu.memory_space<vmem>>, vector<16xi32>,
      tpu.vector_store %arg7[%swap3A_441, %swap3A_442], %get3A_440 {strides = array<i32>} : memref<512x50xi32, #tpu.memory_space<vmem>>, vector<16xi32>,
      %mul3A_444 = arith.constant 0 : i32
      %mul3A_445 = vector.broadcast %mul3A_444 : i32 to vector<16xi32>
      %mul3A_446 = arith.muli %iota3A, %mul3A_445 : vector<16xi32>
      %add3A_447 = arith.constant 1 : i32
      %add3A_448 = vector.broadcast %add3A_447 : i32 to vector<16xi32>
      %add3A_449 = arith.addi %mul3A_446, %add3A_448 : vector<16xi32>
      %mul3A_450 = arith.constant 0 : i32
      %mul3A_451 = vector.broadcast %mul3A_450 : i32 to vector<16xi32>
      %mul3A_452 = arith.muli %iota3A, %mul3A_451 : vector<16xi32>
      %add3A_453 = vector.broadcast %and3A_419 : i32 to vector<16xi32>
      %add3A_454 = arith.addi %mul3A_452, %add3A_453 : vector<16xi32>
      %add3A_455 = arith.constant 34 : i32
      %add3A_456 = vector.broadcast %add3A_455 : i32 to vector<16xi32>
      %add3A_457 = arith.addi %iota3A, %add3A_456 : vector<16xi32>
      %gather3A_458 = tpu.vector_load_idx %arg6[%add3A_449, %add3A_454, %add3A_457] : memref<16x8x50xi32, #tpu.memory_space<vmem>>[vector<16xi32>, vector<16xi32>, vector<16xi32>], vector<16xi32>,
      %swap3A_459 = arith.index_cast %add3A_400 : i32 to index
      %swap3A_460 = arith.constant 34 : index
      %swap3A_461 = tpu.vector_load %arg7[%swap3A_459, %swap3A_460] {strides = array<i32>} : memref<512x50xi32, #tpu.memory_space<vmem>>, vector<16xi32>,
      tpu.vector_store %arg7[%swap3A_459, %swap3A_460], %gather3A_458 {strides = array<i32>} : memref<512x50xi32, #tpu.memory_space<vmem>>, vector<16xi32>,
      %mul3A_462 = arith.constant 16 : i32
      %mul3A_463 = arith.muli %scan3A_324, %mul3A_462 : i32
      %add3A_464 = arith.constant 2 : i32
      %add3A_465 = arith.addi %mul3A_463, %add3A_464 : i32
      %dma_wait3A_466 = arith.constant 2 : i32
      %dma_wait3A_467 = arith.constant 0 : i32
      %dma_wait3A_468 = arith.constant 0 : i32
      %dma_wait3A_469 = tpu.memref_slice %arg6[%dma_wait3A_466, %dma_wait3A_467, %dma_wait3A_468] : memref<16x8x50xi32, #tpu.memory_space<vmem>> -> memref<1x8x50xi32, #tpu.memory_space<vmem>>
      %dma_wait3A_470 = tpu.memref_squeeze %dma_wait3A_469 : memref<1x8x50xi32, #tpu.memory_space<vmem>> -> memref<8x50xi32, #tpu.memory_space<vmem>>
      %dma_wait3A_471 = arith.constant 0 : i32
      %dma_wait3A_472 = arith.constant 0 : i32
      %dma_wait3A_473 = tpu.memref_slice %arg3[%dma_wait3A_471, %dma_wait3A_472] : memref<100000x50xi32, #tpu.memory_space<hbm>> -> memref<8x50xi32, #tpu.memory_space<hbm>>
      %dma_wait3A_474 = arith.constant 0 : i32
      %dma_wait3A_475 = arith.constant 0 : i32
      %dma_wait3A_476 = tpu.memref_slice %arg6[%dma_wait3A_466, %dma_wait3A_474, %dma_wait3A_475] : memref<16x8x50xi32, #tpu.memory_space<vmem>> -> memref<1x8x50xi32, #tpu.memory_space<vmem>>
      %dma_wait3A_477 = tpu.memref_squeeze %dma_wait3A_476 : memref<1x8x50xi32, #tpu.memory_space<vmem>> -> memref<8x50xi32, #tpu.memory_space<vmem>>
      %dma_wait3A_478 = arith.constant 0 : i32
      %dma_wait3A_479 = arith.constant 0 : i32
      %dma_wait3A_480 = tpu.memref_slice %arg3[%dma_wait3A_478, %dma_wait3A_479] : memref<100000x50xi32, #tpu.memory_space<hbm>> -> memref<8x50xi32, #tpu.memory_space<hbm>>
      tpu.wait_dma2 semaphore(%arg10 : memref<!tpu.dma_semaphore, #tpu.memory_space<semaphore_mem>>) src(%dma_wait3A_480 : memref<8x50xi32, #tpu.memory_space<hbm>>) dst(%dma_wait3A_477 : memref<8x50xi32, #tpu.memory_space<vmem>>)
      %slice3A_481 = vector.extract_strided_slice %get3A_328 {offsets = [2], sizes = [1], strides = [1]} : vector<16xi32> to vector<1xi32>
      %squeeze3A_482 = vector.extract %slice3A_481[0] : i32 from vector<1xi32>
      %and3A_483 = arith.constant 7 : i32
      %and3A_484 = arith.andi %squeeze3A_482, %and3A_483 : i32
      %get3A_485 = arith.constant 2 : i32
      %get3A_486 = arith.index_cast %get3A_485 : i32 to index
      %get3A_487 = arith.index_cast %and3A_484 : i32 to index
      %get3A_488 = arith.constant 0 : index
      %get3A_489 = tpu.vector_load %arg6[%get3A_486, %get3A_487, %get3A_488] {strides = array<i32>} : memref<16x8x50xi32, #tpu.memory_space<vmem>>, vector<16xi32>,
      %swap3A_490 = arith.index_cast %add3A_465 : i32 to index
      %swap3A_491 = arith.constant 0 : index
      %swap3A_492 = tpu.vector_load %arg7[%swap3A_490, %swap3A_491] {strides = array<i32>} : memref<512x50xi32, #tpu.memory_space<vmem>>, vector<16xi32>,
      tpu.vector_store %arg7[%swap3A_490, %swap3A_491], %get3A_489 {strides = array<i32>} : memref<512x50xi32, #tpu.memory_space<vmem>>, vector<16xi32>,
      %get3A_493 = arith.constant 2 : i32
      %get3A_494 = arith.index_cast %get3A_493 : i32 to index
      %get3A_495 = arith.index_cast %and3A_484 : i32 to index
      %get3A_496 = arith.constant 16 : index
      %get3A_497 = tpu.vector_load %arg6[%get3A_494, %get3A_495, %get3A_496] {strides = array<i32>} : memref<16x8x50xi32, #tpu.memory_space<vmem>>, vector<16xi32>,
      %swap3A_498 = arith.index_cast %add3A_465 : i32 to index
      %swap3A_499 = arith.constant 16 : index
      %swap3A_500 = tpu.vector_load %arg7[%swap3A_498, %swap3A_499] {strides = array<i32>} : memref<512x50xi32, #tpu.memory_space<vmem>>, vector<16xi32>,
      tpu.vector_store %arg7[%swap3A_498, %swap3A_499], %get3A_497 {strides = array<i32>} : memref<512x50xi32, #tpu.memory_space<vmem>>, vector<16xi32>,
      %get3A_501 = arith.constant 2 : i32
      %get3A_502 = arith.index_cast %get3A_501 : i32 to index
      %get3A_503 = arith.index_cast %and3A_484 : i32 to index
      %get3A_504 = arith.constant 32 : index
      %get3A_505 = tpu.vector_load %arg6[%get3A_502, %get3A_503, %get3A_504] {strides = array<i32>} : memref<16x8x50xi32, #tpu.memory_space<vmem>>, vector<16xi32>,
      %swap3A_506 = arith.index_cast %add3A_465 : i32 to index
      %swap3A_507 = arith.constant 32 : index
      %swap3A_508 = tpu.vector_load %arg7[%swap3A_506, %swap3A_507] {strides = array<i32>} : memref<512x50xi32, #tpu.memory_space<vmem>>, vector<16xi32>,
      tpu.vector_store %arg7[%swap3A_506, %swap3A_507], %get3A_505 {strides = array<i32>} : memref<512x50xi32, #tpu.memory_space<vmem>>, vector<16xi32>,
      %mul3A_509 = arith.constant 0 : i32
      %mul3A_510 = vector.broadcast %mul3A_509 : i32 to vector<16xi32>
      %mul3A_511 = arith.muli %iota3A, %mul3A_510 : vector<16xi32>
      %add3A_512 = arith.constant 2 : i32
      %add3A_513 = vector.broadcast %add3A_512 : i32 to vector<16xi32>
      %add3A_514 = arith.addi %mul3A_511, %add3A_513 : vector<16xi32>
      %mul3A_515 = arith.constant 0 : i32
      %mul3A_516 = vector.broadcast %mul3A_515 : i32 to vector<16xi32>
      %mul3A_517 = arith.muli %iota3A, %mul3A_516 : vector<16xi32>
      %add3A_518 = vector.broadcast %and3A_484 : i32 to vector<16xi32>
      %add3A_519 = arith.addi %mul3A_517, %add3A_518 : vector<16xi32>
      %add3A_520 = arith.constant 34 : i32
      %add3A_521 = vector.broadcast %add3A_520 : i32 to vector<16xi32>
      %add3A_522 = arith.addi %iota3A, %add3A_521 : vector<16xi32>
      %gather3A_523 = tpu.vector_load_idx %arg6[%add3A_514, %add3A_519, %add3A_522] : memref<16x8x50xi32, #tpu.memory_space<vmem>>[vector<16xi32>, vector<16xi32>, vector<16xi32>], vector<16xi32>,
      %swap3A_524 = arith.index_cast %add3A_465 : i32 to index
      %swap3A_525 = arith.constant 34 : index
      %swap3A_526 = tpu.vector_load %arg7[%swap3A_524, %swap3A_525] {strides = array<i32>} : memref<512x50xi32, #tpu.memory_space<vmem>>, vector<16xi32>,
      tpu.vector_store %arg7[%swap3A_524, %swap3A_525], %gather3A_523 {strides = array<i32>} : memref<512x50xi32, #tpu.memory_space<vmem>>, vector<16xi32>,
      %mul3A_527 = arith.constant 16 : i32
      %mul3A_528 = arith.muli %scan3A_324, %mul3A_527 : i32
      %add3A_529 = arith.constant 3 : i32
      %add3A_530 = arith.addi %mul3A_528, %add3A_529 : i32
      %dma_wait3A_531 = arith.constant 3 : i32
      %dma_wait3A_532 = arith.constant 0 : i32
      %dma_wait3A_533 = arith.constant 0 : i32
      %dma_wait3A_534 = tpu.memref_slice %arg6[%dma_wait3A_531, %dma_wait3A_532, %dma_wait3A_533] : memref<16x8x50xi32, #tpu.memory_space<vmem>> -> memref<1x8x50xi32, #tpu.memory_space<vmem>>
      %dma_wait3A_535 = tpu.memref_squeeze %dma_wait3A_534 : memref<1x8x50xi32, #tpu.memory_space<vmem>> -> memref<8x50xi32, #tpu.memory_space<vmem>>
      %dma_wait3A_536 = arith.constant 0 : i32
      %dma_wait3A_537 = arith.constant 0 : i32
      %dma_wait3A_538 = tpu.memref_slice %arg3[%dma_wait3A_536, %dma_wait3A_537] : memref<100000x50xi32, #tpu.memory_space<hbm>> -> memref<8x50xi32, #tpu.memory_space<hbm>>
      %dma_wait3A_539 = arith.constant 0 : i32
      %dma_wait3A_540 = arith.constant 0 : i32
      %dma_wait3A_541 = tpu.memref_slice %arg6[%dma_wait3A_531, %dma_wait3A_539, %dma_wait3A_540] : memref<16x8x50xi32, #tpu.memory_space<vmem>> -> memref<1x8x50xi32, #tpu.memory_space<vmem>>
      %dma_wait3A_542 = tpu.memref_squeeze %dma_wait3A_541 : memref<1x8x50xi32, #tpu.memory_space<vmem>> -> memref<8x50xi32, #tpu.memory_space<vmem>>
      %dma_wait3A_543 = arith.constant 0 : i32
      %dma_wait3A_544 = arith.constant 0 : i32
      %dma_wait3A_545 = tpu.memref_slice %arg3[%dma_wait3A_543, %dma_wait3A_544] : memref<100000x50xi32, #tpu.memory_space<hbm>> -> memref<8x50xi32, #tpu.memory_space<hbm>>
      tpu.wait_dma2 semaphore(%arg11 : memref<!tpu.dma_semaphore, #tpu.memory_space<semaphore_mem>>) src(%dma_wait3A_545 : memref<8x50xi32, #tpu.memory_space<hbm>>) dst(%dma_wait3A_542 : memref<8x50xi32, #tpu.memory_space<vmem>>)
      %slice3A_546 = vector.extract_strided_slice %get3A_328 {offsets = [3], sizes = [1], strides = [1]} : vector<16xi32> to vector<1xi32>
      %squeeze3A_547 = vector.extract %slice3A_546[0] : i32 from vector<1xi32>
      %and3A_548 = arith.constant 7 : i32
      %and3A_549 = arith.andi %squeeze3A_547, %and3A_548 : i32
      %get3A_550 = arith.constant 3 : i32
      %get3A_551 = arith.index_cast %get3A_550 : i32 to index
      %get3A_552 = arith.index_cast %and3A_549 : i32 to index
      %get3A_553 = arith.constant 0 : index
      %get3A_554 = tpu.vector_load %arg6[%get3A_551, %get3A_552, %get3A_553] {strides = array<i32>} : memref<16x8x50xi32, #tpu.memory_space<vmem>>, vector<16xi32>,
      %swap3A_555 = arith.index_cast %add3A_530 : i32 to index
      %swap3A_556 = arith.constant 0 : index
      %swap3A_557 = tpu.vector_load %arg7[%swap3A_555, %swap3A_556] {strides = array<i32>} : memref<512x50xi32, #tpu.memory_space<vmem>>, vector<16xi32>,
      tpu.vector_store %arg7[%swap3A_555, %swap3A_556], %get3A_554 {strides = array<i32>} : memref<512x50xi32, #tpu.memory_space<vmem>>, vector<16xi32>,
      %get3A_558 = arith.constant 3 : i32
      %get3A_559 = arith.index_cast %get3A_558 : i32 to index
      %get3A_560 = arith.index_cast %and3A_549 : i32 to index
      %get3A_561 = arith.constant 16 : index
      %get3A_562 = tpu.vector_load %arg6[%get3A_559, %get3A_560, %get3A_561] {strides = array<i32>} : memref<16x8x50xi32, #tpu.memory_space<vmem>>, vector<16xi32>,
      %swap3A_563 = arith.index_cast %add3A_530 : i32 to index
      %swap3A_564 = arith.constant 16 : index
      %swap3A_565 = tpu.vector_load %arg7[%swap3A_563, %swap3A_564] {strides = array<i32>} : memref<512x50xi32, #tpu.memory_space<vmem>>, vector<16xi32>,
      tpu.vector_store %arg7[%swap3A_563, %swap3A_564], %get3A_562 {strides = array<i32>} : memref<512x50xi32, #tpu.memory_space<vmem>>, vector<16xi32>,
      %get3A_566 = arith.constant 3 : i32
      %get3A_567 = arith.index_cast %get3A_566 : i32 to index
      %get3A_568 = arith.index_cast %and3A_549 : i32 to index
      %get3A_569 = arith.constant 32 : index
      %get3A_570 = tpu.vector_load %arg6[%get3A_567, %get3A_568, %get3A_569] {strides = array<i32>} : memref<16x8x50xi32, #tpu.memory_space<vmem>>, vector<16xi32>,
      %swap3A_571 = arith.index_cast %add3A_530 : i32 to index
      %swap3A_572 = arith.constant 32 : index
      %swap3A_573 = tpu.vector_load %arg7[%swap3A_571, %swap3A_572] {strides = array<i32>} : memref<512x50xi32, #tpu.memory_space<vmem>>, vector<16xi32>,
      tpu.vector_store %arg7[%swap3A_571, %swap3A_572], %get3A_570 {strides = array<i32>} : memref<512x50xi32, #tpu.memory_space<vmem>>, vector<16xi32>,
      %mul3A_574 = arith.constant 0 : i32
      %mul3A_575 = vector.broadcast %mul3A_574 : i32 to vector<16xi32>
      %mul3A_576 = arith.muli %iota3A, %mul3A_575 : vector<16xi32>
      %add3A_577 = arith.constant 3 : i32
      %add3A_578 = vector.broadcast %add3A_577 : i32 to vector<16xi32>
      %add3A_579 = arith.addi %mul3A_576, %add3A_578 : vector<16xi32>
      %mul3A_580 = arith.constant 0 : i32
      %mul3A_581 = vector.broadcast %mul3A_580 : i32 to vector<16xi32>
      %mul3A_582 = arith.muli %iota3A, %mul3A_581 : vector<16xi32>
      %add3A_583 = vector.broadcast %and3A_549 : i32 to vector<16xi32>
      %add3A_584 = arith.addi %mul3A_582, %add3A_583 : vector<16xi32>
      %add3A_585 = arith.constant 34 : i32
      %add3A_586 = vector.broadcast %add3A_585 : i32 to vector<16xi32>
      %add3A_587 = arith.addi %iota3A, %add3A_586 : vector<16xi32>
      %gather3A_588 = tpu.vector_load_idx %arg6[%add3A_579, %add3A_584, %add3A_587] : memref<16x8x50xi32, #tpu.memory_space<vmem>>[vector<16xi32>, vector<16xi32>, vector<16xi32>], vector<16xi32>,
      %swap3A_589 = arith.index_cast %add3A_530 : i32 to index
      %swap3A_590 = arith.constant 34 : index
      %swap3A_591 = tpu.vector_load %arg7[%swap3A_589, %swap3A_590] {strides = array<i32>} : memref<512x50xi32, #tpu.memory_space<vmem>>, vector<16xi32>,
      tpu.vector_store %arg7[%swap3A_589, %swap3A_590], %gather3A_588 {strides = array<i32>} : memref<512x50xi32, #tpu.memory_space<vmem>>, vector<16xi32>,
      %mul3A_592 = arith.constant 16 : i32
      %mul3A_593 = arith.muli %scan3A_324, %mul3A_592 : i32
      %add3A_594 = arith.constant 4 : i32
      %add3A_595 = arith.addi %mul3A_593, %add3A_594 : i32
      %dma_wait3A_596 = arith.constant 4 : i32
      %dma_wait3A_597 = arith.constant 0 : i32
      %dma_wait3A_598 = arith.constant 0 : i32
      %dma_wait3A_599 = tpu.memref_slice %arg6[%dma_wait3A_596, %dma_wait3A_597, %dma_wait3A_598] : memref<16x8x50xi32, #tpu.memory_space<vmem>> -> memref<1x8x50xi32, #tpu.memory_space<vmem>>
      %dma_wait3A_600 = tpu.memref_squeeze %dma_wait3A_599 : memref<1x8x50xi32, #tpu.memory_space<vmem>> -> memref<8x50xi32, #tpu.memory_space<vmem>>
      %dma_wait3A_601 = arith.constant 0 : i32
      %dma_wait3A_602 = arith.constant 0 : i32
      %dma_wait3A_603 = tpu.memref_slice %arg3[%dma_wait3A_601, %dma_wait3A_602] : memref<100000x50xi32, #tpu.memory_space<hbm>> -> memref<8x50xi32, #tpu.memory_space<hbm>>
      %dma_wait3A_604 = arith.constant 0 : i32
      %dma_wait3A_605 = arith.constant 0 : i32
      %dma_wait3A_606 = tpu.memref_slice %arg6[%dma_wait3A_596, %dma_wait3A_604, %dma_wait3A_605] : memref<16x8x50xi32, #tpu.memory_space<vmem>> -> memref<1x8x50xi32, #tpu.memory_space<vmem>>
      %dma_wait3A_607 = tpu.memref_squeeze %dma_wait3A_606 : memref<1x8x50xi32, #tpu.memory_space<vmem>> -> memref<8x50xi32, #tpu.memory_space<vmem>>
      %dma_wait3A_608 = arith.constant 0 : i32
      %dma_wait3A_609 = arith.constant 0 : i32
      %dma_wait3A_610 = tpu.memref_slice %arg3[%dma_wait3A_608, %dma_wait3A_609] : memref<100000x50xi32, #tpu.memory_space<hbm>> -> memref<8x50xi32, #tpu.memory_space<hbm>>
      tpu.wait_dma2 semaphore(%arg12 : memref<!tpu.dma_semaphore, #tpu.memory_space<semaphore_mem>>) src(%dma_wait3A_610 : memref<8x50xi32, #tpu.memory_space<hbm>>) dst(%dma_wait3A_607 : memref<8x50xi32, #tpu.memory_space<vmem>>)
      %slice3A_611 = vector.extract_strided_slice %get3A_328 {offsets = [4], sizes = [1], strides = [1]} : vector<16xi32> to vector<1xi32>
      %squeeze3A_612 = vector.extract %slice3A_611[0] : i32 from vector<1xi32>
      %and3A_613 = arith.constant 7 : i32
      %and3A_614 = arith.andi %squeeze3A_612, %and3A_613 : i32
      %get3A_615 = arith.constant 4 : i32
      %get3A_616 = arith.index_cast %get3A_615 : i32 to index
      %get3A_617 = arith.index_cast %and3A_614 : i32 to index
      %get3A_618 = arith.constant 0 : index
      %get3A_619 = tpu.vector_load %arg6[%get3A_616, %get3A_617, %get3A_618] {strides = array<i32>} : memref<16x8x50xi32, #tpu.memory_space<vmem>>, vector<16xi32>,
      %swap3A_620 = arith.index_cast %add3A_595 : i32 to index
      %swap3A_621 = arith.constant 0 : index
      %swap3A_622 = tpu.vector_load %arg7[%swap3A_620, %swap3A_621] {strides = array<i32>} : memref<512x50xi32, #tpu.memory_space<vmem>>, vector<16xi32>,
      tpu.vector_store %arg7[%swap3A_620, %swap3A_621], %get3A_619 {strides = array<i32>} : memref<512x50xi32, #tpu.memory_space<vmem>>, vector<16xi32>,
      %get3A_623 = arith.constant 4 : i32
      %get3A_624 = arith.index_cast %get3A_623 : i32 to index
      %get3A_625 = arith.index_cast %and3A_614 : i32 to index
      %get3A_626 = arith.constant 16 : index
      %get3A_627 = tpu.vector_load %arg6[%get3A_624, %get3A_625, %get3A_626] {strides = array<i32>} : memref<16x8x50xi32, #tpu.memory_space<vmem>>, vector<16xi32>,
      %swap3A_628 = arith.index_cast %add3A_595 : i32 to index
      %swap3A_629 = arith.constant 16 : index
      %swap3A_630 = tpu.vector_load %arg7[%swap3A_628, %swap3A_629] {strides = array<i32>} : memref<512x50xi32, #tpu.memory_space<vmem>>, vector<16xi32>,
      tpu.vector_store %arg7[%swap3A_628, %swap3A_629], %get3A_627 {strides = array<i32>} : memref<512x50xi32, #tpu.memory_space<vmem>>, vector<16xi32>,
      %get3A_631 = arith.constant 4 : i32
      %get3A_632 = arith.index_cast %get3A_631 : i32 to index
      %get3A_633 = arith.index_cast %and3A_614 : i32 to index
      %get3A_634 = arith.constant 32 : index
      %get3A_635 = tpu.vector_load %arg6[%get3A_632, %get3A_633, %get3A_634] {strides = array<i32>} : memref<16x8x50xi32, #tpu.memory_space<vmem>>, vector<16xi32>,
      %swap3A_636 = arith.index_cast %add3A_595 : i32 to index
      %swap3A_637 = arith.constant 32 : index
      %swap3A_638 = tpu.vector_load %arg7[%swap3A_636, %swap3A_637] {strides = array<i32>} : memref<512x50xi32, #tpu.memory_space<vmem>>, vector<16xi32>,
      tpu.vector_store %arg7[%swap3A_636, %swap3A_637], %get3A_635 {strides = array<i32>} : memref<512x50xi32, #tpu.memory_space<vmem>>, vector<16xi32>,
      %mul3A_639 = arith.constant 0 : i32
      %mul3A_640 = vector.broadcast %mul3A_639 : i32 to vector<16xi32>
      %mul3A_641 = arith.muli %iota3A, %mul3A_640 : vector<16xi32>
      %add3A_642 = arith.constant 4 : i32
      %add3A_643 = vector.broadcast %add3A_642 : i32 to vector<16xi32>
      %add3A_644 = arith.addi %mul3A_641, %add3A_643 : vector<16xi32>
      %mul3A_645 = arith.constant 0 : i32
      %mul3A_646 = vector.broadcast %mul3A_645 : i32 to vector<16xi32>
      %mul3A_647 = arith.muli %iota3A, %mul3A_646 : vector<16xi32>
      %add3A_648 = vector.broadcast %and3A_614 : i32 to vector<16xi32>
      %add3A_649 = arith.addi %mul3A_647, %add3A_648 : vector<16xi32>
      %add3A_650 = arith.constant 34 : i32
      %add3A_651 = vector.broadcast %add3A_650 : i32 to vector<16xi32>
      %add3A_652 = arith.addi %iota3A, %add3A_651 : vector<16xi32>
      %gather3A_653 = tpu.vector_load_idx %arg6[%add3A_644, %add3A_649, %add3A_652] : memref<16x8x50xi32, #tpu.memory_space<vmem>>[vector<16xi32>, vector<16xi32>, vector<16xi32>], vector<16xi32>,
      %swap3A_654 = arith.index_cast %add3A_595 : i32 to index
      %swap3A_655 = arith.constant 34 : index
      %swap3A_656 = tpu.vector_load %arg7[%swap3A_654, %swap3A_655] {strides = array<i32>} : memref<512x50xi32, #tpu.memory_space<vmem>>, vector<16xi32>,
      tpu.vector_store %arg7[%swap3A_654, %swap3A_655], %gather3A_653 {strides = array<i32>} : memref<512x50xi32, #tpu.memory_space<vmem>>, vector<16xi32>,
      %mul3A_657 = arith.constant 16 : i32
      %mul3A_658 = arith.muli %scan3A_324, %mul3A_657 : i32
      %add3A_659 = arith.constant 5 : i32
      %add3A_660 = arith.addi %mul3A_658, %add3A_659 : i32
      %dma_wait3A_661 = arith.constant 5 : i32
      %dma_wait3A_662 = arith.constant 0 : i32
      %dma_wait3A_663 = arith.constant 0 : i32
      %dma_wait3A_664 = tpu.memref_slice %arg6[%dma_wait3A_661, %dma_wait3A_662, %dma_wait3A_663] : memref<16x8x50xi32, #tpu.memory_space<vmem>> -> memref<1x8x50xi32, #tpu.memory_space<vmem>>
      %dma_wait3A_665 = tpu.memref_squeeze %dma_wait3A_664 : memref<1x8x50xi32, #tpu.memory_space<vmem>> -> memref<8x50xi32, #tpu.memory_space<vmem>>
      %dma_wait3A_666 = arith.constant 0 : i32
      %dma_wait3A_667 = arith.constant 0 : i32
      %dma_wait3A_668 = tpu.memref_slice %arg3[%dma_wait3A_666, %dma_wait3A_667] : memref<100000x50xi32, #tpu.memory_space<hbm>> -> memref<8x50xi32, #tpu.memory_space<hbm>>
      %dma_wait3A_669 = arith.constant 0 : i32
      %dma_wait3A_670 = arith.constant 0 : i32
      %dma_wait3A_671 = tpu.memref_slice %arg6[%dma_wait3A_661, %dma_wait3A_669, %dma_wait3A_670] : memref<16x8x50xi32, #tpu.memory_space<vmem>> -> memref<1x8x50xi32, #tpu.memory_space<vmem>>
      %dma_wait3A_672 = tpu.memref_squeeze %dma_wait3A_671 : memref<1x8x50xi32, #tpu.memory_space<vmem>> -> memref<8x50xi32, #tpu.memory_space<vmem>>
      %dma_wait3A_673 = arith.constant 0 : i32
      %dma_wait3A_674 = arith.constant 0 : i32
      %dma_wait3A_675 = tpu.memref_slice %arg3[%dma_wait3A_673, %dma_wait3A_674] : memref<100000x50xi32, #tpu.memory_space<hbm>> -> memref<8x50xi32, #tpu.memory_space<hbm>>
      tpu.wait_dma2 semaphore(%arg13 : memref<!tpu.dma_semaphore, #tpu.memory_space<semaphore_mem>>) src(%dma_wait3A_675 : memref<8x50xi32, #tpu.memory_space<hbm>>) dst(%dma_wait3A_672 : memref<8x50xi32, #tpu.memory_space<vmem>>)
      %slice3A_676 = vector.extract_strided_slice %get3A_328 {offsets = [5], sizes = [1], strides = [1]} : vector<16xi32> to vector<1xi32>
      %squeeze3A_677 = vector.extract %slice3A_676[0] : i32 from vector<1xi32>
      %and3A_678 = arith.constant 7 : i32
      %and3A_679 = arith.andi %squeeze3A_677, %and3A_678 : i32
      %get3A_680 = arith.constant 5 : i32
      %get3A_681 = arith.index_cast %get3A_680 : i32 to index
      %get3A_682 = arith.index_cast %and3A_679 : i32 to index
      %get3A_683 = arith.constant 0 : index
      %get3A_684 = tpu.vector_load %arg6[%get3A_681, %get3A_682, %get3A_683] {strides = array<i32>} : memref<16x8x50xi32, #tpu.memory_space<vmem>>, vector<16xi32>,
      %swap3A_685 = arith.index_cast %add3A_660 : i32 to index
      %swap3A_686 = arith.constant 0 : index
      %swap3A_687 = tpu.vector_load %arg7[%swap3A_685, %swap3A_686] {strides = array<i32>} : memref<512x50xi32, #tpu.memory_space<vmem>>, vector<16xi32>,
      tpu.vector_store %arg7[%swap3A_685, %swap3A_686], %get3A_684 {strides = array<i32>} : memref<512x50xi32, #tpu.memory_space<vmem>>, vector<16xi32>,
      %get3A_688 = arith.constant 5 : i32
      %get3A_689 = arith.index_cast %get3A_688 : i32 to index
      %get3A_690 = arith.index_cast %and3A_679 : i32 to index
      %get3A_691 = arith.constant 16 : index
      %get3A_692 = tpu.vector_load %arg6[%get3A_689, %get3A_690, %get3A_691] {strides = array<i32>} : memref<16x8x50xi32, #tpu.memory_space<vmem>>, vector<16xi32>,
      %swap3A_693 = arith.index_cast %add3A_660 : i32 to index
      %swap3A_694 = arith.constant 16 : index
      %swap3A_695 = tpu.vector_load %arg7[%swap3A_693, %swap3A_694] {strides = array<i32>} : memref<512x50xi32, #tpu.memory_space<vmem>>, vector<16xi32>,
      tpu.vector_store %arg7[%swap3A_693, %swap3A_694], %get3A_692 {strides = array<i32>} : memref<512x50xi32, #tpu.memory_space<vmem>>, vector<16xi32>,
      %get3A_696 = arith.constant 5 : i32
      %get3A_697 = arith.index_cast %get3A_696 : i32 to index
      %get3A_698 = arith.index_cast %and3A_679 : i32 to index
      %get3A_699 = arith.constant 32 : index
      %get3A_700 = tpu.vector_load %arg6[%get3A_697, %get3A_698, %get3A_699] {strides = array<i32>} : memref<16x8x50xi32, #tpu.memory_space<vmem>>, vector<16xi32>,
      %swap3A_701 = arith.index_cast %add3A_660 : i32 to index
      %swap3A_702 = arith.constant 32 : index
      %swap3A_703 = tpu.vector_load %arg7[%swap3A_701, %swap3A_702] {strides = array<i32>} : memref<512x50xi32, #tpu.memory_space<vmem>>, vector<16xi32>,
      tpu.vector_store %arg7[%swap3A_701, %swap3A_702], %get3A_700 {strides = array<i32>} : memref<512x50xi32, #tpu.memory_space<vmem>>, vector<16xi32>,
      %mul3A_704 = arith.constant 0 : i32
      %mul3A_705 = vector.broadcast %mul3A_704 : i32 to vector<16xi32>
      %mul3A_706 = arith.muli %iota3A, %mul3A_705 : vector<16xi32>
      %add3A_707 = arith.constant 5 : i32
      %add3A_708 = vector.broadcast %add3A_707 : i32 to vector<16xi32>
      %add3A_709 = arith.addi %mul3A_706, %add3A_708 : vector<16xi32>
      %mul3A_710 = arith.constant 0 : i32
      %mul3A_711 = vector.broadcast %mul3A_710 : i32 to vector<16xi32>
      %mul3A_712 = arith.muli %iota3A, %mul3A_711 : vector<16xi32>
      %add3A_713 = vector.broadcast %and3A_679 : i32 to vector<16xi32>
      %add3A_714 = arith.addi %mul3A_712, %add3A_713 : vector<16xi32>
      %add3A_715 = arith.constant 34 : i32
      %add3A_716 = vector.broadcast %add3A_715 : i32 to vector<16xi32>
      %add3A_717 = arith.addi %iota3A, %add3A_716 : vector<16xi32>
      %gather3A_718 = tpu.vector_load_idx %arg6[%add3A_709, %add3A_714, %add3A_717] : memref<16x8x50xi32, #tpu.memory_space<vmem>>[vector<16xi32>, vector<16xi32>, vector<16xi32>], vector<16xi32>,
      %swap3A_719 = arith.index_cast %add3A_660 : i32 to index
      %swap3A_720 = arith.constant 34 : index
      %swap3A_721 = tpu.vector_load %arg7[%swap3A_719, %swap3A_720] {strides = array<i32>} : memref<512x50xi32, #tpu.memory_space<vmem>>, vector<16xi32>,
      tpu.vector_store %arg7[%swap3A_719, %swap3A_720], %gather3A_718 {strides = array<i32>} : memref<512x50xi32, #tpu.memory_space<vmem>>, vector<16xi32>,
      %mul3A_722 = arith.constant 16 : i32
      %mul3A_723 = arith.muli %scan3A_324, %mul3A_722 : i32
      %add3A_724 = arith.constant 6 : i32
      %add3A_725 = arith.addi %mul3A_723, %add3A_724 : i32
      %dma_wait3A_726 = arith.constant 6 : i32
      %dma_wait3A_727 = arith.constant 0 : i32
      %dma_wait3A_728 = arith.constant 0 : i32
      %dma_wait3A_729 = tpu.memref_slice %arg6[%dma_wait3A_726, %dma_wait3A_727, %dma_wait3A_728] : memref<16x8x50xi32, #tpu.memory_space<vmem>> -> memref<1x8x50xi32, #tpu.memory_space<vmem>>
      %dma_wait3A_730 = tpu.memref_squeeze %dma_wait3A_729 : memref<1x8x50xi32, #tpu.memory_space<vmem>> -> memref<8x50xi32, #tpu.memory_space<vmem>>
      %dma_wait3A_731 = arith.constant 0 : i32
      %dma_wait3A_732 = arith.constant 0 : i32
      %dma_wait3A_733 = tpu.memref_slice %arg3[%dma_wait3A_731, %dma_wait3A_732] : memref<100000x50xi32, #tpu.memory_space<hbm>> -> memref<8x50xi32, #tpu.memory_space<hbm>>
      %dma_wait3A_734 = arith.constant 0 : i32
      %dma_wait3A_735 = arith.constant 0 : i32
      %dma_wait3A_736 = tpu.memref_slice %arg6[%dma_wait3A_726, %dma_wait3A_734, %dma_wait3A_735] : memref<16x8x50xi32, #tpu.memory_space<vmem>> -> memref<1x8x50xi32, #tpu.memory_space<vmem>>
      %dma_wait3A_737 = tpu.memref_squeeze %dma_wait3A_736 : memref<1x8x50xi32, #tpu.memory_space<vmem>> -> memref<8x50xi32, #tpu.memory_space<vmem>>
      %dma_wait3A_738 = arith.constant 0 : i32
      %dma_wait3A_739 = arith.constant 0 : i32
      %dma_wait3A_740 = tpu.memref_slice %arg3[%dma_wait3A_738, %dma_wait3A_739] : memref<100000x50xi32, #tpu.memory_space<hbm>> -> memref<8x50xi32, #tpu.memory_space<hbm>>
      tpu.wait_dma2 semaphore(%arg14 : memref<!tpu.dma_semaphore, #tpu.memory_space<semaphore_mem>>) src(%dma_wait3A_740 : memref<8x50xi32, #tpu.memory_space<hbm>>) dst(%dma_wait3A_737 : memref<8x50xi32, #tpu.memory_space<vmem>>)
      %slice3A_741 = vector.extract_strided_slice %get3A_328 {offsets = [6], sizes = [1], strides = [1]} : vector<16xi32> to vector<1xi32>
      %squeeze3A_742 = vector.extract %slice3A_741[0] : i32 from vector<1xi32>
      %and3A_743 = arith.constant 7 : i32
      %and3A_744 = arith.andi %squeeze3A_742, %and3A_743 : i32
      %get3A_745 = arith.constant 6 : i32
      %get3A_746 = arith.index_cast %get3A_745 : i32 to index
      %get3A_747 = arith.index_cast %and3A_744 : i32 to index
      %get3A_748 = arith.constant 0 : index
      %get3A_749 = tpu.vector_load %arg6[%get3A_746, %get3A_747, %get3A_748] {strides = array<i32>} : memref<16x8x50xi32, #tpu.memory_space<vmem>>, vector<16xi32>,
      %swap3A_750 = arith.index_cast %add3A_725 : i32 to index
      %swap3A_751 = arith.constant 0 : index
      %swap3A_752 = tpu.vector_load %arg7[%swap3A_750, %swap3A_751] {strides = array<i32>} : memref<512x50xi32, #tpu.memory_space<vmem>>, vector<16xi32>,
      tpu.vector_store %arg7[%swap3A_750, %swap3A_751], %get3A_749 {strides = array<i32>} : memref<512x50xi32, #tpu.memory_space<vmem>>, vector<16xi32>,
      %get3A_753 = arith.constant 6 : i32
      %get3A_754 = arith.index_cast %get3A_753 : i32 to index
      %get3A_755 = arith.index_cast %and3A_744 : i32 to index
      %get3A_756 = arith.constant 16 : index
      %get3A_757 = tpu.vector_load %arg6[%get3A_754, %get3A_755, %get3A_756] {strides = array<i32>} : memref<16x8x50xi32, #tpu.memory_space<vmem>>, vector<16xi32>,
      %swap3A_758 = arith.index_cast %add3A_725 : i32 to index
      %swap3A_759 = arith.constant 16 : index
      %swap3A_760 = tpu.vector_load %arg7[%swap3A_758, %swap3A_759] {strides = array<i32>} : memref<512x50xi32, #tpu.memory_space<vmem>>, vector<16xi32>,
      tpu.vector_store %arg7[%swap3A_758, %swap3A_759], %get3A_757 {strides = array<i32>} : memref<512x50xi32, #tpu.memory_space<vmem>>, vector<16xi32>,
      %get3A_761 = arith.constant 6 : i32
      %get3A_762 = arith.index_cast %get3A_761 : i32 to index
      %get3A_763 = arith.index_cast %and3A_744 : i32 to index
      %get3A_764 = arith.constant 32 : index
      %get3A_765 = tpu.vector_load %arg6[%get3A_762, %get3A_763, %get3A_764] {strides = array<i32>} : memref<16x8x50xi32, #tpu.memory_space<vmem>>, vector<16xi32>,
      %swap3A_766 = arith.index_cast %add3A_725 : i32 to index
      %swap3A_767 = arith.constant 32 : index
      %swap3A_768 = tpu.vector_load %arg7[%swap3A_766, %swap3A_767] {strides = array<i32>} : memref<512x50xi32, #tpu.memory_space<vmem>>, vector<16xi32>,
      tpu.vector_store %arg7[%swap3A_766, %swap3A_767], %get3A_765 {strides = array<i32>} : memref<512x50xi32, #tpu.memory_space<vmem>>, vector<16xi32>,
      %mul3A_769 = arith.constant 0 : i32
      %mul3A_770 = vector.broadcast %mul3A_769 : i32 to vector<16xi32>
      %mul3A_771 = arith.muli %iota3A, %mul3A_770 : vector<16xi32>
      %add3A_772 = arith.constant 6 : i32
      %add3A_773 = vector.broadcast %add3A_772 : i32 to vector<16xi32>
      %add3A_774 = arith.addi %mul3A_771, %add3A_773 : vector<16xi32>
      %mul3A_775 = arith.constant 0 : i32
      %mul3A_776 = vector.broadcast %mul3A_775 : i32 to vector<16xi32>
      %mul3A_777 = arith.muli %iota3A, %mul3A_776 : vector<16xi32>
      %add3A_778 = vector.broadcast %and3A_744 : i32 to vector<16xi32>
      %add3A_779 = arith.addi %mul3A_777, %add3A_778 : vector<16xi32>
      %add3A_780 = arith.constant 34 : i32
      %add3A_781 = vector.broadcast %add3A_780 : i32 to vector<16xi32>
      %add3A_782 = arith.addi %iota3A, %add3A_781 : vector<16xi32>
      %gather3A_783 = tpu.vector_load_idx %arg6[%add3A_774, %add3A_779, %add3A_782] : memref<16x8x50xi32, #tpu.memory_space<vmem>>[vector<16xi32>, vector<16xi32>, vector<16xi32>], vector<16xi32>,
      %swap3A_784 = arith.index_cast %add3A_725 : i32 to index
      %swap3A_785 = arith.constant 34 : index
      %swap3A_786 = tpu.vector_load %arg7[%swap3A_784, %swap3A_785] {strides = array<i32>} : memref<512x50xi32, #tpu.memory_space<vmem>>, vector<16xi32>,
      tpu.vector_store %arg7[%swap3A_784, %swap3A_785], %gather3A_783 {strides = array<i32>} : memref<512x50xi32, #tpu.memory_space<vmem>>, vector<16xi32>,
      %mul3A_787 = arith.constant 16 : i32
      %mul3A_788 = arith.muli %scan3A_324, %mul3A_787 : i32
      %add3A_789 = arith.constant 7 : i32
      %add3A_790 = arith.addi %mul3A_788, %add3A_789 : i32
      %dma_wait3A_791 = arith.constant 7 : i32
      %dma_wait3A_792 = arith.constant 0 : i32
      %dma_wait3A_793 = arith.constant 0 : i32
      %dma_wait3A_794 = tpu.memref_slice %arg6[%dma_wait3A_791, %dma_wait3A_792, %dma_wait3A_793] : memref<16x8x50xi32, #tpu.memory_space<vmem>> -> memref<1x8x50xi32, #tpu.memory_space<vmem>>
      %dma_wait3A_795 = tpu.memref_squeeze %dma_wait3A_794 : memref<1x8x50xi32, #tpu.memory_space<vmem>> -> memref<8x50xi32, #tpu.memory_space<vmem>>
      %dma_wait3A_796 = arith.constant 0 : i32
      %dma_wait3A_797 = arith.constant 0 : i32
      %dma_wait3A_798 = tpu.memref_slice %arg3[%dma_wait3A_796, %dma_wait3A_797] : memref<100000x50xi32, #tpu.memory_space<hbm>> -> memref<8x50xi32, #tpu.memory_space<hbm>>
      %dma_wait3A_799 = arith.constant 0 : i32
      %dma_wait3A_800 = arith.constant 0 : i32
      %dma_wait3A_801 = tpu.memref_slice %arg6[%dma_wait3A_791, %dma_wait3A_799, %dma_wait3A_800] : memref<16x8x50xi32, #tpu.memory_space<vmem>> -> memref<1x8x50xi32, #tpu.memory_space<vmem>>
      %dma_wait3A_802 = tpu.memref_squeeze %dma_wait3A_801 : memref<1x8x50xi32, #tpu.memory_space<vmem>> -> memref<8x50xi32, #tpu.memory_space<vmem>>
      %dma_wait3A_803 = arith.constant 0 : i32
      %dma_wait3A_804 = arith.constant 0 : i32
      %dma_wait3A_805 = tpu.memref_slice %arg3[%dma_wait3A_803, %dma_wait3A_804] : memref<100000x50xi32, #tpu.memory_space<hbm>> -> memref<8x50xi32, #tpu.memory_space<hbm>>
      tpu.wait_dma2 semaphore(%arg15 : memref<!tpu.dma_semaphore, #tpu.memory_space<semaphore_mem>>) src(%dma_wait3A_805 : memref<8x50xi32, #tpu.memory_space<hbm>>) dst(%dma_wait3A_802 : memref<8x50xi32, #tpu.memory_space<vmem>>)
      %slice3A_806 = vector.extract_strided_slice %get3A_328 {offsets = [7], sizes = [1], strides = [1]} : vector<16xi32> to vector<1xi32>
      %squeeze3A_807 = vector.extract %slice3A_806[0] : i32 from vector<1xi32>
      %and3A_808 = arith.constant 7 : i32
      %and3A_809 = arith.andi %squeeze3A_807, %and3A_808 : i32
      %get3A_810 = arith.constant 7 : i32
      %get3A_811 = arith.index_cast %get3A_810 : i32 to index
      %get3A_812 = arith.index_cast %and3A_809 : i32 to index
      %get3A_813 = arith.constant 0 : index
      %get3A_814 = tpu.vector_load %arg6[%get3A_811, %get3A_812, %get3A_813] {strides = array<i32>} : memref<16x8x50xi32, #tpu.memory_space<vmem>>, vector<16xi32>,
      %swap3A_815 = arith.index_cast %add3A_790 : i32 to index
      %swap3A_816 = arith.constant 0 : index
      %swap3A_817 = tpu.vector_load %arg7[%swap3A_815, %swap3A_816] {strides = array<i32>} : memref<512x50xi32, #tpu.memory_space<vmem>>, vector<16xi32>,
      tpu.vector_store %arg7[%swap3A_815, %swap3A_816], %get3A_814 {strides = array<i32>} : memref<512x50xi32, #tpu.memory_space<vmem>>, vector<16xi32>,
      %get3A_818 = arith.constant 7 : i32
      %get3A_819 = arith.index_cast %get3A_818 : i32 to index
      %get3A_820 = arith.index_cast %and3A_809 : i32 to index
      %get3A_821 = arith.constant 16 : index
      %get3A_822 = tpu.vector_load %arg6[%get3A_819, %get3A_820, %get3A_821] {strides = array<i32>} : memref<16x8x50xi32, #tpu.memory_space<vmem>>, vector<16xi32>,
      %swap3A_823 = arith.index_cast %add3A_790 : i32 to index
      %swap3A_824 = arith.constant 16 : index
      %swap3A_825 = tpu.vector_load %arg7[%swap3A_823, %swap3A_824] {strides = array<i32>} : memref<512x50xi32, #tpu.memory_space<vmem>>, vector<16xi32>,
      tpu.vector_store %arg7[%swap3A_823, %swap3A_824], %get3A_822 {strides = array<i32>} : memref<512x50xi32, #tpu.memory_space<vmem>>, vector<16xi32>,
      %get3A_826 = arith.constant 7 : i32
      %get3A_827 = arith.index_cast %get3A_826 : i32 to index
      %get3A_828 = arith.index_cast %and3A_809 : i32 to index
      %get3A_829 = arith.constant 32 : index
      %get3A_830 = tpu.vector_load %arg6[%get3A_827, %get3A_828, %get3A_829] {strides = array<i32>} : memref<16x8x50xi32, #tpu.memory_space<vmem>>, vector<16xi32>,
      %swap3A_831 = arith.index_cast %add3A_790 : i32 to index
      %swap3A_832 = arith.constant 32 : index
      %swap3A_833 = tpu.vector_load %arg7[%swap3A_831, %swap3A_832] {strides = array<i32>} : memref<512x50xi32, #tpu.memory_space<vmem>>, vector<16xi32>,
      tpu.vector_store %arg7[%swap3A_831, %swap3A_832], %get3A_830 {strides = array<i32>} : memref<512x50xi32, #tpu.memory_space<vmem>>, vector<16xi32>,
      %mul3A_834 = arith.constant 0 : i32
      %mul3A_835 = vector.broadcast %mul3A_834 : i32 to vector<16xi32>
      %mul3A_836 = arith.muli %iota3A, %mul3A_835 : vector<16xi32>
      %add3A_837 = arith.constant 7 : i32
      %add3A_838 = vector.broadcast %add3A_837 : i32 to vector<16xi32>
      %add3A_839 = arith.addi %mul3A_836, %add3A_838 : vector<16xi32>
      %mul3A_840 = arith.constant 0 : i32
      %mul3A_841 = vector.broadcast %mul3A_840 : i32 to vector<16xi32>
      %mul3A_842 = arith.muli %iota3A, %mul3A_841 : vector<16xi32>
      %add3A_843 = vector.broadcast %and3A_809 : i32 to vector<16xi32>
      %add3A_844 = arith.addi %mul3A_842, %add3A_843 : vector<16xi32>
      %add3A_845 = arith.constant 34 : i32
      %add3A_846 = vector.broadcast %add3A_845 : i32 to vector<16xi32>
      %add3A_847 = arith.addi %iota3A, %add3A_846 : vector<16xi32>
      %gather3A_848 = tpu.vector_load_idx %arg6[%add3A_839, %add3A_844, %add3A_847] : memref<16x8x50xi32, #tpu.memory_space<vmem>>[vector<16xi32>, vector<16xi32>, vector<16xi32>], vector<16xi32>,
      %swap3A_849 = arith.index_cast %add3A_790 : i32 to index
      %swap3A_850 = arith.constant 34 : index
      %swap3A_851 = tpu.vector_load %arg7[%swap3A_849, %swap3A_850] {strides = array<i32>} : memref<512x50xi32, #tpu.memory_space<vmem>>, vector<16xi32>,
      tpu.vector_store %arg7[%swap3A_849, %swap3A_850], %gather3A_848 {strides = array<i32>} : memref<512x50xi32, #tpu.memory_space<vmem>>, vector<16xi32>,
      %add3A_852 = arith.constant 1 : i32
      %add3A_853 = arith.addi %scan3A_324, %add3A_852 : i32
      %lt3A = arith.constant 32 : i32
      %lt3A_854 = arith.cmpi slt, %add3A_853, %lt3A : i32
      %convert_element_type3A = arith.extui %lt3A_854 : i1 to i32
      %cond3A = arith.constant 0 : i32
      %cond3A_855 = arith.cmpi ne, %convert_element_type3A, %cond3A : i32
      scf.if %cond3A_855 {
        %slice3A_1383 = vector.extract_strided_slice %get3A_335 {offsets = [0], sizes = [1], strides = [1]} : vector<16xi32> to vector<1xi32>
        %squeeze3A_1384 = vector.extract %slice3A_1383[0] : i32 from vector<1xi32>
        %shift_right_arithmetic3A_1385 = arith.constant 3 : i32
        %shift_right_arithmetic3A_1386 = arith.shrsi %squeeze3A_1384, %shift_right_arithmetic3A_1385 : i32
        %mul3A_1387 = arith.constant 8 : i32
        %mul3A_1388 = arith.muli %shift_right_arithmetic3A_1386, %mul3A_1387 : i32
        %multiple_of3A_1389 = tpu.assume_multiple %mul3A_1388, 8 : i32
        %dma_start3A_1390 = arith.constant 0 : i32
        %dma_start3A_1391 = arith.constant 0 : i32
        %dma_start3A_1392 = arith.constant 0 : i32
        %dma_start3A_1393 = tpu.memref_slice %arg6[%dma_start3A_1390, %dma_start3A_1391, %dma_start3A_1392] : memref<16x8x50xi32, #tpu.memory_space<vmem>> -> memref<1x8x50xi32, #tpu.memory_space<vmem>>
        %dma_start3A_1394 = tpu.memref_squeeze %dma_start3A_1393 : memref<1x8x50xi32, #tpu.memory_space<vmem>> -> memref<8x50xi32, #tpu.memory_space<vmem>>
        %dma_start3A_1395 = arith.constant 0 : i32
        %dma_start3A_1396 = tpu.memref_slice %arg3[%multiple_of3A_1389, %dma_start3A_1395] : memref<100000x50xi32, #tpu.memory_space<hbm>> -> memref<8x50xi32, #tpu.memory_space<hbm>>
        %dma_start3A_1397 = arith.constant 0 : i32
        %dma_start3A_1398 = arith.constant 0 : i32
        %dma_start3A_1399 = tpu.memref_slice %arg6[%dma_start3A_1390, %dma_start3A_1397, %dma_start3A_1398] : memref<16x8x50xi32, #tpu.memory_space<vmem>> -> memref<1x8x50xi32, #tpu.memory_space<vmem>>
        %dma_start3A_1400 = tpu.memref_squeeze %dma_start3A_1399 : memref<1x8x50xi32, #tpu.memory_space<vmem>> -> memref<8x50xi32, #tpu.memory_space<vmem>>
        %dma_start3A_1401 = arith.constant 0 : i32
        %dma_start3A_1402 = tpu.memref_slice %arg3[%multiple_of3A_1389, %dma_start3A_1401] : memref<100000x50xi32, #tpu.memory_space<hbm>> -> memref<8x50xi32, #tpu.memory_space<hbm>>
        tpu.enqueue_dma source(%dma_start3A_1402 : memref<8x50xi32, #tpu.memory_space<hbm>>) target(%dma_start3A_1400 : memref<8x50xi32, #tpu.memory_space<vmem>>) target_semaphore(%arg8 : memref<!tpu.dma_semaphore, #tpu.memory_space<semaphore_mem>>)
        %slice3A_1403 = vector.extract_strided_slice %get3A_335 {offsets = [1], sizes = [1], strides = [1]} : vector<16xi32> to vector<1xi32>
        %squeeze3A_1404 = vector.extract %slice3A_1403[0] : i32 from vector<1xi32>
        %shift_right_arithmetic3A_1405 = arith.constant 3 : i32
        %shift_right_arithmetic3A_1406 = arith.shrsi %squeeze3A_1404, %shift_right_arithmetic3A_1405 : i32
        %mul3A_1407 = arith.constant 8 : i32
        %mul3A_1408 = arith.muli %shift_right_arithmetic3A_1406, %mul3A_1407 : i32
        %multiple_of3A_1409 = tpu.assume_multiple %mul3A_1408, 8 : i32
        %dma_start3A_1410 = arith.constant 1 : i32
        %dma_start3A_1411 = arith.constant 0 : i32
        %dma_start3A_1412 = arith.constant 0 : i32
        %dma_start3A_1413 = tpu.memref_slice %arg6[%dma_start3A_1410, %dma_start3A_1411, %dma_start3A_1412] : memref<16x8x50xi32, #tpu.memory_space<vmem>> -> memref<1x8x50xi32, #tpu.memory_space<vmem>>
        %dma_start3A_1414 = tpu.memref_squeeze %dma_start3A_1413 : memref<1x8x50xi32, #tpu.memory_space<vmem>> -> memref<8x50xi32, #tpu.memory_space<vmem>>
        %dma_start3A_1415 = arith.constant 0 : i32
        %dma_start3A_1416 = tpu.memref_slice %arg3[%multiple_of3A_1409, %dma_start3A_1415] : memref<100000x50xi32, #tpu.memory_space<hbm>> -> memref<8x50xi32, #tpu.memory_space<hbm>>
        %dma_start3A_1417 = arith.constant 0 : i32
        %dma_start3A_1418 = arith.constant 0 : i32
        %dma_start3A_1419 = tpu.memref_slice %arg6[%dma_start3A_1410, %dma_start3A_1417, %dma_start3A_1418] : memref<16x8x50xi32, #tpu.memory_space<vmem>> -> memref<1x8x50xi32, #tpu.memory_space<vmem>>
        %dma_start3A_1420 = tpu.memref_squeeze %dma_start3A_1419 : memref<1x8x50xi32, #tpu.memory_space<vmem>> -> memref<8x50xi32, #tpu.memory_space<vmem>>
        %dma_start3A_1421 = arith.constant 0 : i32
        %dma_start3A_1422 = tpu.memref_slice %arg3[%multiple_of3A_1409, %dma_start3A_1421] : memref<100000x50xi32, #tpu.memory_space<hbm>> -> memref<8x50xi32, #tpu.memory_space<hbm>>
        tpu.enqueue_dma source(%dma_start3A_1422 : memref<8x50xi32, #tpu.memory_space<hbm>>) target(%dma_start3A_1420 : memref<8x50xi32, #tpu.memory_space<vmem>>) target_semaphore(%arg9 : memref<!tpu.dma_semaphore, #tpu.memory_space<semaphore_mem>>)
        %slice3A_1423 = vector.extract_strided_slice %get3A_335 {offsets = [2], sizes = [1], strides = [1]} : vector<16xi32> to vector<1xi32>
        %squeeze3A_1424 = vector.extract %slice3A_1423[0] : i32 from vector<1xi32>
        %shift_right_arithmetic3A_1425 = arith.constant 3 : i32
        %shift_right_arithmetic3A_1426 = arith.shrsi %squeeze3A_1424, %shift_right_arithmetic3A_1425 : i32
        %mul3A_1427 = arith.constant 8 : i32
        %mul3A_1428 = arith.muli %shift_right_arithmetic3A_1426, %mul3A_1427 : i32
        %multiple_of3A_1429 = tpu.assume_multiple %mul3A_1428, 8 : i32
        %dma_start3A_1430 = arith.constant 2 : i32
        %dma_start3A_1431 = arith.constant 0 : i32
        %dma_start3A_1432 = arith.constant 0 : i32
        %dma_start3A_1433 = tpu.memref_slice %arg6[%dma_start3A_1430, %dma_start3A_1431, %dma_start3A_1432] : memref<16x8x50xi32, #tpu.memory_space<vmem>> -> memref<1x8x50xi32, #tpu.memory_space<vmem>>
        %dma_start3A_1434 = tpu.memref_squeeze %dma_start3A_1433 : memref<1x8x50xi32, #tpu.memory_space<vmem>> -> memref<8x50xi32, #tpu.memory_space<vmem>>
        %dma_start3A_1435 = arith.constant 0 : i32
        %dma_start3A_1436 = tpu.memref_slice %arg3[%multiple_of3A_1429, %dma_start3A_1435] : memref<100000x50xi32, #tpu.memory_space<hbm>> -> memref<8x50xi32, #tpu.memory_space<hbm>>
        %dma_start3A_1437 = arith.constant 0 : i32
        %dma_start3A_1438 = arith.constant 0 : i32
        %dma_start3A_1439 = tpu.memref_slice %arg6[%dma_start3A_1430, %dma_start3A_1437, %dma_start3A_1438] : memref<16x8x50xi32, #tpu.memory_space<vmem>> -> memref<1x8x50xi32, #tpu.memory_space<vmem>>
        %dma_start3A_1440 = tpu.memref_squeeze %dma_start3A_1439 : memref<1x8x50xi32, #tpu.memory_space<vmem>> -> memref<8x50xi32, #tpu.memory_space<vmem>>
        %dma_start3A_1441 = arith.constant 0 : i32
        %dma_start3A_1442 = tpu.memref_slice %arg3[%multiple_of3A_1429, %dma_start3A_1441] : memref<100000x50xi32, #tpu.memory_space<hbm>> -> memref<8x50xi32, #tpu.memory_space<hbm>>
        tpu.enqueue_dma source(%dma_start3A_1442 : memref<8x50xi32, #tpu.memory_space<hbm>>) target(%dma_start3A_1440 : memref<8x50xi32, #tpu.memory_space<vmem>>) target_semaphore(%arg10 : memref<!tpu.dma_semaphore, #tpu.memory_space<semaphore_mem>>)
        %slice3A_1443 = vector.extract_strided_slice %get3A_335 {offsets = [3], sizes = [1], strides = [1]} : vector<16xi32> to vector<1xi32>
        %squeeze3A_1444 = vector.extract %slice3A_1443[0] : i32 from vector<1xi32>
        %shift_right_arithmetic3A_1445 = arith.constant 3 : i32
        %shift_right_arithmetic3A_1446 = arith.shrsi %squeeze3A_1444, %shift_right_arithmetic3A_1445 : i32
        %mul3A_1447 = arith.constant 8 : i32
        %mul3A_1448 = arith.muli %shift_right_arithmetic3A_1446, %mul3A_1447 : i32
        %multiple_of3A_1449 = tpu.assume_multiple %mul3A_1448, 8 : i32
        %dma_start3A_1450 = arith.constant 3 : i32
        %dma_start3A_1451 = arith.constant 0 : i32
        %dma_start3A_1452 = arith.constant 0 : i32
        %dma_start3A_1453 = tpu.memref_slice %arg6[%dma_start3A_1450, %dma_start3A_1451, %dma_start3A_1452] : memref<16x8x50xi32, #tpu.memory_space<vmem>> -> memref<1x8x50xi32, #tpu.memory_space<vmem>>
        %dma_start3A_1454 = tpu.memref_squeeze %dma_start3A_1453 : memref<1x8x50xi32, #tpu.memory_space<vmem>> -> memref<8x50xi32, #tpu.memory_space<vmem>>
        %dma_start3A_1455 = arith.constant 0 : i32
        %dma_start3A_1456 = tpu.memref_slice %arg3[%multiple_of3A_1449, %dma_start3A_1455] : memref<100000x50xi32, #tpu.memory_space<hbm>> -> memref<8x50xi32, #tpu.memory_space<hbm>>
        %dma_start3A_1457 = arith.constant 0 : i32
        %dma_start3A_1458 = arith.constant 0 : i32
        %dma_start3A_1459 = tpu.memref_slice %arg6[%dma_start3A_1450, %dma_start3A_1457, %dma_start3A_1458] : memref<16x8x50xi32, #tpu.memory_space<vmem>> -> memref<1x8x50xi32, #tpu.memory_space<vmem>>
        %dma_start3A_1460 = tpu.memref_squeeze %dma_start3A_1459 : memref<1x8x50xi32, #tpu.memory_space<vmem>> -> memref<8x50xi32, #tpu.memory_space<vmem>>
        %dma_start3A_1461 = arith.constant 0 : i32
        %dma_start3A_1462 = tpu.memref_slice %arg3[%multiple_of3A_1449, %dma_start3A_1461] : memref<100000x50xi32, #tpu.memory_space<hbm>> -> memref<8x50xi32, #tpu.memory_space<hbm>>
        tpu.enqueue_dma source(%dma_start3A_1462 : memref<8x50xi32, #tpu.memory_space<hbm>>) target(%dma_start3A_1460 : memref<8x50xi32, #tpu.memory_space<vmem>>) target_semaphore(%arg11 : memref<!tpu.dma_semaphore, #tpu.memory_space<semaphore_mem>>)
        %slice3A_1463 = vector.extract_strided_slice %get3A_335 {offsets = [4], sizes = [1], strides = [1]} : vector<16xi32> to vector<1xi32>
        %squeeze3A_1464 = vector.extract %slice3A_1463[0] : i32 from vector<1xi32>
        %shift_right_arithmetic3A_1465 = arith.constant 3 : i32
        %shift_right_arithmetic3A_1466 = arith.shrsi %squeeze3A_1464, %shift_right_arithmetic3A_1465 : i32
        %mul3A_1467 = arith.constant 8 : i32
        %mul3A_1468 = arith.muli %shift_right_arithmetic3A_1466, %mul3A_1467 : i32
        %multiple_of3A_1469 = tpu.assume_multiple %mul3A_1468, 8 : i32
        %dma_start3A_1470 = arith.constant 4 : i32
        %dma_start3A_1471 = arith.constant 0 : i32
        %dma_start3A_1472 = arith.constant 0 : i32
        %dma_start3A_1473 = tpu.memref_slice %arg6[%dma_start3A_1470, %dma_start3A_1471, %dma_start3A_1472] : memref<16x8x50xi32, #tpu.memory_space<vmem>> -> memref<1x8x50xi32, #tpu.memory_space<vmem>>
        %dma_start3A_1474 = tpu.memref_squeeze %dma_start3A_1473 : memref<1x8x50xi32, #tpu.memory_space<vmem>> -> memref<8x50xi32, #tpu.memory_space<vmem>>
        %dma_start3A_1475 = arith.constant 0 : i32
        %dma_start3A_1476 = tpu.memref_slice %arg3[%multiple_of3A_1469, %dma_start3A_1475] : memref<100000x50xi32, #tpu.memory_space<hbm>> -> memref<8x50xi32, #tpu.memory_space<hbm>>
        %dma_start3A_1477 = arith.constant 0 : i32
        %dma_start3A_1478 = arith.constant 0 : i32
        %dma_start3A_1479 = tpu.memref_slice %arg6[%dma_start3A_1470, %dma_start3A_1477, %dma_start3A_1478] : memref<16x8x50xi32, #tpu.memory_space<vmem>> -> memref<1x8x50xi32, #tpu.memory_space<vmem>>
        %dma_start3A_1480 = tpu.memref_squeeze %dma_start3A_1479 : memref<1x8x50xi32, #tpu.memory_space<vmem>> -> memref<8x50xi32, #tpu.memory_space<vmem>>
        %dma_start3A_1481 = arith.constant 0 : i32
        %dma_start3A_1482 = tpu.memref_slice %arg3[%multiple_of3A_1469, %dma_start3A_1481] : memref<100000x50xi32, #tpu.memory_space<hbm>> -> memref<8x50xi32, #tpu.memory_space<hbm>>
        tpu.enqueue_dma source(%dma_start3A_1482 : memref<8x50xi32, #tpu.memory_space<hbm>>) target(%dma_start3A_1480 : memref<8x50xi32, #tpu.memory_space<vmem>>) target_semaphore(%arg12 : memref<!tpu.dma_semaphore, #tpu.memory_space<semaphore_mem>>)
        %slice3A_1483 = vector.extract_strided_slice %get3A_335 {offsets = [5], sizes = [1], strides = [1]} : vector<16xi32> to vector<1xi32>
        %squeeze3A_1484 = vector.extract %slice3A_1483[0] : i32 from vector<1xi32>
        %shift_right_arithmetic3A_1485 = arith.constant 3 : i32
        %shift_right_arithmetic3A_1486 = arith.shrsi %squeeze3A_1484, %shift_right_arithmetic3A_1485 : i32
        %mul3A_1487 = arith.constant 8 : i32
        %mul3A_1488 = arith.muli %shift_right_arithmetic3A_1486, %mul3A_1487 : i32
        %multiple_of3A_1489 = tpu.assume_multiple %mul3A_1488, 8 : i32
        %dma_start3A_1490 = arith.constant 5 : i32
        %dma_start3A_1491 = arith.constant 0 : i32
        %dma_start3A_1492 = arith.constant 0 : i32
        %dma_start3A_1493 = tpu.memref_slice %arg6[%dma_start3A_1490, %dma_start3A_1491, %dma_start3A_1492] : memref<16x8x50xi32, #tpu.memory_space<vmem>> -> memref<1x8x50xi32, #tpu.memory_space<vmem>>
        %dma_start3A_1494 = tpu.memref_squeeze %dma_start3A_1493 : memref<1x8x50xi32, #tpu.memory_space<vmem>> -> memref<8x50xi32, #tpu.memory_space<vmem>>
        %dma_start3A_1495 = arith.constant 0 : i32
        %dma_start3A_1496 = tpu.memref_slice %arg3[%multiple_of3A_1489, %dma_start3A_1495] : memref<100000x50xi32, #tpu.memory_space<hbm>> -> memref<8x50xi32, #tpu.memory_space<hbm>>
        %dma_start3A_1497 = arith.constant 0 : i32
        %dma_start3A_1498 = arith.constant 0 : i32
        %dma_start3A_1499 = tpu.memref_slice %arg6[%dma_start3A_1490, %dma_start3A_1497, %dma_start3A_1498] : memref<16x8x50xi32, #tpu.memory_space<vmem>> -> memref<1x8x50xi32, #tpu.memory_space<vmem>>
        %dma_start3A_1500 = tpu.memref_squeeze %dma_start3A_1499 : memref<1x8x50xi32, #tpu.memory_space<vmem>> -> memref<8x50xi32, #tpu.memory_space<vmem>>
        %dma_start3A_1501 = arith.constant 0 : i32
        %dma_start3A_1502 = tpu.memref_slice %arg3[%multiple_of3A_1489, %dma_start3A_1501] : memref<100000x50xi32, #tpu.memory_space<hbm>> -> memref<8x50xi32, #tpu.memory_space<hbm>>
        tpu.enqueue_dma source(%dma_start3A_1502 : memref<8x50xi32, #tpu.memory_space<hbm>>) target(%dma_start3A_1500 : memref<8x50xi32, #tpu.memory_space<vmem>>) target_semaphore(%arg13 : memref<!tpu.dma_semaphore, #tpu.memory_space<semaphore_mem>>)
        %slice3A_1503 = vector.extract_strided_slice %get3A_335 {offsets = [6], sizes = [1], strides = [1]} : vector<16xi32> to vector<1xi32>
        %squeeze3A_1504 = vector.extract %slice3A_1503[0] : i32 from vector<1xi32>
        %shift_right_arithmetic3A_1505 = arith.constant 3 : i32
        %shift_right_arithmetic3A_1506 = arith.shrsi %squeeze3A_1504, %shift_right_arithmetic3A_1505 : i32
        %mul3A_1507 = arith.constant 8 : i32
        %mul3A_1508 = arith.muli %shift_right_arithmetic3A_1506, %mul3A_1507 : i32
        %multiple_of3A_1509 = tpu.assume_multiple %mul3A_1508, 8 : i32
        %dma_start3A_1510 = arith.constant 6 : i32
        %dma_start3A_1511 = arith.constant 0 : i32
        %dma_start3A_1512 = arith.constant 0 : i32
        %dma_start3A_1513 = tpu.memref_slice %arg6[%dma_start3A_1510, %dma_start3A_1511, %dma_start3A_1512] : memref<16x8x50xi32, #tpu.memory_space<vmem>> -> memref<1x8x50xi32, #tpu.memory_space<vmem>>
        %dma_start3A_1514 = tpu.memref_squeeze %dma_start3A_1513 : memref<1x8x50xi32, #tpu.memory_space<vmem>> -> memref<8x50xi32, #tpu.memory_space<vmem>>
        %dma_start3A_1515 = arith.constant 0 : i32
        %dma_start3A_1516 = tpu.memref_slice %arg3[%multiple_of3A_1509, %dma_start3A_1515] : memref<100000x50xi32, #tpu.memory_space<hbm>> -> memref<8x50xi32, #tpu.memory_space<hbm>>
        %dma_start3A_1517 = arith.constant 0 : i32
        %dma_start3A_1518 = arith.constant 0 : i32
        %dma_start3A_1519 = tpu.memref_slice %arg6[%dma_start3A_1510, %dma_start3A_1517, %dma_start3A_1518] : memref<16x8x50xi32, #tpu.memory_space<vmem>> -> memref<1x8x50xi32, #tpu.memory_space<vmem>>
        %dma_start3A_1520 = tpu.memref_squeeze %dma_start3A_1519 : memref<1x8x50xi32, #tpu.memory_space<vmem>> -> memref<8x50xi32, #tpu.memory_space<vmem>>
        %dma_start3A_1521 = arith.constant 0 : i32
        %dma_start3A_1522 = tpu.memref_slice %arg3[%multiple_of3A_1509, %dma_start3A_1521] : memref<100000x50xi32, #tpu.memory_space<hbm>> -> memref<8x50xi32, #tpu.memory_space<hbm>>
        tpu.enqueue_dma source(%dma_start3A_1522 : memref<8x50xi32, #tpu.memory_space<hbm>>) target(%dma_start3A_1520 : memref<8x50xi32, #tpu.memory_space<vmem>>) target_semaphore(%arg14 : memref<!tpu.dma_semaphore, #tpu.memory_space<semaphore_mem>>)
        %slice3A_1523 = vector.extract_strided_slice %get3A_335 {offsets = [7], sizes = [1], strides = [1]} : vector<16xi32> to vector<1xi32>
        %squeeze3A_1524 = vector.extract %slice3A_1523[0] : i32 from vector<1xi32>
        %shift_right_arithmetic3A_1525 = arith.constant 3 : i32
        %shift_right_arithmetic3A_1526 = arith.shrsi %squeeze3A_1524, %shift_right_arithmetic3A_1525 : i32
        %mul3A_1527 = arith.constant 8 : i32
        %mul3A_1528 = arith.muli %shift_right_arithmetic3A_1526, %mul3A_1527 : i32
        %multiple_of3A_1529 = tpu.assume_multiple %mul3A_1528, 8 : i32
        %dma_start3A_1530 = arith.constant 7 : i32
        %dma_start3A_1531 = arith.constant 0 : i32
        %dma_start3A_1532 = arith.constant 0 : i32
        %dma_start3A_1533 = tpu.memref_slice %arg6[%dma_start3A_1530, %dma_start3A_1531, %dma_start3A_1532] : memref<16x8x50xi32, #tpu.memory_space<vmem>> -> memref<1x8x50xi32, #tpu.memory_space<vmem>>
        %dma_start3A_1534 = tpu.memref_squeeze %dma_start3A_1533 : memref<1x8x50xi32, #tpu.memory_space<vmem>> -> memref<8x50xi32, #tpu.memory_space<vmem>>
        %dma_start3A_1535 = arith.constant 0 : i32
        %dma_start3A_1536 = tpu.memref_slice %arg3[%multiple_of3A_1529, %dma_start3A_1535] : memref<100000x50xi32, #tpu.memory_space<hbm>> -> memref<8x50xi32, #tpu.memory_space<hbm>>
        %dma_start3A_1537 = arith.constant 0 : i32
        %dma_start3A_1538 = arith.constant 0 : i32
        %dma_start3A_1539 = tpu.memref_slice %arg6[%dma_start3A_1530, %dma_start3A_1537, %dma_start3A_1538] : memref<16x8x50xi32, #tpu.memory_space<vmem>> -> memref<1x8x50xi32, #tpu.memory_space<vmem>>
        %dma_start3A_1540 = tpu.memref_squeeze %dma_start3A_1539 : memref<1x8x50xi32, #tpu.memory_space<vmem>> -> memref<8x50xi32, #tpu.memory_space<vmem>>
        %dma_start3A_1541 = arith.constant 0 : i32
        %dma_start3A_1542 = tpu.memref_slice %arg3[%multiple_of3A_1529, %dma_start3A_1541] : memref<100000x50xi32, #tpu.memory_space<hbm>> -> memref<8x50xi32, #tpu.memory_space<hbm>>
        tpu.enqueue_dma source(%dma_start3A_1542 : memref<8x50xi32, #tpu.memory_space<hbm>>) target(%dma_start3A_1540 : memref<8x50xi32, #tpu.memory_space<vmem>>) target_semaphore(%arg15 : memref<!tpu.dma_semaphore, #tpu.memory_space<semaphore_mem>>)
      } else {
      }
      %mul3A_856 = arith.constant 16 : i32
      %mul3A_857 = arith.muli %scan3A_324, %mul3A_856 : i32
      %add3A_858 = arith.constant 8 : i32
      %add3A_859 = arith.addi %mul3A_857, %add3A_858 : i32
      %dma_wait3A_860 = arith.constant 8 : i32
      %dma_wait3A_861 = arith.constant 0 : i32
      %dma_wait3A_862 = arith.constant 0 : i32
      %dma_wait3A_863 = tpu.memref_slice %arg6[%dma_wait3A_860, %dma_wait3A_861, %dma_wait3A_862] : memref<16x8x50xi32, #tpu.memory_space<vmem>> -> memref<1x8x50xi32, #tpu.memory_space<vmem>>
      %dma_wait3A_864 = tpu.memref_squeeze %dma_wait3A_863 : memref<1x8x50xi32, #tpu.memory_space<vmem>> -> memref<8x50xi32, #tpu.memory_space<vmem>>
      %dma_wait3A_865 = arith.constant 0 : i32
      %dma_wait3A_866 = arith.constant 0 : i32
      %dma_wait3A_867 = tpu.memref_slice %arg3[%dma_wait3A_865, %dma_wait3A_866] : memref<100000x50xi32, #tpu.memory_space<hbm>> -> memref<8x50xi32, #tpu.memory_space<hbm>>
      %dma_wait3A_868 = arith.constant 0 : i32
      %dma_wait3A_869 = arith.constant 0 : i32
      %dma_wait3A_870 = tpu.memref_slice %arg6[%dma_wait3A_860, %dma_wait3A_868, %dma_wait3A_869] : memref<16x8x50xi32, #tpu.memory_space<vmem>> -> memref<1x8x50xi32, #tpu.memory_space<vmem>>
      %dma_wait3A_871 = tpu.memref_squeeze %dma_wait3A_870 : memref<1x8x50xi32, #tpu.memory_space<vmem>> -> memref<8x50xi32, #tpu.memory_space<vmem>>
      %dma_wait3A_872 = arith.constant 0 : i32
      %dma_wait3A_873 = arith.constant 0 : i32
      %dma_wait3A_874 = tpu.memref_slice %arg3[%dma_wait3A_872, %dma_wait3A_873] : memref<100000x50xi32, #tpu.memory_space<hbm>> -> memref<8x50xi32, #tpu.memory_space<hbm>>
      tpu.wait_dma2 semaphore(%arg16 : memref<!tpu.dma_semaphore, #tpu.memory_space<semaphore_mem>>) src(%dma_wait3A_874 : memref<8x50xi32, #tpu.memory_space<hbm>>) dst(%dma_wait3A_871 : memref<8x50xi32, #tpu.memory_space<vmem>>)
      %slice3A_875 = vector.extract_strided_slice %get3A_328 {offsets = [8], sizes = [1], strides = [1]} : vector<16xi32> to vector<1xi32>
      %squeeze3A_876 = vector.extract %slice3A_875[0] : i32 from vector<1xi32>
      %and3A_877 = arith.constant 7 : i32
      %and3A_878 = arith.andi %squeeze3A_876, %and3A_877 : i32
      %get3A_879 = arith.constant 8 : i32
      %get3A_880 = arith.index_cast %get3A_879 : i32 to index
      %get3A_881 = arith.index_cast %and3A_878 : i32 to index
      %get3A_882 = arith.constant 0 : index
      %get3A_883 = tpu.vector_load %arg6[%get3A_880, %get3A_881, %get3A_882] {strides = array<i32>} : memref<16x8x50xi32, #tpu.memory_space<vmem>>, vector<16xi32>,
      %swap3A_884 = arith.index_cast %add3A_859 : i32 to index
      %swap3A_885 = arith.constant 0 : index
      %swap3A_886 = tpu.vector_load %arg7[%swap3A_884, %swap3A_885] {strides = array<i32>} : memref<512x50xi32, #tpu.memory_space<vmem>>, vector<16xi32>,
      tpu.vector_store %arg7[%swap3A_884, %swap3A_885], %get3A_883 {strides = array<i32>} : memref<512x50xi32, #tpu.memory_space<vmem>>, vector<16xi32>,
      %get3A_887 = arith.constant 8 : i32
      %get3A_888 = arith.index_cast %get3A_887 : i32 to index
      %get3A_889 = arith.index_cast %and3A_878 : i32 to index
      %get3A_890 = arith.constant 16 : index
      %get3A_891 = tpu.vector_load %arg6[%get3A_888, %get3A_889, %get3A_890] {strides = array<i32>} : memref<16x8x50xi32, #tpu.memory_space<vmem>>, vector<16xi32>,
      %swap3A_892 = arith.index_cast %add3A_859 : i32 to index
      %swap3A_893 = arith.constant 16 : index
      %swap3A_894 = tpu.vector_load %arg7[%swap3A_892, %swap3A_893] {strides = array<i32>} : memref<512x50xi32, #tpu.memory_space<vmem>>, vector<16xi32>,
      tpu.vector_store %arg7[%swap3A_892, %swap3A_893], %get3A_891 {strides = array<i32>} : memref<512x50xi32, #tpu.memory_space<vmem>>, vector<16xi32>,
      %get3A_895 = arith.constant 8 : i32
      %get3A_896 = arith.index_cast %get3A_895 : i32 to index
      %get3A_897 = arith.index_cast %and3A_878 : i32 to index
      %get3A_898 = arith.constant 32 : index
      %get3A_899 = tpu.vector_load %arg6[%get3A_896, %get3A_897, %get3A_898] {strides = array<i32>} : memref<16x8x50xi32, #tpu.memory_space<vmem>>, vector<16xi32>,
      %swap3A_900 = arith.index_cast %add3A_859 : i32 to index
      %swap3A_901 = arith.constant 32 : index
      %swap3A_902 = tpu.vector_load %arg7[%swap3A_900, %swap3A_901] {strides = array<i32>} : memref<512x50xi32, #tpu.memory_space<vmem>>, vector<16xi32>,
      tpu.vector_store %arg7[%swap3A_900, %swap3A_901], %get3A_899 {strides = array<i32>} : memref<512x50xi32, #tpu.memory_space<vmem>>, vector<16xi32>,
      %mul3A_903 = arith.constant 0 : i32
      %mul3A_904 = vector.broadcast %mul3A_903 : i32 to vector<16xi32>
      %mul3A_905 = arith.muli %iota3A, %mul3A_904 : vector<16xi32>
      %add3A_906 = arith.constant 8 : i32
      %add3A_907 = vector.broadcast %add3A_906 : i32 to vector<16xi32>
      %add3A_908 = arith.addi %mul3A_905, %add3A_907 : vector<16xi32>
      %mul3A_909 = arith.constant 0 : i32
      %mul3A_910 = vector.broadcast %mul3A_909 : i32 to vector<16xi32>
      %mul3A_911 = arith.muli %iota3A, %mul3A_910 : vector<16xi32>
      %add3A_912 = vector.broadcast %and3A_878 : i32 to vector<16xi32>
      %add3A_913 = arith.addi %mul3A_911, %add3A_912 : vector<16xi32>
      %add3A_914 = arith.constant 34 : i32
      %add3A_915 = vector.broadcast %add3A_914 : i32 to vector<16xi32>
      %add3A_916 = arith.addi %iota3A, %add3A_915 : vector<16xi32>
      %gather3A_917 = tpu.vector_load_idx %arg6[%add3A_908, %add3A_913, %add3A_916] : memref<16x8x50xi32, #tpu.memory_space<vmem>>[vector<16xi32>, vector<16xi32>, vector<16xi32>], vector<16xi32>,
      %swap3A_918 = arith.index_cast %add3A_859 : i32 to index
      %swap3A_919 = arith.constant 34 : index
      %swap3A_920 = tpu.vector_load %arg7[%swap3A_918, %swap3A_919] {strides = array<i32>} : memref<512x50xi32, #tpu.memory_space<vmem>>, vector<16xi32>,
      tpu.vector_store %arg7[%swap3A_918, %swap3A_919], %gather3A_917 {strides = array<i32>} : memref<512x50xi32, #tpu.memory_space<vmem>>, vector<16xi32>,
      %mul3A_921 = arith.constant 16 : i32
      %mul3A_922 = arith.muli %scan3A_324, %mul3A_921 : i32
      %add3A_923 = arith.constant 9 : i32
      %add3A_924 = arith.addi %mul3A_922, %add3A_923 : i32
      %dma_wait3A_925 = arith.constant 9 : i32
      %dma_wait3A_926 = arith.constant 0 : i32
      %dma_wait3A_927 = arith.constant 0 : i32
      %dma_wait3A_928 = tpu.memref_slice %arg6[%dma_wait3A_925, %dma_wait3A_926, %dma_wait3A_927] : memref<16x8x50xi32, #tpu.memory_space<vmem>> -> memref<1x8x50xi32, #tpu.memory_space<vmem>>
      %dma_wait3A_929 = tpu.memref_squeeze %dma_wait3A_928 : memref<1x8x50xi32, #tpu.memory_space<vmem>> -> memref<8x50xi32, #tpu.memory_space<vmem>>
      %dma_wait3A_930 = arith.constant 0 : i32
      %dma_wait3A_931 = arith.constant 0 : i32
      %dma_wait3A_932 = tpu.memref_slice %arg3[%dma_wait3A_930, %dma_wait3A_931] : memref<100000x50xi32, #tpu.memory_space<hbm>> -> memref<8x50xi32, #tpu.memory_space<hbm>>
      %dma_wait3A_933 = arith.constant 0 : i32
      %dma_wait3A_934 = arith.constant 0 : i32
      %dma_wait3A_935 = tpu.memref_slice %arg6[%dma_wait3A_925, %dma_wait3A_933, %dma_wait3A_934] : memref<16x8x50xi32, #tpu.memory_space<vmem>> -> memref<1x8x50xi32, #tpu.memory_space<vmem>>
      %dma_wait3A_936 = tpu.memref_squeeze %dma_wait3A_935 : memref<1x8x50xi32, #tpu.memory_space<vmem>> -> memref<8x50xi32, #tpu.memory_space<vmem>>
      %dma_wait3A_937 = arith.constant 0 : i32
      %dma_wait3A_938 = arith.constant 0 : i32
      %dma_wait3A_939 = tpu.memref_slice %arg3[%dma_wait3A_937, %dma_wait3A_938] : memref<100000x50xi32, #tpu.memory_space<hbm>> -> memref<8x50xi32, #tpu.memory_space<hbm>>
      tpu.wait_dma2 semaphore(%arg17 : memref<!tpu.dma_semaphore, #tpu.memory_space<semaphore_mem>>) src(%dma_wait3A_939 : memref<8x50xi32, #tpu.memory_space<hbm>>) dst(%dma_wait3A_936 : memref<8x50xi32, #tpu.memory_space<vmem>>)
      %slice3A_940 = vector.extract_strided_slice %get3A_328 {offsets = [9], sizes = [1], strides = [1]} : vector<16xi32> to vector<1xi32>
      %squeeze3A_941 = vector.extract %slice3A_940[0] : i32 from vector<1xi32>
      %and3A_942 = arith.constant 7 : i32
      %and3A_943 = arith.andi %squeeze3A_941, %and3A_942 : i32
      %get3A_944 = arith.constant 9 : i32
      %get3A_945 = arith.index_cast %get3A_944 : i32 to index
      %get3A_946 = arith.index_cast %and3A_943 : i32 to index
      %get3A_947 = arith.constant 0 : index
      %get3A_948 = tpu.vector_load %arg6[%get3A_945, %get3A_946, %get3A_947] {strides = array<i32>} : memref<16x8x50xi32, #tpu.memory_space<vmem>>, vector<16xi32>,
      %swap3A_949 = arith.index_cast %add3A_924 : i32 to index
      %swap3A_950 = arith.constant 0 : index
      %swap3A_951 = tpu.vector_load %arg7[%swap3A_949, %swap3A_950] {strides = array<i32>} : memref<512x50xi32, #tpu.memory_space<vmem>>, vector<16xi32>,
      tpu.vector_store %arg7[%swap3A_949, %swap3A_950], %get3A_948 {strides = array<i32>} : memref<512x50xi32, #tpu.memory_space<vmem>>, vector<16xi32>,
      %get3A_952 = arith.constant 9 : i32
      %get3A_953 = arith.index_cast %get3A_952 : i32 to index
      %get3A_954 = arith.index_cast %and3A_943 : i32 to index
      %get3A_955 = arith.constant 16 : index
      %get3A_956 = tpu.vector_load %arg6[%get3A_953, %get3A_954, %get3A_955] {strides = array<i32>} : memref<16x8x50xi32, #tpu.memory_space<vmem>>, vector<16xi32>,
      %swap3A_957 = arith.index_cast %add3A_924 : i32 to index
      %swap3A_958 = arith.constant 16 : index
      %swap3A_959 = tpu.vector_load %arg7[%swap3A_957, %swap3A_958] {strides = array<i32>} : memref<512x50xi32, #tpu.memory_space<vmem>>, vector<16xi32>,
      tpu.vector_store %arg7[%swap3A_957, %swap3A_958], %get3A_956 {strides = array<i32>} : memref<512x50xi32, #tpu.memory_space<vmem>>, vector<16xi32>,
      %get3A_960 = arith.constant 9 : i32
      %get3A_961 = arith.index_cast %get3A_960 : i32 to index
      %get3A_962 = arith.index_cast %and3A_943 : i32 to index
      %get3A_963 = arith.constant 32 : index
      %get3A_964 = tpu.vector_load %arg6[%get3A_961, %get3A_962, %get3A_963] {strides = array<i32>} : memref<16x8x50xi32, #tpu.memory_space<vmem>>, vector<16xi32>,
      %swap3A_965 = arith.index_cast %add3A_924 : i32 to index
      %swap3A_966 = arith.constant 32 : index
      %swap3A_967 = tpu.vector_load %arg7[%swap3A_965, %swap3A_966] {strides = array<i32>} : memref<512x50xi32, #tpu.memory_space<vmem>>, vector<16xi32>,
      tpu.vector_store %arg7[%swap3A_965, %swap3A_966], %get3A_964 {strides = array<i32>} : memref<512x50xi32, #tpu.memory_space<vmem>>, vector<16xi32>,
      %mul3A_968 = arith.constant 0 : i32
      %mul3A_969 = vector.broadcast %mul3A_968 : i32 to vector<16xi32>
      %mul3A_970 = arith.muli %iota3A, %mul3A_969 : vector<16xi32>
      %add3A_971 = arith.constant 9 : i32
      %add3A_972 = vector.broadcast %add3A_971 : i32 to vector<16xi32>
      %add3A_973 = arith.addi %mul3A_970, %add3A_972 : vector<16xi32>
      %mul3A_974 = arith.constant 0 : i32
      %mul3A_975 = vector.broadcast %mul3A_974 : i32 to vector<16xi32>
      %mul3A_976 = arith.muli %iota3A, %mul3A_975 : vector<16xi32>
      %add3A_977 = vector.broadcast %and3A_943 : i32 to vector<16xi32>
      %add3A_978 = arith.addi %mul3A_976, %add3A_977 : vector<16xi32>
      %add3A_979 = arith.constant 34 : i32
      %add3A_980 = vector.broadcast %add3A_979 : i32 to vector<16xi32>
      %add3A_981 = arith.addi %iota3A, %add3A_980 : vector<16xi32>
      %gather3A_982 = tpu.vector_load_idx %arg6[%add3A_973, %add3A_978, %add3A_981] : memref<16x8x50xi32, #tpu.memory_space<vmem>>[vector<16xi32>, vector<16xi32>, vector<16xi32>], vector<16xi32>,
      %swap3A_983 = arith.index_cast %add3A_924 : i32 to index
      %swap3A_984 = arith.constant 34 : index
      %swap3A_985 = tpu.vector_load %arg7[%swap3A_983, %swap3A_984] {strides = array<i32>} : memref<512x50xi32, #tpu.memory_space<vmem>>, vector<16xi32>,
      tpu.vector_store %arg7[%swap3A_983, %swap3A_984], %gather3A_982 {strides = array<i32>} : memref<512x50xi32, #tpu.memory_space<vmem>>, vector<16xi32>,
      %mul3A_986 = arith.constant 16 : i32
      %mul3A_987 = arith.muli %scan3A_324, %mul3A_986 : i32
      %add3A_988 = arith.constant 10 : i32
      %add3A_989 = arith.addi %mul3A_987, %add3A_988 : i32
      %dma_wait3A_990 = arith.constant 10 : i32
      %dma_wait3A_991 = arith.constant 0 : i32
      %dma_wait3A_992 = arith.constant 0 : i32
      %dma_wait3A_993 = tpu.memref_slice %arg6[%dma_wait3A_990, %dma_wait3A_991, %dma_wait3A_992] : memref<16x8x50xi32, #tpu.memory_space<vmem>> -> memref<1x8x50xi32, #tpu.memory_space<vmem>>
      %dma_wait3A_994 = tpu.memref_squeeze %dma_wait3A_993 : memref<1x8x50xi32, #tpu.memory_space<vmem>> -> memref<8x50xi32, #tpu.memory_space<vmem>>
      %dma_wait3A_995 = arith.constant 0 : i32
      %dma_wait3A_996 = arith.constant 0 : i32
      %dma_wait3A_997 = tpu.memref_slice %arg3[%dma_wait3A_995, %dma_wait3A_996] : memref<100000x50xi32, #tpu.memory_space<hbm>> -> memref<8x50xi32, #tpu.memory_space<hbm>>
      %dma_wait3A_998 = arith.constant 0 : i32
      %dma_wait3A_999 = arith.constant 0 : i32
      %dma_wait3A_1000 = tpu.memref_slice %arg6[%dma_wait3A_990, %dma_wait3A_998, %dma_wait3A_999] : memref<16x8x50xi32, #tpu.memory_space<vmem>> -> memref<1x8x50xi32, #tpu.memory_space<vmem>>
      %dma_wait3A_1001 = tpu.memref_squeeze %dma_wait3A_1000 : memref<1x8x50xi32, #tpu.memory_space<vmem>> -> memref<8x50xi32, #tpu.memory_space<vmem>>
      %dma_wait3A_1002 = arith.constant 0 : i32
      %dma_wait3A_1003 = arith.constant 0 : i32
      %dma_wait3A_1004 = tpu.memref_slice %arg3[%dma_wait3A_1002, %dma_wait3A_1003] : memref<100000x50xi32, #tpu.memory_space<hbm>> -> memref<8x50xi32, #tpu.memory_space<hbm>>
      tpu.wait_dma2 semaphore(%arg18 : memref<!tpu.dma_semaphore, #tpu.memory_space<semaphore_mem>>) src(%dma_wait3A_1004 : memref<8x50xi32, #tpu.memory_space<hbm>>) dst(%dma_wait3A_1001 : memref<8x50xi32, #tpu.memory_space<vmem>>)
      %slice3A_1005 = vector.extract_strided_slice %get3A_328 {offsets = [10], sizes = [1], strides = [1]} : vector<16xi32> to vector<1xi32>
      %squeeze3A_1006 = vector.extract %slice3A_1005[0] : i32 from vector<1xi32>
      %and3A_1007 = arith.constant 7 : i32
      %and3A_1008 = arith.andi %squeeze3A_1006, %and3A_1007 : i32
      %get3A_1009 = arith.constant 10 : i32
      %get3A_1010 = arith.index_cast %get3A_1009 : i32 to index
      %get3A_1011 = arith.index_cast %and3A_1008 : i32 to index
      %get3A_1012 = arith.constant 0 : index
      %get3A_1013 = tpu.vector_load %arg6[%get3A_1010, %get3A_1011, %get3A_1012] {strides = array<i32>} : memref<16x8x50xi32, #tpu.memory_space<vmem>>, vector<16xi32>,
      %swap3A_1014 = arith.index_cast %add3A_989 : i32 to index
      %swap3A_1015 = arith.constant 0 : index
      %swap3A_1016 = tpu.vector_load %arg7[%swap3A_1014, %swap3A_1015] {strides = array<i32>} : memref<512x50xi32, #tpu.memory_space<vmem>>, vector<16xi32>,
      tpu.vector_store %arg7[%swap3A_1014, %swap3A_1015], %get3A_1013 {strides = array<i32>} : memref<512x50xi32, #tpu.memory_space<vmem>>, vector<16xi32>,
      %get3A_1017 = arith.constant 10 : i32
      %get3A_1018 = arith.index_cast %get3A_1017 : i32 to index
      %get3A_1019 = arith.index_cast %and3A_1008 : i32 to index
      %get3A_1020 = arith.constant 16 : index
      %get3A_1021 = tpu.vector_load %arg6[%get3A_1018, %get3A_1019, %get3A_1020] {strides = array<i32>} : memref<16x8x50xi32, #tpu.memory_space<vmem>>, vector<16xi32>,
      %swap3A_1022 = arith.index_cast %add3A_989 : i32 to index
      %swap3A_1023 = arith.constant 16 : index
      %swap3A_1024 = tpu.vector_load %arg7[%swap3A_1022, %swap3A_1023] {strides = array<i32>} : memref<512x50xi32, #tpu.memory_space<vmem>>, vector<16xi32>,
      tpu.vector_store %arg7[%swap3A_1022, %swap3A_1023], %get3A_1021 {strides = array<i32>} : memref<512x50xi32, #tpu.memory_space<vmem>>, vector<16xi32>,
      %get3A_1025 = arith.constant 10 : i32
      %get3A_1026 = arith.index_cast %get3A_1025 : i32 to index
      %get3A_1027 = arith.index_cast %and3A_1008 : i32 to index
      %get3A_1028 = arith.constant 32 : index
      %get3A_1029 = tpu.vector_load %arg6[%get3A_1026, %get3A_1027, %get3A_1028] {strides = array<i32>} : memref<16x8x50xi32, #tpu.memory_space<vmem>>, vector<16xi32>,
      %swap3A_1030 = arith.index_cast %add3A_989 : i32 to index
      %swap3A_1031 = arith.constant 32 : index
      %swap3A_1032 = tpu.vector_load %arg7[%swap3A_1030, %swap3A_1031] {strides = array<i32>} : memref<512x50xi32, #tpu.memory_space<vmem>>, vector<16xi32>,
      tpu.vector_store %arg7[%swap3A_1030, %swap3A_1031], %get3A_1029 {strides = array<i32>} : memref<512x50xi32, #tpu.memory_space<vmem>>, vector<16xi32>,
      %mul3A_1033 = arith.constant 0 : i32
      %mul3A_1034 = vector.broadcast %mul3A_1033 : i32 to vector<16xi32>
      %mul3A_1035 = arith.muli %iota3A, %mul3A_1034 : vector<16xi32>
      %add3A_1036 = arith.constant 10 : i32
      %add3A_1037 = vector.broadcast %add3A_1036 : i32 to vector<16xi32>
      %add3A_1038 = arith.addi %mul3A_1035, %add3A_1037 : vector<16xi32>
      %mul3A_1039 = arith.constant 0 : i32
      %mul3A_1040 = vector.broadcast %mul3A_1039 : i32 to vector<16xi32>
      %mul3A_1041 = arith.muli %iota3A, %mul3A_1040 : vector<16xi32>
      %add3A_1042 = vector.broadcast %and3A_1008 : i32 to vector<16xi32>
      %add3A_1043 = arith.addi %mul3A_1041, %add3A_1042 : vector<16xi32>
      %add3A_1044 = arith.constant 34 : i32
      %add3A_1045 = vector.broadcast %add3A_1044 : i32 to vector<16xi32>
      %add3A_1046 = arith.addi %iota3A, %add3A_1045 : vector<16xi32>
      %gather3A_1047 = tpu.vector_load_idx %arg6[%add3A_1038, %add3A_1043, %add3A_1046] : memref<16x8x50xi32, #tpu.memory_space<vmem>>[vector<16xi32>, vector<16xi32>, vector<16xi32>], vector<16xi32>,
      %swap3A_1048 = arith.index_cast %add3A_989 : i32 to index
      %swap3A_1049 = arith.constant 34 : index
      %swap3A_1050 = tpu.vector_load %arg7[%swap3A_1048, %swap3A_1049] {strides = array<i32>} : memref<512x50xi32, #tpu.memory_space<vmem>>, vector<16xi32>,
      tpu.vector_store %arg7[%swap3A_1048, %swap3A_1049], %gather3A_1047 {strides = array<i32>} : memref<512x50xi32, #tpu.memory_space<vmem>>, vector<16xi32>,
      %mul3A_1051 = arith.constant 16 : i32
      %mul3A_1052 = arith.muli %scan3A_324, %mul3A_1051 : i32
      %add3A_1053 = arith.constant 11 : i32
      %add3A_1054 = arith.addi %mul3A_1052, %add3A_1053 : i32
      %dma_wait3A_1055 = arith.constant 11 : i32
      %dma_wait3A_1056 = arith.constant 0 : i32
      %dma_wait3A_1057 = arith.constant 0 : i32
      %dma_wait3A_1058 = tpu.memref_slice %arg6[%dma_wait3A_1055, %dma_wait3A_1056, %dma_wait3A_1057] : memref<16x8x50xi32, #tpu.memory_space<vmem>> -> memref<1x8x50xi32, #tpu.memory_space<vmem>>
      %dma_wait3A_1059 = tpu.memref_squeeze %dma_wait3A_1058 : memref<1x8x50xi32, #tpu.memory_space<vmem>> -> memref<8x50xi32, #tpu.memory_space<vmem>>
      %dma_wait3A_1060 = arith.constant 0 : i32
      %dma_wait3A_1061 = arith.constant 0 : i32
      %dma_wait3A_1062 = tpu.memref_slice %arg3[%dma_wait3A_1060, %dma_wait3A_1061] : memref<100000x50xi32, #tpu.memory_space<hbm>> -> memref<8x50xi32, #tpu.memory_space<hbm>>
      %dma_wait3A_1063 = arith.constant 0 : i32
      %dma_wait3A_1064 = arith.constant 0 : i32
      %dma_wait3A_1065 = tpu.memref_slice %arg6[%dma_wait3A_1055, %dma_wait3A_1063, %dma_wait3A_1064] : memref<16x8x50xi32, #tpu.memory_space<vmem>> -> memref<1x8x50xi32, #tpu.memory_space<vmem>>
      %dma_wait3A_1066 = tpu.memref_squeeze %dma_wait3A_1065 : memref<1x8x50xi32, #tpu.memory_space<vmem>> -> memref<8x50xi32, #tpu.memory_space<vmem>>
      %dma_wait3A_1067 = arith.constant 0 : i32
      %dma_wait3A_1068 = arith.constant 0 : i32
      %dma_wait3A_1069 = tpu.memref_slice %arg3[%dma_wait3A_1067, %dma_wait3A_1068] : memref<100000x50xi32, #tpu.memory_space<hbm>> -> memref<8x50xi32, #tpu.memory_space<hbm>>
      tpu.wait_dma2 semaphore(%arg19 : memref<!tpu.dma_semaphore, #tpu.memory_space<semaphore_mem>>) src(%dma_wait3A_1069 : memref<8x50xi32, #tpu.memory_space<hbm>>) dst(%dma_wait3A_1066 : memref<8x50xi32, #tpu.memory_space<vmem>>)
      %slice3A_1070 = vector.extract_strided_slice %get3A_328 {offsets = [11], sizes = [1], strides = [1]} : vector<16xi32> to vector<1xi32>
      %squeeze3A_1071 = vector.extract %slice3A_1070[0] : i32 from vector<1xi32>
      %and3A_1072 = arith.constant 7 : i32
      %and3A_1073 = arith.andi %squeeze3A_1071, %and3A_1072 : i32
      %get3A_1074 = arith.constant 11 : i32
      %get3A_1075 = arith.index_cast %get3A_1074 : i32 to index
      %get3A_1076 = arith.index_cast %and3A_1073 : i32 to index
      %get3A_1077 = arith.constant 0 : index
      %get3A_1078 = tpu.vector_load %arg6[%get3A_1075, %get3A_1076, %get3A_1077] {strides = array<i32>} : memref<16x8x50xi32, #tpu.memory_space<vmem>>, vector<16xi32>,
      %swap3A_1079 = arith.index_cast %add3A_1054 : i32 to index
      %swap3A_1080 = arith.constant 0 : index
      %swap3A_1081 = tpu.vector_load %arg7[%swap3A_1079, %swap3A_1080] {strides = array<i32>} : memref<512x50xi32, #tpu.memory_space<vmem>>, vector<16xi32>,
      tpu.vector_store %arg7[%swap3A_1079, %swap3A_1080], %get3A_1078 {strides = array<i32>} : memref<512x50xi32, #tpu.memory_space<vmem>>, vector<16xi32>,
      %get3A_1082 = arith.constant 11 : i32
      %get3A_1083 = arith.index_cast %get3A_1082 : i32 to index
      %get3A_1084 = arith.index_cast %and3A_1073 : i32 to index
      %get3A_1085 = arith.constant 16 : index
      %get3A_1086 = tpu.vector_load %arg6[%get3A_1083, %get3A_1084, %get3A_1085] {strides = array<i32>} : memref<16x8x50xi32, #tpu.memory_space<vmem>>, vector<16xi32>,
      %swap3A_1087 = arith.index_cast %add3A_1054 : i32 to index
      %swap3A_1088 = arith.constant 16 : index
      %swap3A_1089 = tpu.vector_load %arg7[%swap3A_1087, %swap3A_1088] {strides = array<i32>} : memref<512x50xi32, #tpu.memory_space<vmem>>, vector<16xi32>,
      tpu.vector_store %arg7[%swap3A_1087, %swap3A_1088], %get3A_1086 {strides = array<i32>} : memref<512x50xi32, #tpu.memory_space<vmem>>, vector<16xi32>,
      %get3A_1090 = arith.constant 11 : i32
      %get3A_1091 = arith.index_cast %get3A_1090 : i32 to index
      %get3A_1092 = arith.index_cast %and3A_1073 : i32 to index
      %get3A_1093 = arith.constant 32 : index
      %get3A_1094 = tpu.vector_load %arg6[%get3A_1091, %get3A_1092, %get3A_1093] {strides = array<i32>} : memref<16x8x50xi32, #tpu.memory_space<vmem>>, vector<16xi32>,
      %swap3A_1095 = arith.index_cast %add3A_1054 : i32 to index
      %swap3A_1096 = arith.constant 32 : index
      %swap3A_1097 = tpu.vector_load %arg7[%swap3A_1095, %swap3A_1096] {strides = array<i32>} : memref<512x50xi32, #tpu.memory_space<vmem>>, vector<16xi32>,
      tpu.vector_store %arg7[%swap3A_1095, %swap3A_1096], %get3A_1094 {strides = array<i32>} : memref<512x50xi32, #tpu.memory_space<vmem>>, vector<16xi32>,
      %mul3A_1098 = arith.constant 0 : i32
      %mul3A_1099 = vector.broadcast %mul3A_1098 : i32 to vector<16xi32>
      %mul3A_1100 = arith.muli %iota3A, %mul3A_1099 : vector<16xi32>
      %add3A_1101 = arith.constant 11 : i32
      %add3A_1102 = vector.broadcast %add3A_1101 : i32 to vector<16xi32>
      %add3A_1103 = arith.addi %mul3A_1100, %add3A_1102 : vector<16xi32>
      %mul3A_1104 = arith.constant 0 : i32
      %mul3A_1105 = vector.broadcast %mul3A_1104 : i32 to vector<16xi32>
      %mul3A_1106 = arith.muli %iota3A, %mul3A_1105 : vector<16xi32>
      %add3A_1107 = vector.broadcast %and3A_1073 : i32 to vector<16xi32>
      %add3A_1108 = arith.addi %mul3A_1106, %add3A_1107 : vector<16xi32>
      %add3A_1109 = arith.constant 34 : i32
      %add3A_1110 = vector.broadcast %add3A_1109 : i32 to vector<16xi32>
      %add3A_1111 = arith.addi %iota3A, %add3A_1110 : vector<16xi32>
      %gather3A_1112 = tpu.vector_load_idx %arg6[%add3A_1103, %add3A_1108, %add3A_1111] : memref<16x8x50xi32, #tpu.memory_space<vmem>>[vector<16xi32>, vector<16xi32>, vector<16xi32>], vector<16xi32>,
      %swap3A_1113 = arith.index_cast %add3A_1054 : i32 to index
      %swap3A_1114 = arith.constant 34 : index
      %swap3A_1115 = tpu.vector_load %arg7[%swap3A_1113, %swap3A_1114] {strides = array<i32>} : memref<512x50xi32, #tpu.memory_space<vmem>>, vector<16xi32>,
      tpu.vector_store %arg7[%swap3A_1113, %swap3A_1114], %gather3A_1112 {strides = array<i32>} : memref<512x50xi32, #tpu.memory_space<vmem>>, vector<16xi32>,
      %mul3A_1116 = arith.constant 16 : i32
      %mul3A_1117 = arith.muli %scan3A_324, %mul3A_1116 : i32
      %add3A_1118 = arith.constant 12 : i32
      %add3A_1119 = arith.addi %mul3A_1117, %add3A_1118 : i32
      %dma_wait3A_1120 = arith.constant 12 : i32
      %dma_wait3A_1121 = arith.constant 0 : i32
      %dma_wait3A_1122 = arith.constant 0 : i32
      %dma_wait3A_1123 = tpu.memref_slice %arg6[%dma_wait3A_1120, %dma_wait3A_1121, %dma_wait3A_1122] : memref<16x8x50xi32, #tpu.memory_space<vmem>> -> memref<1x8x50xi32, #tpu.memory_space<vmem>>
      %dma_wait3A_1124 = tpu.memref_squeeze %dma_wait3A_1123 : memref<1x8x50xi32, #tpu.memory_space<vmem>> -> memref<8x50xi32, #tpu.memory_space<vmem>>
      %dma_wait3A_1125 = arith.constant 0 : i32
      %dma_wait3A_1126 = arith.constant 0 : i32
      %dma_wait3A_1127 = tpu.memref_slice %arg3[%dma_wait3A_1125, %dma_wait3A_1126] : memref<100000x50xi32, #tpu.memory_space<hbm>> -> memref<8x50xi32, #tpu.memory_space<hbm>>
      %dma_wait3A_1128 = arith.constant 0 : i32
      %dma_wait3A_1129 = arith.constant 0 : i32
      %dma_wait3A_1130 = tpu.memref_slice %arg6[%dma_wait3A_1120, %dma_wait3A_1128, %dma_wait3A_1129] : memref<16x8x50xi32, #tpu.memory_space<vmem>> -> memref<1x8x50xi32, #tpu.memory_space<vmem>>
      %dma_wait3A_1131 = tpu.memref_squeeze %dma_wait3A_1130 : memref<1x8x50xi32, #tpu.memory_space<vmem>> -> memref<8x50xi32, #tpu.memory_space<vmem>>
      %dma_wait3A_1132 = arith.constant 0 : i32
      %dma_wait3A_1133 = arith.constant 0 : i32
      %dma_wait3A_1134 = tpu.memref_slice %arg3[%dma_wait3A_1132, %dma_wait3A_1133] : memref<100000x50xi32, #tpu.memory_space<hbm>> -> memref<8x50xi32, #tpu.memory_space<hbm>>
      tpu.wait_dma2 semaphore(%arg20 : memref<!tpu.dma_semaphore, #tpu.memory_space<semaphore_mem>>) src(%dma_wait3A_1134 : memref<8x50xi32, #tpu.memory_space<hbm>>) dst(%dma_wait3A_1131 : memref<8x50xi32, #tpu.memory_space<vmem>>)
      %slice3A_1135 = vector.extract_strided_slice %get3A_328 {offsets = [12], sizes = [1], strides = [1]} : vector<16xi32> to vector<1xi32>
      %squeeze3A_1136 = vector.extract %slice3A_1135[0] : i32 from vector<1xi32>
      %and3A_1137 = arith.constant 7 : i32
      %and3A_1138 = arith.andi %squeeze3A_1136, %and3A_1137 : i32
      %get3A_1139 = arith.constant 12 : i32
      %get3A_1140 = arith.index_cast %get3A_1139 : i32 to index
      %get3A_1141 = arith.index_cast %and3A_1138 : i32 to index
      %get3A_1142 = arith.constant 0 : index
      %get3A_1143 = tpu.vector_load %arg6[%get3A_1140, %get3A_1141, %get3A_1142] {strides = array<i32>} : memref<16x8x50xi32, #tpu.memory_space<vmem>>, vector<16xi32>,
      %swap3A_1144 = arith.index_cast %add3A_1119 : i32 to index
      %swap3A_1145 = arith.constant 0 : index
      %swap3A_1146 = tpu.vector_load %arg7[%swap3A_1144, %swap3A_1145] {strides = array<i32>} : memref<512x50xi32, #tpu.memory_space<vmem>>, vector<16xi32>,
      tpu.vector_store %arg7[%swap3A_1144, %swap3A_1145], %get3A_1143 {strides = array<i32>} : memref<512x50xi32, #tpu.memory_space<vmem>>, vector<16xi32>,
      %get3A_1147 = arith.constant 12 : i32
      %get3A_1148 = arith.index_cast %get3A_1147 : i32 to index
      %get3A_1149 = arith.index_cast %and3A_1138 : i32 to index
      %get3A_1150 = arith.constant 16 : index
      %get3A_1151 = tpu.vector_load %arg6[%get3A_1148, %get3A_1149, %get3A_1150] {strides = array<i32>} : memref<16x8x50xi32, #tpu.memory_space<vmem>>, vector<16xi32>,
      %swap3A_1152 = arith.index_cast %add3A_1119 : i32 to index
      %swap3A_1153 = arith.constant 16 : index
      %swap3A_1154 = tpu.vector_load %arg7[%swap3A_1152, %swap3A_1153] {strides = array<i32>} : memref<512x50xi32, #tpu.memory_space<vmem>>, vector<16xi32>,
      tpu.vector_store %arg7[%swap3A_1152, %swap3A_1153], %get3A_1151 {strides = array<i32>} : memref<512x50xi32, #tpu.memory_space<vmem>>, vector<16xi32>,
      %get3A_1155 = arith.constant 12 : i32
      %get3A_1156 = arith.index_cast %get3A_1155 : i32 to index
      %get3A_1157 = arith.index_cast %and3A_1138 : i32 to index
      %get3A_1158 = arith.constant 32 : index
      %get3A_1159 = tpu.vector_load %arg6[%get3A_1156, %get3A_1157, %get3A_1158] {strides = array<i32>} : memref<16x8x50xi32, #tpu.memory_space<vmem>>, vector<16xi32>,
      %swap3A_1160 = arith.index_cast %add3A_1119 : i32 to index
      %swap3A_1161 = arith.constant 32 : index
      %swap3A_1162 = tpu.vector_load %arg7[%swap3A_1160, %swap3A_1161] {strides = array<i32>} : memref<512x50xi32, #tpu.memory_space<vmem>>, vector<16xi32>,
      tpu.vector_store %arg7[%swap3A_1160, %swap3A_1161], %get3A_1159 {strides = array<i32>} : memref<512x50xi32, #tpu.memory_space<vmem>>, vector<16xi32>,
      %mul3A_1163 = arith.constant 0 : i32
      %mul3A_1164 = vector.broadcast %mul3A_1163 : i32 to vector<16xi32>
      %mul3A_1165 = arith.muli %iota3A, %mul3A_1164 : vector<16xi32>
      %add3A_1166 = arith.constant 12 : i32
      %add3A_1167 = vector.broadcast %add3A_1166 : i32 to vector<16xi32>
      %add3A_1168 = arith.addi %mul3A_1165, %add3A_1167 : vector<16xi32>
      %mul3A_1169 = arith.constant 0 : i32
      %mul3A_1170 = vector.broadcast %mul3A_1169 : i32 to vector<16xi32>
      %mul3A_1171 = arith.muli %iota3A, %mul3A_1170 : vector<16xi32>
      %add3A_1172 = vector.broadcast %and3A_1138 : i32 to vector<16xi32>
      %add3A_1173 = arith.addi %mul3A_1171, %add3A_1172 : vector<16xi32>
      %add3A_1174 = arith.constant 34 : i32
      %add3A_1175 = vector.broadcast %add3A_1174 : i32 to vector<16xi32>
      %add3A_1176 = arith.addi %iota3A, %add3A_1175 : vector<16xi32>
      %gather3A_1177 = tpu.vector_load_idx %arg6[%add3A_1168, %add3A_1173, %add3A_1176] : memref<16x8x50xi32, #tpu.memory_space<vmem>>[vector<16xi32>, vector<16xi32>, vector<16xi32>], vector<16xi32>,
      %swap3A_1178 = arith.index_cast %add3A_1119 : i32 to index
      %swap3A_1179 = arith.constant 34 : index
      %swap3A_1180 = tpu.vector_load %arg7[%swap3A_1178, %swap3A_1179] {strides = array<i32>} : memref<512x50xi32, #tpu.memory_space<vmem>>, vector<16xi32>,
      tpu.vector_store %arg7[%swap3A_1178, %swap3A_1179], %gather3A_1177 {strides = array<i32>} : memref<512x50xi32, #tpu.memory_space<vmem>>, vector<16xi32>,
      %mul3A_1181 = arith.constant 16 : i32
      %mul3A_1182 = arith.muli %scan3A_324, %mul3A_1181 : i32
      %add3A_1183 = arith.constant 13 : i32
      %add3A_1184 = arith.addi %mul3A_1182, %add3A_1183 : i32
      %dma_wait3A_1185 = arith.constant 13 : i32
      %dma_wait3A_1186 = arith.constant 0 : i32
      %dma_wait3A_1187 = arith.constant 0 : i32
      %dma_wait3A_1188 = tpu.memref_slice %arg6[%dma_wait3A_1185, %dma_wait3A_1186, %dma_wait3A_1187] : memref<16x8x50xi32, #tpu.memory_space<vmem>> -> memref<1x8x50xi32, #tpu.memory_space<vmem>>
      %dma_wait3A_1189 = tpu.memref_squeeze %dma_wait3A_1188 : memref<1x8x50xi32, #tpu.memory_space<vmem>> -> memref<8x50xi32, #tpu.memory_space<vmem>>
      %dma_wait3A_1190 = arith.constant 0 : i32
      %dma_wait3A_1191 = arith.constant 0 : i32
      %dma_wait3A_1192 = tpu.memref_slice %arg3[%dma_wait3A_1190, %dma_wait3A_1191] : memref<100000x50xi32, #tpu.memory_space<hbm>> -> memref<8x50xi32, #tpu.memory_space<hbm>>
      %dma_wait3A_1193 = arith.constant 0 : i32
      %dma_wait3A_1194 = arith.constant 0 : i32
      %dma_wait3A_1195 = tpu.memref_slice %arg6[%dma_wait3A_1185, %dma_wait3A_1193, %dma_wait3A_1194] : memref<16x8x50xi32, #tpu.memory_space<vmem>> -> memref<1x8x50xi32, #tpu.memory_space<vmem>>
      %dma_wait3A_1196 = tpu.memref_squeeze %dma_wait3A_1195 : memref<1x8x50xi32, #tpu.memory_space<vmem>> -> memref<8x50xi32, #tpu.memory_space<vmem>>
      %dma_wait3A_1197 = arith.constant 0 : i32
      %dma_wait3A_1198 = arith.constant 0 : i32
      %dma_wait3A_1199 = tpu.memref_slice %arg3[%dma_wait3A_1197, %dma_wait3A_1198] : memref<100000x50xi32, #tpu.memory_space<hbm>> -> memref<8x50xi32, #tpu.memory_space<hbm>>
      tpu.wait_dma2 semaphore(%arg21 : memref<!tpu.dma_semaphore, #tpu.memory_space<semaphore_mem>>) src(%dma_wait3A_1199 : memref<8x50xi32, #tpu.memory_space<hbm>>) dst(%dma_wait3A_1196 : memref<8x50xi32, #tpu.memory_space<vmem>>)
      %slice3A_1200 = vector.extract_strided_slice %get3A_328 {offsets = [13], sizes = [1], strides = [1]} : vector<16xi32> to vector<1xi32>
      %squeeze3A_1201 = vector.extract %slice3A_1200[0] : i32 from vector<1xi32>
      %and3A_1202 = arith.constant 7 : i32
      %and3A_1203 = arith.andi %squeeze3A_1201, %and3A_1202 : i32
      %get3A_1204 = arith.constant 13 : i32
      %get3A_1205 = arith.index_cast %get3A_1204 : i32 to index
      %get3A_1206 = arith.index_cast %and3A_1203 : i32 to index
      %get3A_1207 = arith.constant 0 : index
      %get3A_1208 = tpu.vector_load %arg6[%get3A_1205, %get3A_1206, %get3A_1207] {strides = array<i32>} : memref<16x8x50xi32, #tpu.memory_space<vmem>>, vector<16xi32>,
      %swap3A_1209 = arith.index_cast %add3A_1184 : i32 to index
      %swap3A_1210 = arith.constant 0 : index
      %swap3A_1211 = tpu.vector_load %arg7[%swap3A_1209, %swap3A_1210] {strides = array<i32>} : memref<512x50xi32, #tpu.memory_space<vmem>>, vector<16xi32>,
      tpu.vector_store %arg7[%swap3A_1209, %swap3A_1210], %get3A_1208 {strides = array<i32>} : memref<512x50xi32, #tpu.memory_space<vmem>>, vector<16xi32>,
      %get3A_1212 = arith.constant 13 : i32
      %get3A_1213 = arith.index_cast %get3A_1212 : i32 to index
      %get3A_1214 = arith.index_cast %and3A_1203 : i32 to index
      %get3A_1215 = arith.constant 16 : index
      %get3A_1216 = tpu.vector_load %arg6[%get3A_1213, %get3A_1214, %get3A_1215] {strides = array<i32>} : memref<16x8x50xi32, #tpu.memory_space<vmem>>, vector<16xi32>,
      %swap3A_1217 = arith.index_cast %add3A_1184 : i32 to index
      %swap3A_1218 = arith.constant 16 : index
      %swap3A_1219 = tpu.vector_load %arg7[%swap3A_1217, %swap3A_1218] {strides = array<i32>} : memref<512x50xi32, #tpu.memory_space<vmem>>, vector<16xi32>,
      tpu.vector_store %arg7[%swap3A_1217, %swap3A_1218], %get3A_1216 {strides = array<i32>} : memref<512x50xi32, #tpu.memory_space<vmem>>, vector<16xi32>,
      %get3A_1220 = arith.constant 13 : i32
      %get3A_1221 = arith.index_cast %get3A_1220 : i32 to index
      %get3A_1222 = arith.index_cast %and3A_1203 : i32 to index
      %get3A_1223 = arith.constant 32 : index
      %get3A_1224 = tpu.vector_load %arg6[%get3A_1221, %get3A_1222, %get3A_1223] {strides = array<i32>} : memref<16x8x50xi32, #tpu.memory_space<vmem>>, vector<16xi32>,
      %swap3A_1225 = arith.index_cast %add3A_1184 : i32 to index
      %swap3A_1226 = arith.constant 32 : index
      %swap3A_1227 = tpu.vector_load %arg7[%swap3A_1225, %swap3A_1226] {strides = array<i32>} : memref<512x50xi32, #tpu.memory_space<vmem>>, vector<16xi32>,
      tpu.vector_store %arg7[%swap3A_1225, %swap3A_1226], %get3A_1224 {strides = array<i32>} : memref<512x50xi32, #tpu.memory_space<vmem>>, vector<16xi32>,
      %mul3A_1228 = arith.constant 0 : i32
      %mul3A_1229 = vector.broadcast %mul3A_1228 : i32 to vector<16xi32>
      %mul3A_1230 = arith.muli %iota3A, %mul3A_1229 : vector<16xi32>
      %add3A_1231 = arith.constant 13 : i32
      %add3A_1232 = vector.broadcast %add3A_1231 : i32 to vector<16xi32>
      %add3A_1233 = arith.addi %mul3A_1230, %add3A_1232 : vector<16xi32>
      %mul3A_1234 = arith.constant 0 : i32
      %mul3A_1235 = vector.broadcast %mul3A_1234 : i32 to vector<16xi32>
      %mul3A_1236 = arith.muli %iota3A, %mul3A_1235 : vector<16xi32>
      %add3A_1237 = vector.broadcast %and3A_1203 : i32 to vector<16xi32>
      %add3A_1238 = arith.addi %mul3A_1236, %add3A_1237 : vector<16xi32>
      %add3A_1239 = arith.constant 34 : i32
      %add3A_1240 = vector.broadcast %add3A_1239 : i32 to vector<16xi32>
      %add3A_1241 = arith.addi %iota3A, %add3A_1240 : vector<16xi32>
      %gather3A_1242 = tpu.vector_load_idx %arg6[%add3A_1233, %add3A_1238, %add3A_1241] : memref<16x8x50xi32, #tpu.memory_space<vmem>>[vector<16xi32>, vector<16xi32>, vector<16xi32>], vector<16xi32>,
      %swap3A_1243 = arith.index_cast %add3A_1184 : i32 to index
      %swap3A_1244 = arith.constant 34 : index
      %swap3A_1245 = tpu.vector_load %arg7[%swap3A_1243, %swap3A_1244] {strides = array<i32>} : memref<512x50xi32, #tpu.memory_space<vmem>>, vector<16xi32>,
      tpu.vector_store %arg7[%swap3A_1243, %swap3A_1244], %gather3A_1242 {strides = array<i32>} : memref<512x50xi32, #tpu.memory_space<vmem>>, vector<16xi32>,
      %mul3A_1246 = arith.constant 16 : i32
      %mul3A_1247 = arith.muli %scan3A_324, %mul3A_1246 : i32
      %add3A_1248 = arith.constant 14 : i32
      %add3A_1249 = arith.addi %mul3A_1247, %add3A_1248 : i32
      %dma_wait3A_1250 = arith.constant 14 : i32
      %dma_wait3A_1251 = arith.constant 0 : i32
      %dma_wait3A_1252 = arith.constant 0 : i32
      %dma_wait3A_1253 = tpu.memref_slice %arg6[%dma_wait3A_1250, %dma_wait3A_1251, %dma_wait3A_1252] : memref<16x8x50xi32, #tpu.memory_space<vmem>> -> memref<1x8x50xi32, #tpu.memory_space<vmem>>
      %dma_wait3A_1254 = tpu.memref_squeeze %dma_wait3A_1253 : memref<1x8x50xi32, #tpu.memory_space<vmem>> -> memref<8x50xi32, #tpu.memory_space<vmem>>
      %dma_wait3A_1255 = arith.constant 0 : i32
      %dma_wait3A_1256 = arith.constant 0 : i32
      %dma_wait3A_1257 = tpu.memref_slice %arg3[%dma_wait3A_1255, %dma_wait3A_1256] : memref<100000x50xi32, #tpu.memory_space<hbm>> -> memref<8x50xi32, #tpu.memory_space<hbm>>
      %dma_wait3A_1258 = arith.constant 0 : i32
      %dma_wait3A_1259 = arith.constant 0 : i32
      %dma_wait3A_1260 = tpu.memref_slice %arg6[%dma_wait3A_1250, %dma_wait3A_1258, %dma_wait3A_1259] : memref<16x8x50xi32, #tpu.memory_space<vmem>> -> memref<1x8x50xi32, #tpu.memory_space<vmem>>
      %dma_wait3A_1261 = tpu.memref_squeeze %dma_wait3A_1260 : memref<1x8x50xi32, #tpu.memory_space<vmem>> -> memref<8x50xi32, #tpu.memory_space<vmem>>
      %dma_wait3A_1262 = arith.constant 0 : i32
      %dma_wait3A_1263 = arith.constant 0 : i32
      %dma_wait3A_1264 = tpu.memref_slice %arg3[%dma_wait3A_1262, %dma_wait3A_1263] : memref<100000x50xi32, #tpu.memory_space<hbm>> -> memref<8x50xi32, #tpu.memory_space<hbm>>
      tpu.wait_dma2 semaphore(%arg22 : memref<!tpu.dma_semaphore, #tpu.memory_space<semaphore_mem>>) src(%dma_wait3A_1264 : memref<8x50xi32, #tpu.memory_space<hbm>>) dst(%dma_wait3A_1261 : memref<8x50xi32, #tpu.memory_space<vmem>>)
      %slice3A_1265 = vector.extract_strided_slice %get3A_328 {offsets = [14], sizes = [1], strides = [1]} : vector<16xi32> to vector<1xi32>
      %squeeze3A_1266 = vector.extract %slice3A_1265[0] : i32 from vector<1xi32>
      %and3A_1267 = arith.constant 7 : i32
      %and3A_1268 = arith.andi %squeeze3A_1266, %and3A_1267 : i32
      %get3A_1269 = arith.constant 14 : i32
      %get3A_1270 = arith.index_cast %get3A_1269 : i32 to index
      %get3A_1271 = arith.index_cast %and3A_1268 : i32 to index
      %get3A_1272 = arith.constant 0 : index
      %get3A_1273 = tpu.vector_load %arg6[%get3A_1270, %get3A_1271, %get3A_1272] {strides = array<i32>} : memref<16x8x50xi32, #tpu.memory_space<vmem>>, vector<16xi32>,
      %swap3A_1274 = arith.index_cast %add3A_1249 : i32 to index
      %swap3A_1275 = arith.constant 0 : index
      %swap3A_1276 = tpu.vector_load %arg7[%swap3A_1274, %swap3A_1275] {strides = array<i32>} : memref<512x50xi32, #tpu.memory_space<vmem>>, vector<16xi32>,
      tpu.vector_store %arg7[%swap3A_1274, %swap3A_1275], %get3A_1273 {strides = array<i32>} : memref<512x50xi32, #tpu.memory_space<vmem>>, vector<16xi32>,
      %get3A_1277 = arith.constant 14 : i32
      %get3A_1278 = arith.index_cast %get3A_1277 : i32 to index
      %get3A_1279 = arith.index_cast %and3A_1268 : i32 to index
      %get3A_1280 = arith.constant 16 : index
      %get3A_1281 = tpu.vector_load %arg6[%get3A_1278, %get3A_1279, %get3A_1280] {strides = array<i32>} : memref<16x8x50xi32, #tpu.memory_space<vmem>>, vector<16xi32>,
      %swap3A_1282 = arith.index_cast %add3A_1249 : i32 to index
      %swap3A_1283 = arith.constant 16 : index
      %swap3A_1284 = tpu.vector_load %arg7[%swap3A_1282, %swap3A_1283] {strides = array<i32>} : memref<512x50xi32, #tpu.memory_space<vmem>>, vector<16xi32>,
      tpu.vector_store %arg7[%swap3A_1282, %swap3A_1283], %get3A_1281 {strides = array<i32>} : memref<512x50xi32, #tpu.memory_space<vmem>>, vector<16xi32>,
      %get3A_1285 = arith.constant 14 : i32
      %get3A_1286 = arith.index_cast %get3A_1285 : i32 to index
      %get3A_1287 = arith.index_cast %and3A_1268 : i32 to index
      %get3A_1288 = arith.constant 32 : index
      %get3A_1289 = tpu.vector_load %arg6[%get3A_1286, %get3A_1287, %get3A_1288] {strides = array<i32>} : memref<16x8x50xi32, #tpu.memory_space<vmem>>, vector<16xi32>,
      %swap3A_1290 = arith.index_cast %add3A_1249 : i32 to index
      %swap3A_1291 = arith.constant 32 : index
      %swap3A_1292 = tpu.vector_load %arg7[%swap3A_1290, %swap3A_1291] {strides = array<i32>} : memref<512x50xi32, #tpu.memory_space<vmem>>, vector<16xi32>,
      tpu.vector_store %arg7[%swap3A_1290, %swap3A_1291], %get3A_1289 {strides = array<i32>} : memref<512x50xi32, #tpu.memory_space<vmem>>, vector<16xi32>,
      %mul3A_1293 = arith.constant 0 : i32
      %mul3A_1294 = vector.broadcast %mul3A_1293 : i32 to vector<16xi32>
      %mul3A_1295 = arith.muli %iota3A, %mul3A_1294 : vector<16xi32>
      %add3A_1296 = arith.constant 14 : i32
      %add3A_1297 = vector.broadcast %add3A_1296 : i32 to vector<16xi32>
      %add3A_1298 = arith.addi %mul3A_1295, %add3A_1297 : vector<16xi32>
      %mul3A_1299 = arith.constant 0 : i32
      %mul3A_1300 = vector.broadcast %mul3A_1299 : i32 to vector<16xi32>
      %mul3A_1301 = arith.muli %iota3A, %mul3A_1300 : vector<16xi32>
      %add3A_1302 = vector.broadcast %and3A_1268 : i32 to vector<16xi32>
      %add3A_1303 = arith.addi %mul3A_1301, %add3A_1302 : vector<16xi32>
      %add3A_1304 = arith.constant 34 : i32
      %add3A_1305 = vector.broadcast %add3A_1304 : i32 to vector<16xi32>
      %add3A_1306 = arith.addi %iota3A, %add3A_1305 : vector<16xi32>
      %gather3A_1307 = tpu.vector_load_idx %arg6[%add3A_1298, %add3A_1303, %add3A_1306] : memref<16x8x50xi32, #tpu.memory_space<vmem>>[vector<16xi32>, vector<16xi32>, vector<16xi32>], vector<16xi32>,
      %swap3A_1308 = arith.index_cast %add3A_1249 : i32 to index
      %swap3A_1309 = arith.constant 34 : index
      %swap3A_1310 = tpu.vector_load %arg7[%swap3A_1308, %swap3A_1309] {strides = array<i32>} : memref<512x50xi32, #tpu.memory_space<vmem>>, vector<16xi32>,
      tpu.vector_store %arg7[%swap3A_1308, %swap3A_1309], %gather3A_1307 {strides = array<i32>} : memref<512x50xi32, #tpu.memory_space<vmem>>, vector<16xi32>,
      %mul3A_1311 = arith.constant 16 : i32
      %mul3A_1312 = arith.muli %scan3A_324, %mul3A_1311 : i32
      %add3A_1313 = arith.constant 15 : i32
      %add3A_1314 = arith.addi %mul3A_1312, %add3A_1313 : i32
      %dma_wait3A_1315 = arith.constant 15 : i32
      %dma_wait3A_1316 = arith.constant 0 : i32
      %dma_wait3A_1317 = arith.constant 0 : i32
      %dma_wait3A_1318 = tpu.memref_slice %arg6[%dma_wait3A_1315, %dma_wait3A_1316, %dma_wait3A_1317] : memref<16x8x50xi32, #tpu.memory_space<vmem>> -> memref<1x8x50xi32, #tpu.memory_space<vmem>>
      %dma_wait3A_1319 = tpu.memref_squeeze %dma_wait3A_1318 : memref<1x8x50xi32, #tpu.memory_space<vmem>> -> memref<8x50xi32, #tpu.memory_space<vmem>>
      %dma_wait3A_1320 = arith.constant 0 : i32
      %dma_wait3A_1321 = arith.constant 0 : i32
      %dma_wait3A_1322 = tpu.memref_slice %arg3[%dma_wait3A_1320, %dma_wait3A_1321] : memref<100000x50xi32, #tpu.memory_space<hbm>> -> memref<8x50xi32, #tpu.memory_space<hbm>>
      %dma_wait3A_1323 = arith.constant 0 : i32
      %dma_wait3A_1324 = arith.constant 0 : i32
      %dma_wait3A_1325 = tpu.memref_slice %arg6[%dma_wait3A_1315, %dma_wait3A_1323, %dma_wait3A_1324] : memref<16x8x50xi32, #tpu.memory_space<vmem>> -> memref<1x8x50xi32, #tpu.memory_space<vmem>>
      %dma_wait3A_1326 = tpu.memref_squeeze %dma_wait3A_1325 : memref<1x8x50xi32, #tpu.memory_space<vmem>> -> memref<8x50xi32, #tpu.memory_space<vmem>>
      %dma_wait3A_1327 = arith.constant 0 : i32
      %dma_wait3A_1328 = arith.constant 0 : i32
      %dma_wait3A_1329 = tpu.memref_slice %arg3[%dma_wait3A_1327, %dma_wait3A_1328] : memref<100000x50xi32, #tpu.memory_space<hbm>> -> memref<8x50xi32, #tpu.memory_space<hbm>>
      tpu.wait_dma2 semaphore(%arg23 : memref<!tpu.dma_semaphore, #tpu.memory_space<semaphore_mem>>) src(%dma_wait3A_1329 : memref<8x50xi32, #tpu.memory_space<hbm>>) dst(%dma_wait3A_1326 : memref<8x50xi32, #tpu.memory_space<vmem>>)
      %slice3A_1330 = vector.extract_strided_slice %get3A_328 {offsets = [15], sizes = [1], strides = [1]} : vector<16xi32> to vector<1xi32>
      %squeeze3A_1331 = vector.extract %slice3A_1330[0] : i32 from vector<1xi32>
      %and3A_1332 = arith.constant 7 : i32
      %and3A_1333 = arith.andi %squeeze3A_1331, %and3A_1332 : i32
      %get3A_1334 = arith.constant 15 : i32
      %get3A_1335 = arith.index_cast %get3A_1334 : i32 to index
      %get3A_1336 = arith.index_cast %and3A_1333 : i32 to index
      %get3A_1337 = arith.constant 0 : index
      %get3A_1338 = tpu.vector_load %arg6[%get3A_1335, %get3A_1336, %get3A_1337] {strides = array<i32>} : memref<16x8x50xi32, #tpu.memory_space<vmem>>, vector<16xi32>,
      %swap3A_1339 = arith.index_cast %add3A_1314 : i32 to index
      %swap3A_1340 = arith.constant 0 : index
      %swap3A_1341 = tpu.vector_load %arg7[%swap3A_1339, %swap3A_1340] {strides = array<i32>} : memref<512x50xi32, #tpu.memory_space<vmem>>, vector<16xi32>,
      tpu.vector_store %arg7[%swap3A_1339, %swap3A_1340], %get3A_1338 {strides = array<i32>} : memref<512x50xi32, #tpu.memory_space<vmem>>, vector<16xi32>,
      %get3A_1342 = arith.constant 15 : i32
      %get3A_1343 = arith.index_cast %get3A_1342 : i32 to index
      %get3A_1344 = arith.index_cast %and3A_1333 : i32 to index
      %get3A_1345 = arith.constant 16 : index
      %get3A_1346 = tpu.vector_load %arg6[%get3A_1343, %get3A_1344, %get3A_1345] {strides = array<i32>} : memref<16x8x50xi32, #tpu.memory_space<vmem>>, vector<16xi32>,
      %swap3A_1347 = arith.index_cast %add3A_1314 : i32 to index
      %swap3A_1348 = arith.constant 16 : index
      %swap3A_1349 = tpu.vector_load %arg7[%swap3A_1347, %swap3A_1348] {strides = array<i32>} : memref<512x50xi32, #tpu.memory_space<vmem>>, vector<16xi32>,
      tpu.vector_store %arg7[%swap3A_1347, %swap3A_1348], %get3A_1346 {strides = array<i32>} : memref<512x50xi32, #tpu.memory_space<vmem>>, vector<16xi32>,
      %get3A_1350 = arith.constant 15 : i32
      %get3A_1351 = arith.index_cast %get3A_1350 : i32 to index
      %get3A_1352 = arith.index_cast %and3A_1333 : i32 to index
      %get3A_1353 = arith.constant 32 : index
      %get3A_1354 = tpu.vector_load %arg6[%get3A_1351, %get3A_1352, %get3A_1353] {strides = array<i32>} : memref<16x8x50xi32, #tpu.memory_space<vmem>>, vector<16xi32>,
      %swap3A_1355 = arith.index_cast %add3A_1314 : i32 to index
      %swap3A_1356 = arith.constant 32 : index
      %swap3A_1357 = tpu.vector_load %arg7[%swap3A_1355, %swap3A_1356] {strides = array<i32>} : memref<512x50xi32, #tpu.memory_space<vmem>>, vector<16xi32>,
      tpu.vector_store %arg7[%swap3A_1355, %swap3A_1356], %get3A_1354 {strides = array<i32>} : memref<512x50xi32, #tpu.memory_space<vmem>>, vector<16xi32>,
      %mul3A_1358 = arith.constant 0 : i32
      %mul3A_1359 = vector.broadcast %mul3A_1358 : i32 to vector<16xi32>
      %mul3A_1360 = arith.muli %iota3A, %mul3A_1359 : vector<16xi32>
      %add3A_1361 = arith.constant 15 : i32
      %add3A_1362 = vector.broadcast %add3A_1361 : i32 to vector<16xi32>
      %add3A_1363 = arith.addi %mul3A_1360, %add3A_1362 : vector<16xi32>
      %mul3A_1364 = arith.constant 0 : i32
      %mul3A_1365 = vector.broadcast %mul3A_1364 : i32 to vector<16xi32>
      %mul3A_1366 = arith.muli %iota3A, %mul3A_1365 : vector<16xi32>
      %add3A_1367 = vector.broadcast %and3A_1333 : i32 to vector<16xi32>
      %add3A_1368 = arith.addi %mul3A_1366, %add3A_1367 : vector<16xi32>
      %add3A_1369 = arith.constant 34 : i32
      %add3A_1370 = vector.broadcast %add3A_1369 : i32 to vector<16xi32>
      %add3A_1371 = arith.addi %iota3A, %add3A_1370 : vector<16xi32>
      %gather3A_1372 = tpu.vector_load_idx %arg6[%add3A_1363, %add3A_1368, %add3A_1371] : memref<16x8x50xi32, #tpu.memory_space<vmem>>[vector<16xi32>, vector<16xi32>, vector<16xi32>], vector<16xi32>,
      %swap3A_1373 = arith.index_cast %add3A_1314 : i32 to index
      %swap3A_1374 = arith.constant 34 : index
      %swap3A_1375 = tpu.vector_load %arg7[%swap3A_1373, %swap3A_1374] {strides = array<i32>} : memref<512x50xi32, #tpu.memory_space<vmem>>, vector<16xi32>,
      tpu.vector_store %arg7[%swap3A_1373, %swap3A_1374], %gather3A_1372 {strides = array<i32>} : memref<512x50xi32, #tpu.memory_space<vmem>>, vector<16xi32>,
      %add3A_1376 = arith.constant 1 : i32
      %add3A_1377 = arith.addi %scan3A_324, %add3A_1376 : i32
      %lt3A_1378 = arith.constant 32 : i32
      %lt3A_1379 = arith.cmpi slt, %add3A_1377, %lt3A_1378 : i32
      %convert_element_type3A_1380 = arith.extui %lt3A_1379 : i1 to i32
      %cond3A_1381 = arith.constant 0 : i32
      %cond3A_1382 = arith.cmpi ne, %convert_element_type3A_1380, %cond3A_1381 : i32
      scf.if %cond3A_1382 {
        %slice3A_1383 = vector.extract_strided_slice %get3A_335 {offsets = [8], sizes = [1], strides = [1]} : vector<16xi32> to vector<1xi32>
        %squeeze3A_1384 = vector.extract %slice3A_1383[0] : i32 from vector<1xi32>
        %shift_right_arithmetic3A_1385 = arith.constant 3 : i32
        %shift_right_arithmetic3A_1386 = arith.shrsi %squeeze3A_1384, %shift_right_arithmetic3A_1385 : i32
        %mul3A_1387 = arith.constant 8 : i32
        %mul3A_1388 = arith.muli %shift_right_arithmetic3A_1386, %mul3A_1387 : i32
        %multiple_of3A_1389 = tpu.assume_multiple %mul3A_1388, 8 : i32
        %dma_start3A_1390 = arith.constant 8 : i32
        %dma_start3A_1391 = arith.constant 0 : i32
        %dma_start3A_1392 = arith.constant 0 : i32
        %dma_start3A_1393 = tpu.memref_slice %arg6[%dma_start3A_1390, %dma_start3A_1391, %dma_start3A_1392] : memref<16x8x50xi32, #tpu.memory_space<vmem>> -> memref<1x8x50xi32, #tpu.memory_space<vmem>>
        %dma_start3A_1394 = tpu.memref_squeeze %dma_start3A_1393 : memref<1x8x50xi32, #tpu.memory_space<vmem>> -> memref<8x50xi32, #tpu.memory_space<vmem>>
        %dma_start3A_1395 = arith.constant 0 : i32
        %dma_start3A_1396 = tpu.memref_slice %arg3[%multiple_of3A_1389, %dma_start3A_1395] : memref<100000x50xi32, #tpu.memory_space<hbm>> -> memref<8x50xi32, #tpu.memory_space<hbm>>
        %dma_start3A_1397 = arith.constant 0 : i32
        %dma_start3A_1398 = arith.constant 0 : i32
        %dma_start3A_1399 = tpu.memref_slice %arg6[%dma_start3A_1390, %dma_start3A_1397, %dma_start3A_1398] : memref<16x8x50xi32, #tpu.memory_space<vmem>> -> memref<1x8x50xi32, #tpu.memory_space<vmem>>
        %dma_start3A_1400 = tpu.memref_squeeze %dma_start3A_1399 : memref<1x8x50xi32, #tpu.memory_space<vmem>> -> memref<8x50xi32, #tpu.memory_space<vmem>>
        %dma_start3A_1401 = arith.constant 0 : i32
        %dma_start3A_1402 = tpu.memref_slice %arg3[%multiple_of3A_1389, %dma_start3A_1401] : memref<100000x50xi32, #tpu.memory_space<hbm>> -> memref<8x50xi32, #tpu.memory_space<hbm>>
        tpu.enqueue_dma source(%dma_start3A_1402 : memref<8x50xi32, #tpu.memory_space<hbm>>) target(%dma_start3A_1400 : memref<8x50xi32, #tpu.memory_space<vmem>>) target_semaphore(%arg16 : memref<!tpu.dma_semaphore, #tpu.memory_space<semaphore_mem>>)
        %slice3A_1403 = vector.extract_strided_slice %get3A_335 {offsets = [9], sizes = [1], strides = [1]} : vector<16xi32> to vector<1xi32>
        %squeeze3A_1404 = vector.extract %slice3A_1403[0] : i32 from vector<1xi32>
        %shift_right_arithmetic3A_1405 = arith.constant 3 : i32
        %shift_right_arithmetic3A_1406 = arith.shrsi %squeeze3A_1404, %shift_right_arithmetic3A_1405 : i32
        %mul3A_1407 = arith.constant 8 : i32
        %mul3A_1408 = arith.muli %shift_right_arithmetic3A_1406, %mul3A_1407 : i32
        %multiple_of3A_1409 = tpu.assume_multiple %mul3A_1408, 8 : i32
        %dma_start3A_1410 = arith.constant 9 : i32
        %dma_start3A_1411 = arith.constant 0 : i32
        %dma_start3A_1412 = arith.constant 0 : i32
        %dma_start3A_1413 = tpu.memref_slice %arg6[%dma_start3A_1410, %dma_start3A_1411, %dma_start3A_1412] : memref<16x8x50xi32, #tpu.memory_space<vmem>> -> memref<1x8x50xi32, #tpu.memory_space<vmem>>
        %dma_start3A_1414 = tpu.memref_squeeze %dma_start3A_1413 : memref<1x8x50xi32, #tpu.memory_space<vmem>> -> memref<8x50xi32, #tpu.memory_space<vmem>>
        %dma_start3A_1415 = arith.constant 0 : i32
        %dma_start3A_1416 = tpu.memref_slice %arg3[%multiple_of3A_1409, %dma_start3A_1415] : memref<100000x50xi32, #tpu.memory_space<hbm>> -> memref<8x50xi32, #tpu.memory_space<hbm>>
        %dma_start3A_1417 = arith.constant 0 : i32
        %dma_start3A_1418 = arith.constant 0 : i32
        %dma_start3A_1419 = tpu.memref_slice %arg6[%dma_start3A_1410, %dma_start3A_1417, %dma_start3A_1418] : memref<16x8x50xi32, #tpu.memory_space<vmem>> -> memref<1x8x50xi32, #tpu.memory_space<vmem>>
        %dma_start3A_1420 = tpu.memref_squeeze %dma_start3A_1419 : memref<1x8x50xi32, #tpu.memory_space<vmem>> -> memref<8x50xi32, #tpu.memory_space<vmem>>
        %dma_start3A_1421 = arith.constant 0 : i32
        %dma_start3A_1422 = tpu.memref_slice %arg3[%multiple_of3A_1409, %dma_start3A_1421] : memref<100000x50xi32, #tpu.memory_space<hbm>> -> memref<8x50xi32, #tpu.memory_space<hbm>>
        tpu.enqueue_dma source(%dma_start3A_1422 : memref<8x50xi32, #tpu.memory_space<hbm>>) target(%dma_start3A_1420 : memref<8x50xi32, #tpu.memory_space<vmem>>) target_semaphore(%arg17 : memref<!tpu.dma_semaphore, #tpu.memory_space<semaphore_mem>>)
        %slice3A_1423 = vector.extract_strided_slice %get3A_335 {offsets = [10], sizes = [1], strides = [1]} : vector<16xi32> to vector<1xi32>
        %squeeze3A_1424 = vector.extract %slice3A_1423[0] : i32 from vector<1xi32>
        %shift_right_arithmetic3A_1425 = arith.constant 3 : i32
        %shift_right_arithmetic3A_1426 = arith.shrsi %squeeze3A_1424, %shift_right_arithmetic3A_1425 : i32
        %mul3A_1427 = arith.constant 8 : i32
        %mul3A_1428 = arith.muli %shift_right_arithmetic3A_1426, %mul3A_1427 : i32
        %multiple_of3A_1429 = tpu.assume_multiple %mul3A_1428, 8 : i32
        %dma_start3A_1430 = arith.constant 10 : i32
        %dma_start3A_1431 = arith.constant 0 : i32
        %dma_start3A_1432 = arith.constant 0 : i32
        %dma_start3A_1433 = tpu.memref_slice %arg6[%dma_start3A_1430, %dma_start3A_1431, %dma_start3A_1432] : memref<16x8x50xi32, #tpu.memory_space<vmem>> -> memref<1x8x50xi32, #tpu.memory_space<vmem>>
        %dma_start3A_1434 = tpu.memref_squeeze %dma_start3A_1433 : memref<1x8x50xi32, #tpu.memory_space<vmem>> -> memref<8x50xi32, #tpu.memory_space<vmem>>
        %dma_start3A_1435 = arith.constant 0 : i32
        %dma_start3A_1436 = tpu.memref_slice %arg3[%multiple_of3A_1429, %dma_start3A_1435] : memref<100000x50xi32, #tpu.memory_space<hbm>> -> memref<8x50xi32, #tpu.memory_space<hbm>>
        %dma_start3A_1437 = arith.constant 0 : i32
        %dma_start3A_1438 = arith.constant 0 : i32
        %dma_start3A_1439 = tpu.memref_slice %arg6[%dma_start3A_1430, %dma_start3A_1437, %dma_start3A_1438] : memref<16x8x50xi32, #tpu.memory_space<vmem>> -> memref<1x8x50xi32, #tpu.memory_space<vmem>>
        %dma_start3A_1440 = tpu.memref_squeeze %dma_start3A_1439 : memref<1x8x50xi32, #tpu.memory_space<vmem>> -> memref<8x50xi32, #tpu.memory_space<vmem>>
        %dma_start3A_1441 = arith.constant 0 : i32
        %dma_start3A_1442 = tpu.memref_slice %arg3[%multiple_of3A_1429, %dma_start3A_1441] : memref<100000x50xi32, #tpu.memory_space<hbm>> -> memref<8x50xi32, #tpu.memory_space<hbm>>
        tpu.enqueue_dma source(%dma_start3A_1442 : memref<8x50xi32, #tpu.memory_space<hbm>>) target(%dma_start3A_1440 : memref<8x50xi32, #tpu.memory_space<vmem>>) target_semaphore(%arg18 : memref<!tpu.dma_semaphore, #tpu.memory_space<semaphore_mem>>)
        %slice3A_1443 = vector.extract_strided_slice %get3A_335 {offsets = [11], sizes = [1], strides = [1]} : vector<16xi32> to vector<1xi32>
        %squeeze3A_1444 = vector.extract %slice3A_1443[0] : i32 from vector<1xi32>
        %shift_right_arithmetic3A_1445 = arith.constant 3 : i32
        %shift_right_arithmetic3A_1446 = arith.shrsi %squeeze3A_1444, %shift_right_arithmetic3A_1445 : i32
        %mul3A_1447 = arith.constant 8 : i32
        %mul3A_1448 = arith.muli %shift_right_arithmetic3A_1446, %mul3A_1447 : i32
        %multiple_of3A_1449 = tpu.assume_multiple %mul3A_1448, 8 : i32
        %dma_start3A_1450 = arith.constant 11 : i32
        %dma_start3A_1451 = arith.constant 0 : i32
        %dma_start3A_1452 = arith.constant 0 : i32
        %dma_start3A_1453 = tpu.memref_slice %arg6[%dma_start3A_1450, %dma_start3A_1451, %dma_start3A_1452] : memref<16x8x50xi32, #tpu.memory_space<vmem>> -> memref<1x8x50xi32, #tpu.memory_space<vmem>>
        %dma_start3A_1454 = tpu.memref_squeeze %dma_start3A_1453 : memref<1x8x50xi32, #tpu.memory_space<vmem>> -> memref<8x50xi32, #tpu.memory_space<vmem>>
        %dma_start3A_1455 = arith.constant 0 : i32
        %dma_start3A_1456 = tpu.memref_slice %arg3[%multiple_of3A_1449, %dma_start3A_1455] : memref<100000x50xi32, #tpu.memory_space<hbm>> -> memref<8x50xi32, #tpu.memory_space<hbm>>
        %dma_start3A_1457 = arith.constant 0 : i32
        %dma_start3A_1458 = arith.constant 0 : i32
        %dma_start3A_1459 = tpu.memref_slice %arg6[%dma_start3A_1450, %dma_start3A_1457, %dma_start3A_1458] : memref<16x8x50xi32, #tpu.memory_space<vmem>> -> memref<1x8x50xi32, #tpu.memory_space<vmem>>
        %dma_start3A_1460 = tpu.memref_squeeze %dma_start3A_1459 : memref<1x8x50xi32, #tpu.memory_space<vmem>> -> memref<8x50xi32, #tpu.memory_space<vmem>>
        %dma_start3A_1461 = arith.constant 0 : i32
        %dma_start3A_1462 = tpu.memref_slice %arg3[%multiple_of3A_1449, %dma_start3A_1461] : memref<100000x50xi32, #tpu.memory_space<hbm>> -> memref<8x50xi32, #tpu.memory_space<hbm>>
        tpu.enqueue_dma source(%dma_start3A_1462 : memref<8x50xi32, #tpu.memory_space<hbm>>) target(%dma_start3A_1460 : memref<8x50xi32, #tpu.memory_space<vmem>>) target_semaphore(%arg19 : memref<!tpu.dma_semaphore, #tpu.memory_space<semaphore_mem>>)
        %slice3A_1463 = vector.extract_strided_slice %get3A_335 {offsets = [12], sizes = [1], strides = [1]} : vector<16xi32> to vector<1xi32>
        %squeeze3A_1464 = vector.extract %slice3A_1463[0] : i32 from vector<1xi32>
        %shift_right_arithmetic3A_1465 = arith.constant 3 : i32
        %shift_right_arithmetic3A_1466 = arith.shrsi %squeeze3A_1464, %shift_right_arithmetic3A_1465 : i32
        %mul3A_1467 = arith.constant 8 : i32
        %mul3A_1468 = arith.muli %shift_right_arithmetic3A_1466, %mul3A_1467 : i32
        %multiple_of3A_1469 = tpu.assume_multiple %mul3A_1468, 8 : i32
        %dma_start3A_1470 = arith.constant 12 : i32
        %dma_start3A_1471 = arith.constant 0 : i32
        %dma_start3A_1472 = arith.constant 0 : i32
        %dma_start3A_1473 = tpu.memref_slice %arg6[%dma_start3A_1470, %dma_start3A_1471, %dma_start3A_1472] : memref<16x8x50xi32, #tpu.memory_space<vmem>> -> memref<1x8x50xi32, #tpu.memory_space<vmem>>
        %dma_start3A_1474 = tpu.memref_squeeze %dma_start3A_1473 : memref<1x8x50xi32, #tpu.memory_space<vmem>> -> memref<8x50xi32, #tpu.memory_space<vmem>>
        %dma_start3A_1475 = arith.constant 0 : i32
        %dma_start3A_1476 = tpu.memref_slice %arg3[%multiple_of3A_1469, %dma_start3A_1475] : memref<100000x50xi32, #tpu.memory_space<hbm>> -> memref<8x50xi32, #tpu.memory_space<hbm>>
        %dma_start3A_1477 = arith.constant 0 : i32
        %dma_start3A_1478 = arith.constant 0 : i32
        %dma_start3A_1479 = tpu.memref_slice %arg6[%dma_start3A_1470, %dma_start3A_1477, %dma_start3A_1478] : memref<16x8x50xi32, #tpu.memory_space<vmem>> -> memref<1x8x50xi32, #tpu.memory_space<vmem>>
        %dma_start3A_1480 = tpu.memref_squeeze %dma_start3A_1479 : memref<1x8x50xi32, #tpu.memory_space<vmem>> -> memref<8x50xi32, #tpu.memory_space<vmem>>
        %dma_start3A_1481 = arith.constant 0 : i32
        %dma_start3A_1482 = tpu.memref_slice %arg3[%multiple_of3A_1469, %dma_start3A_1481] : memref<100000x50xi32, #tpu.memory_space<hbm>> -> memref<8x50xi32, #tpu.memory_space<hbm>>
        tpu.enqueue_dma source(%dma_start3A_1482 : memref<8x50xi32, #tpu.memory_space<hbm>>) target(%dma_start3A_1480 : memref<8x50xi32, #tpu.memory_space<vmem>>) target_semaphore(%arg20 : memref<!tpu.dma_semaphore, #tpu.memory_space<semaphore_mem>>)
        %slice3A_1483 = vector.extract_strided_slice %get3A_335 {offsets = [13], sizes = [1], strides = [1]} : vector<16xi32> to vector<1xi32>
        %squeeze3A_1484 = vector.extract %slice3A_1483[0] : i32 from vector<1xi32>
        %shift_right_arithmetic3A_1485 = arith.constant 3 : i32
        %shift_right_arithmetic3A_1486 = arith.shrsi %squeeze3A_1484, %shift_right_arithmetic3A_1485 : i32
        %mul3A_1487 = arith.constant 8 : i32
        %mul3A_1488 = arith.muli %shift_right_arithmetic3A_1486, %mul3A_1487 : i32
        %multiple_of3A_1489 = tpu.assume_multiple %mul3A_1488, 8 : i32
        %dma_start3A_1490 = arith.constant 13 : i32
        %dma_start3A_1491 = arith.constant 0 : i32
        %dma_start3A_1492 = arith.constant 0 : i32
        %dma_start3A_1493 = tpu.memref_slice %arg6[%dma_start3A_1490, %dma_start3A_1491, %dma_start3A_1492] : memref<16x8x50xi32, #tpu.memory_space<vmem>> -> memref<1x8x50xi32, #tpu.memory_space<vmem>>
        %dma_start3A_1494 = tpu.memref_squeeze %dma_start3A_1493 : memref<1x8x50xi32, #tpu.memory_space<vmem>> -> memref<8x50xi32, #tpu.memory_space<vmem>>
        %dma_start3A_1495 = arith.constant 0 : i32
        %dma_start3A_1496 = tpu.memref_slice %arg3[%multiple_of3A_1489, %dma_start3A_1495] : memref<100000x50xi32, #tpu.memory_space<hbm>> -> memref<8x50xi32, #tpu.memory_space<hbm>>
        %dma_start3A_1497 = arith.constant 0 : i32
        %dma_start3A_1498 = arith.constant 0 : i32
        %dma_start3A_1499 = tpu.memref_slice %arg6[%dma_start3A_1490, %dma_start3A_1497, %dma_start3A_1498] : memref<16x8x50xi32, #tpu.memory_space<vmem>> -> memref<1x8x50xi32, #tpu.memory_space<vmem>>
        %dma_start3A_1500 = tpu.memref_squeeze %dma_start3A_1499 : memref<1x8x50xi32, #tpu.memory_space<vmem>> -> memref<8x50xi32, #tpu.memory_space<vmem>>
        %dma_start3A_1501 = arith.constant 0 : i32
        %dma_start3A_1502 = tpu.memref_slice %arg3[%multiple_of3A_1489, %dma_start3A_1501] : memref<100000x50xi32, #tpu.memory_space<hbm>> -> memref<8x50xi32, #tpu.memory_space<hbm>>
        tpu.enqueue_dma source(%dma_start3A_1502 : memref<8x50xi32, #tpu.memory_space<hbm>>) target(%dma_start3A_1500 : memref<8x50xi32, #tpu.memory_space<vmem>>) target_semaphore(%arg21 : memref<!tpu.dma_semaphore, #tpu.memory_space<semaphore_mem>>)
        %slice3A_1503 = vector.extract_strided_slice %get3A_335 {offsets = [14], sizes = [1], strides = [1]} : vector<16xi32> to vector<1xi32>
        %squeeze3A_1504 = vector.extract %slice3A_1503[0] : i32 from vector<1xi32>
        %shift_right_arithmetic3A_1505 = arith.constant 3 : i32
        %shift_right_arithmetic3A_1506 = arith.shrsi %squeeze3A_1504, %shift_right_arithmetic3A_1505 : i32
        %mul3A_1507 = arith.constant 8 : i32
        %mul3A_1508 = arith.muli %shift_right_arithmetic3A_1506, %mul3A_1507 : i32
        %multiple_of3A_1509 = tpu.assume_multiple %mul3A_1508, 8 : i32
        %dma_start3A_1510 = arith.constant 14 : i32
        %dma_start3A_1511 = arith.constant 0 : i32
        %dma_start3A_1512 = arith.constant 0 : i32
        %dma_start3A_1513 = tpu.memref_slice %arg6[%dma_start3A_1510, %dma_start3A_1511, %dma_start3A_1512] : memref<16x8x50xi32, #tpu.memory_space<vmem>> -> memref<1x8x50xi32, #tpu.memory_space<vmem>>
        %dma_start3A_1514 = tpu.memref_squeeze %dma_start3A_1513 : memref<1x8x50xi32, #tpu.memory_space<vmem>> -> memref<8x50xi32, #tpu.memory_space<vmem>>
        %dma_start3A_1515 = arith.constant 0 : i32
        %dma_start3A_1516 = tpu.memref_slice %arg3[%multiple_of3A_1509, %dma_start3A_1515] : memref<100000x50xi32, #tpu.memory_space<hbm>> -> memref<8x50xi32, #tpu.memory_space<hbm>>
        %dma_start3A_1517 = arith.constant 0 : i32
        %dma_start3A_1518 = arith.constant 0 : i32
        %dma_start3A_1519 = tpu.memref_slice %arg6[%dma_start3A_1510, %dma_start3A_1517, %dma_start3A_1518] : memref<16x8x50xi32, #tpu.memory_space<vmem>> -> memref<1x8x50xi32, #tpu.memory_space<vmem>>
        %dma_start3A_1520 = tpu.memref_squeeze %dma_start3A_1519 : memref<1x8x50xi32, #tpu.memory_space<vmem>> -> memref<8x50xi32, #tpu.memory_space<vmem>>
        %dma_start3A_1521 = arith.constant 0 : i32
        %dma_start3A_1522 = tpu.memref_slice %arg3[%multiple_of3A_1509, %dma_start3A_1521] : memref<100000x50xi32, #tpu.memory_space<hbm>> -> memref<8x50xi32, #tpu.memory_space<hbm>>
        tpu.enqueue_dma source(%dma_start3A_1522 : memref<8x50xi32, #tpu.memory_space<hbm>>) target(%dma_start3A_1520 : memref<8x50xi32, #tpu.memory_space<vmem>>) target_semaphore(%arg22 : memref<!tpu.dma_semaphore, #tpu.memory_space<semaphore_mem>>)
        %slice3A_1523 = vector.extract_strided_slice %get3A_335 {offsets = [15], sizes = [1], strides = [1]} : vector<16xi32> to vector<1xi32>
        %squeeze3A_1524 = vector.extract %slice3A_1523[0] : i32 from vector<1xi32>
        %shift_right_arithmetic3A_1525 = arith.constant 3 : i32
        %shift_right_arithmetic3A_1526 = arith.shrsi %squeeze3A_1524, %shift_right_arithmetic3A_1525 : i32
        %mul3A_1527 = arith.constant 8 : i32
        %mul3A_1528 = arith.muli %shift_right_arithmetic3A_1526, %mul3A_1527 : i32
        %multiple_of3A_1529 = tpu.assume_multiple %mul3A_1528, 8 : i32
        %dma_start3A_1530 = arith.constant 15 : i32
        %dma_start3A_1531 = arith.constant 0 : i32
        %dma_start3A_1532 = arith.constant 0 : i32
        %dma_start3A_1533 = tpu.memref_slice %arg6[%dma_start3A_1530, %dma_start3A_1531, %dma_start3A_1532] : memref<16x8x50xi32, #tpu.memory_space<vmem>> -> memref<1x8x50xi32, #tpu.memory_space<vmem>>
        %dma_start3A_1534 = tpu.memref_squeeze %dma_start3A_1533 : memref<1x8x50xi32, #tpu.memory_space<vmem>> -> memref<8x50xi32, #tpu.memory_space<vmem>>
        %dma_start3A_1535 = arith.constant 0 : i32
        %dma_start3A_1536 = tpu.memref_slice %arg3[%multiple_of3A_1529, %dma_start3A_1535] : memref<100000x50xi32, #tpu.memory_space<hbm>> -> memref<8x50xi32, #tpu.memory_space<hbm>>
        %dma_start3A_1537 = arith.constant 0 : i32
        %dma_start3A_1538 = arith.constant 0 : i32
        %dma_start3A_1539 = tpu.memref_slice %arg6[%dma_start3A_1530, %dma_start3A_1537, %dma_start3A_1538] : memref<16x8x50xi32, #tpu.memory_space<vmem>> -> memref<1x8x50xi32, #tpu.memory_space<vmem>>
        %dma_start3A_1540 = tpu.memref_squeeze %dma_start3A_1539 : memref<1x8x50xi32, #tpu.memory_space<vmem>> -> memref<8x50xi32, #tpu.memory_space<vmem>>
        %dma_start3A_1541 = arith.constant 0 : i32
        %dma_start3A_1542 = tpu.memref_slice %arg3[%multiple_of3A_1529, %dma_start3A_1541] : memref<100000x50xi32, #tpu.memory_space<hbm>> -> memref<8x50xi32, #tpu.memory_space<hbm>>
        tpu.enqueue_dma source(%dma_start3A_1542 : memref<8x50xi32, #tpu.memory_space<hbm>>) target(%dma_start3A_1540 : memref<8x50xi32, #tpu.memory_space<vmem>>) target_semaphore(%arg23 : memref<!tpu.dma_semaphore, #tpu.memory_space<semaphore_mem>>)
      } else {
      }
    }
    %scan3A_323 = arith.constant 32 : i32
    "tpu.region"() ({
      %run_scoped3A = tpu.sem_alloc : memref<!tpu.dma_semaphore, #tpu.memory_space<semaphore_mem>>
      %dma_start3A_324 = arith.constant 0 : i32
      %dma_start3A_325 = tpu.memref_slice %arg4[%mul3A_2, %dma_start3A_324] : memref<16384x50xi32, #tpu.memory_space<hbm>> -> memref<512x50xi32, #tpu.memory_space<hbm>>
      %dma_start3A_326 = arith.constant 0 : i32
      %dma_start3A_327 = tpu.memref_slice %arg4[%mul3A_2, %dma_start3A_326] : memref<16384x50xi32, #tpu.memory_space<hbm>> -> memref<512x50xi32, #tpu.memory_space<hbm>>
      tpu.enqueue_dma source(%arg7 : memref<512x50xi32, #tpu.memory_space<vmem>>) target(%dma_start3A_327 : memref<512x50xi32, #tpu.memory_space<hbm>>) target_semaphore(%run_scoped3A : memref<!tpu.dma_semaphore, #tpu.memory_space<semaphore_mem>>)
      %dma_wait3A = arith.constant 0 : i32
      %dma_wait3A_328 = tpu.memref_slice %arg4[%mul3A_2, %dma_wait3A] : memref<16384x50xi32, #tpu.memory_space<hbm>> -> memref<512x50xi32, #tpu.memory_space<hbm>>
      %dma_wait3A_329 = arith.constant 0 : i32
      %dma_wait3A_330 = tpu.memref_slice %arg4[%mul3A_2, %dma_wait3A_329] : memref<16384x50xi32, #tpu.memory_space<hbm>> -> memref<512x50xi32, #tpu.memory_space<hbm>>
      tpu.wait_dma2 semaphore(%run_scoped3A : memref<!tpu.dma_semaphore, #tpu.memory_space<semaphore_mem>>) src(%arg7 : memref<512x50xi32, #tpu.memory_space<vmem>>) dst(%dma_wait3A_330 : memref<512x50xi32, #tpu.memory_space<hbm>>)
      tpu.yield
    }) : () -> ()
    return
  }
}

</mosaic_0001>

<sc_bundles>
// kernel: kernel.3.cloned.1.call-start
scs
__scs_entry_jumppad:
0x0: {  	(pc) =	sbr.rel $0x88, $3  }
0x1: {  	(tag) =	ssettag $0x0;
	lr =	simm.s32 $0x1  }
0x2: {  	[smem:$0x3F9F] =	sst lr;
	_ =	strace $0xD0000000  }
0x3: {  	_ = 	snop  }
0x4: {  	_ = 	snop  }
0x5: {  	_ = 	snop  }
0x6: {  	_ = 	snop  }
0x7: {  	_ = 	snop  }
__scs_overlays_trampoline_lowered:
0x8: {  	[smem:$0x3FAE] =	sst s0  }
0x9: {  	[smem:$0x3FAF] =	sst s1  }
0xa: {  	[smem:$0x3FB0] =	sst s2  }
0xb: {  	[smem:$0x3FB1] =	sst s3  }
0xc: {  	[smem:$0x3FB2] =	sst s4  }
0xd: {  	[smem:$0x3FB3] =	sst s5  }
0xe: {  	[smem:$0x3FB4] =	sst s6  }
0xf: {  	[smem:$0x3FB5] =	sst s7  }
0x10: {  	[smem:$0x3FB6] =	sst s8  }
0x11: {  	[smem:$0x3FB7] =	sst s9;
	s0 =	simm.s32 @!p0 $0x0  }
0x12: {  	s1 =	sld [smem:$0x3F9D];
	s0 =	simm.s32 @p0 $0x1  }
0x13: {  	[smem:$0x3FB8] =	sst s0;
	s0 =	simm.s32 @!p1 $0x0  }
0x14: {  	s2 =	sld [smem:$0x3F9C];
	s0 =	simm.s32 @p1 $0x1  }
0x15: {  	[smem:$0x3FB9] =	sst s0;
	s0 =	simm.s32 @!p2 $0x0  }
0x16: {  	s3 =	sld [smem:$0x3FDB];
	s0 =	simm.s32 @p2 $0x1  }
0x17: {  	s4 =	simm.s32 $0x1BF5;
	[smem:$0x3FBB] =	sst s0  }
0x18: {  	s0 =	sld [smem:$0x3F9E];
	_ =	swait.ge [sflag:s4], $0x0  }
0x19: {  	s7 =	sld [smem:$0x3F9F]  }
0x1a: {  	s8 =	sadd.s32 $0xFFFFE003, lr  }
0x1b: {  	s9 =	sadd.s32 $0xFFFFFEF7, lr;
	s5 =	simm.s32 $0xFFFFFFFF;
	p2 =	slt.u32 s8, $0xFFFFF086  }
0x1c: {  	p1 =	slt.u32 s9, $0xF7A;
	s5 =	simm.s32 @!p2 $0x0  }
0x1d: {  	s5 =	simm.s32 @p1 $0x1;
	p0 =	seq.s32 s7, s2  }
0x1e: {  	s7 =	smul.u32 @!p0 $0xF7A, s2;
	p2 =	seq.s32 @!p0 s5, $0x0  }
0x1f: {  	s9 =	smul.u32 $0xF7A, s1;
	s8 =	simm.s32 @!p0 $0x1BF5;
	p2 =	por !p2, p0  }
0x20: {  	[sflag:s8] =	ssyncset.s32 @!p0 $0xFFFFF086;
	s6 =	sadd.s32 @!p0 s3, s7;
	s7 =	simm.s32 @!p0 $0x108  }
0x21: {  	s3 =	sadd.s32 s3, s9;
	s6 =	sadd.s32 @!p0 $0x88, s6;
	s7 =	simm.s32 @p2 $0x1082  }
0x22: {  	[simem:s7], [sflag:s8] =	dma.local @!p0 [hbm:s6], $0xF7A  }
0x23: {  	s9 =	sor.u32 $0xD0000000, s2;
	s6 =	simm.s32 $0x108;
	_ =	swait.ge @!p0 [sflag:s8], $0x0  }
0x24: {  	s3 =	sadd.s32 $0x88, s3;
	s6 =	simm.s32 @!p1 $0x1082;
	[sflag:s4] =	ssyncset.s32 $0xFFFFF086  }
0x25: {  	[simem:s6], [sflag:s4] =	dma.local [hbm:s3], $0xF7A  }
0x26: {  	[smem:$0x3F9F] =	sst s1;
	(tag) =	ssettag s2;
	_ =	strace s9  }
0x27: {  	s1 =	sld [smem:$0x3FAF]  }
0x28: {  	s2 =	sld [smem:$0x3FB0]  }
0x29: {  	s4 =	sld [smem:$0x3FB2]  }
0x2a: {  	p0 =	seq.s32 s5, $0x0;
	s5 =	sld [smem:$0x3FB3]  }
0x2b: {  	s6 =	sld [smem:$0x3FB4]  }
0x2c: {  	s7 =	sld [smem:$0x3FB5]  }
0x2d: {  	s3 =	simm.s32 $0x108;
	s8 =	sld [smem:$0x3FB6]  }
0x2e: {  	s3 =	simm.s32 @!p0 $0x1082;
	s9 =	sld [smem:$0x3FB7]  }
0x2f: {  	lr =	sadd.s32 s0, s3;
	s0 =	sld [smem:$0x3FAE]  }
0x30: {  	s3 =	sld [smem:$0x3FB1]  }
0x31: {  	[smem:$0x3FBA] =	sst s10  }
0x32: {  	s10 =	sld [smem:$0x3FB8];
	_ =	sdelay $0x3  }
0x33: {  	p0 =	seq.s32 s10, $0x1;
	s10 =	sld [smem:$0x3FBA];
	_ =	sdelay $0x3  }
0x34: {  	[smem:$0x3FBA] =	sst s10  }
0x35: {  	s10 =	sld [smem:$0x3FB9];
	_ =	sdelay $0x3  }
0x36: {  	p1 =	seq.s32 s10, $0x1;
	s10 =	sld [smem:$0x3FBA];
	_ =	sdelay $0x3  }
0x37: {  	[smem:$0x3FBA] =	sst s10  }
0x38: {  	s10 =	sld [smem:$0x3FBB]  }
0x39: {  	_ = 	snop;
	(pc) =	sbr.ind lr, $3  }
0x3a: {  	_ = 	snop  }
0x3b: {  	_ = 	snop  }
0x3c: {  	p2 =	seq.s32 s10, $0x1;
	s10 =	sld [smem:$0x3FBA]  }
0x3d: {  	_ =	shalt  }
0x3e: {  	_ =	shalt  }
0x3f: {  	_ =	shalt  }
0x40: {  	_ =	shalt  }
0x41: {  	_ =	shalt  }
0x42: {  	_ =	shalt  }
0x43: {  	_ =	shalt  }
0x44: {  	_ =	shalt  }
0x45: {  	_ =	shalt  }
0x46: {  	_ =	shalt  }
0x47: {  	_ =	shalt  }
0x48: {  	_ =	shalt  }
0x49: {  	_ =	shalt  }
0x4a: {  	_ =	shalt  }
0x4b: {  	_ =	shalt  }
0x4c: {  	_ =	shalt  }
0x4d: {  	_ =	shalt  }
0x4e: {  	_ =	shalt  }
0x4f: {  	_ =	shalt  }
0x50: {  	_ =	shalt  }
0x51: {  	_ =	shalt  }
0x52: {  	_ =	shalt  }
0x53: {  	_ =	shalt  }
0x54: {  	_ =	shalt  }
0x55: {  	_ =	shalt  }
0x56: {  	_ =	shalt  }
0x57: {  	_ =	shalt  }
0x58: {  	_ =	shalt  }
0x59: {  	_ =	shalt  }
0x5a: {  	_ =	shalt  }
0x5b: {  	_ =	shalt  }
0x5c: {  	_ =	shalt  }
0x5d: {  	_ =	shalt  }
0x5e: {  	_ =	shalt  }
0x5f: {  	_ =	shalt  }
0x60: {  	_ =	shalt  }
0x61: {  	_ =	shalt  }
0x62: {  	_ =	shalt  }
0x63: {  	_ =	shalt  }
0x64: {  	_ =	shalt  }
0x65: {  	_ =	shalt  }
0x66: {  	_ =	shalt  }
0x67: {  	_ =	shalt  }
0x68: {  	_ =	shalt  }
0x69: {  	_ =	shalt  }
0x6a: {  	_ =	shalt  }
0x6b: {  	_ =	shalt  }
0x6c: {  	_ =	shalt  }
0x6d: {  	_ =	shalt  }
0x6e: {  	_ =	shalt  }
0x6f: {  	_ =	shalt  }
0x70: {  	_ =	shalt  }
0x71: {  	_ =	shalt  }
0x72: {  	_ =	shalt  }
0x73: {  	_ =	shalt  }
0x74: {  	_ =	shalt  }
0x75: {  	_ =	shalt  }
0x76: {  	_ =	shalt  }
0x77: {  	_ =	shalt  }
0x78: {  	_ =	shalt  }
0x79: {  	_ =	shalt  }
0x7a: {  	_ =	shalt  }
0x7b: {  	_ =	shalt  }
0x7c: {  	_ =	shalt  }
0x7d: {  	_ =	shalt  }
0x7e: {  	_ =	shalt  }
0x7f: {  	_ =	shalt  }
0x80: {  	_ =	shalt  }
0x81: {  	_ =	shalt  }
0x82: {  	_ =	shalt  }
0x83: {  	_ =	shalt  }
0x84: {  	_ =	shalt  }
0x85: {  	_ =	shalt  }
0x86: {  	_ =	shalt  }
0x87: {  	_ =	shalt  }
.Lfunc_end0:
.L_simem_size_0:
called_computation_lowered:
.L_overlay_start_0:
0x88: {  	s2 =	sld [smem:$0x3FD9]  }
0x89: {  	s3 =	sld [smem:$0x3FFE];
	_ =	sdelay $0x1  }
0x8a: {  	s1 =	srdreg.scid  }
0x8b: {  	s0 =	sand.u32 $0x1, s1  }
0x8c: {  	s17 =	sshll.u32 s0, $0xA;
	s2 =	sadd.s32 s3, s2  }
0x8d: {  	s2 =	sadd.s32 s2, s17  }
0x8e: {  	[smem:$0x3FC6] =	sst s2  }
0x8f: {  	_ = 	snop  }
0x90: {  	s2 =	sld [smem:$0x3FC9];
	(tm) =	ssettm $0x1  }
0x91: {  	s18 =	sld [smem:$0x3FFB];
	_ =	sdelay $0x3  }
0x92: {  	_ =	strace s18  }
0x93: {  	s3 =	sld [smem:$0x3FFC];
	_ =	sdelay $0x3  }
0x94: {  	_ =	strace s3  }
0x95: {  	s3 =	sld [smem:$0x3FFD];
	_ =	sdelay $0x3  }
0x96: {  	_ =	strace s3  }
0x97: {  	_ =	strace $0x8FFFFFFF  }
0x98: {  	s19 =	sld [smem:$0x3FDB];
	_ =	sdelay $0x1  }
0x99: {  	s4 =	simm.s32 $_scs_section_size  }
0x9a: {  	s5 =	simm.s32 $_size__tile_overlayer_lowered;
	s6 =	simm.s32 $_tile_overlayer_lowered  }
0x9b: {  	s22 =	simm.s32 $0x1BFF;
	s21 =	sshll.u32 s6, $0x1;
	s3 =	sadd.s32 s4, s19  }
0x9c: {  	s7 =	simm.s32 $0x0;
	s20 =	sshll.u32 s5, $0x1;
	s5 =	sadd.s32 s21, s3  }
0x9d: {  	[timem:s7], [sflag:s22] =	dma.local [hbm:s5], s20  }
0x9e: {  	_ =	swait.ge [sflag:s22], s20  }
0x9f: {  	s4 =	ssub.s32 $0x0, s20;
	[sflag:s22] =	ssyncset.done $0x0  }
0xa0: {  	[sflag:s22] =	ssyncadd.s32 s4;
	_ =	sdelay $0x1  }
0xa1: {  	s23 =	simm.s32 $0x1B8B  }
0xa2: {  	_ =	swait.ge [sflag:s23], $0x1  }
0xa3: {  	[sflag:s23] =	ssyncset.done $0x0  }
0xa4: {  	s25 =	simm.s32 $0x1B8E;
	s24 =	sld [smem:$0x3FFE];
	[sflag:s23] =	ssyncadd.s32 $0xFFFFFFFF  }
0xa5: {  	s26 =	simm.s32 $execute0_lowered;
	[smem:$0x3FD2] =	sst s25  }
0xa6: {  	s5 =	sshll.u32 s26, $0x1;
	_ =	strace $0x80000046;
	[dreg:$0x1] =	wrdreg $0xFFFFFFFF  }
0xa7: {  	s28 =	simm.s32 $_size_execute0_lowered;
	s3 =	sadd.s32 s3, s5;
	[dreg:$0x0] =	wrdreg $0x0  }
0xa8: {  	s5 =	sshll.u32 s28, $0x1;
	[dreg:$0x2] =	wrdreg s3  }
0xa9: {  	[dreg:$0x3] =	wrdreg s5  }
0xaa: {  	[dreg:$0x4] =	wrdreg $0xC0  }
0xab: {  	_ =	task [dreg:s7], $0x5FFFF  }
0xac: {  	[dreg:$0x1] =	wrdreg $0xFFFFFFFF  }
0xad: {  	[dreg:$0x0] =	wrdreg $0x60  }
0xae: {  	[dreg:$0x2] =	wrdreg s2  }
0xaf: {  	[dreg:$0x3] =	wrdreg s24  }
0xb0: {  	[dreg:$0x4] =	wrdreg $0x9  }
0xb1: {  	_ =	task.clear_ibuf [dreg:s7], $0x5FFFF;
	_ =	strace $0x90000046  }
0xb2: {  	s29 =	simm.s32 $0x9;
	_ =	strace $0x80000048  }
0xb3: {  	_ =	swait.ge [sflag:s29], $0x1  }
0xb4: {  	[sflag:s29] =	ssyncadd.s32 $0xFFFFFFFF  }
0xb5: {  	_ =	strace $0x90000048  }
0xb6: {  	_ =	sfence  }
0xb7: {  	s30 =	sld [smem:$0x0];
	_ =	sdelay $0x2  }
0xb8: {  	s31 =	sshll.u32 s1, $0xD;
	s1 =	sshrl.u32 s1, $0x2  }
0xb9: {  	s3 =	sand.u32 $0x4000, s31;
	s1 =	sadd.s32 s1, s30  }
0xba: {  	s0 =	sor.u32 s3, s0;
	s1 =	sshll.u32 s1, $0x11  }
0xbb: {  	s0 =	sor.u32 s1, s0  }
0xbc: {  	s0 =	sadd.s32 $0x8F2B, s0  }
0xbd: {  	[sflag:s0] =	ssyncadd.remote.s32 $0x1  }
0xbe: {  	_ =	sfence.sel $0xFFFF  }
0xbf: {  	[dreg:$0x0] =	wrdreg $0xFFFFFFFF;
	(pc) =	sbr.abs _section_cstart, $3  }
0xc0: {  	[dreg:$0x1] =	wrdreg $0xFFFFFFFF  }
0xc1: {  	_ =	task.clear_ibuf [dreg:s7], $0x2FFFF;
	_ =	strace $0x9FFFFFFF  }
0xc2: {  	(tm) =	ssettm $0x7FFFFFFF  }
0xc3: {  	_ =	shalt  }
tec
execute0_lowered:
.L_overlay_start_1:
0x0: {  	(tag) =	ssettag $0x1  }
0x1: {  	s0 =	rddreg [dreg:$0x0]  }
0x2: {  	s1 =	rddreg [dreg:$0x1]  }
0x3: {  	s3 =	srdreg.scid;
	s2 =	simm.s32 $0x0;
	s5 =	stileid.u32  }
0x4: {  	s7 =	simm.s32 $0x11;
	s8 =	simm.s32 $0x200;
	s28 =	simm.s32 $0x4  }
0x5: {  	s29 =	simm.s32 $0x5;
	s30 =	simm.s32 $0x6;
	s31 =	simm.s32 $0x7  }
0x6: {  	s9 =	simm.s32 $0xA;
	s10 =	simm.s32 $0xB;
	s11 =	simm.s32 $0xC  }
0x7: {  	s12 =	simm.s32 $0xD;
	s13 =	simm.s32 $0xE;
	s14 =	simm.s32 $0xF  }
0x8: {  	s15 =	simm.s32 $0x10;
	s16 =	simm.s32 $0x4200;
	s17 =	simm.s32 $0x0  }
0x9: {  	s4 =	sand.u32 $0x1, s3;
	[smem:$0x7FF] =	sst s2;
	s24 =	sshll.u32 s5, $0xA  }
0xa: {  	s3 =	sadd.s32 $0x400, s1;
	s25 =	sshll.u32 s4, $0x9;
	s4 =	ssub.s32 $0x2, s4  }
0xb: {  	_ =	strace $0x80000047;
	s5 =	sor.u32 s25, s24;
	s26 =	sshrl.u32 s4, $0x1  }
0xc: {  	s24 =	simm.s32 $0x1;
	s25 =	simm.s32 $0x2;
	s6 =	sshll.u32 s5, $0x4  }
0xd: {  	s5 =	sshrl.u32 s5, $0x3;
	s1 =	sadd.s32 s6, s1;
	s6 =	ssub.s32 s4, s26  }
0xe: {  	v0 =	vlaneseq.u32;
	s4 =	sadd.s32 s0, s5;
	s26 =	simm.s32 $0x3;
	s0 =	simm.s32 $0x8  }
0xf: {  	v0 =	vadd.s32 $0x22, v0;
	s5 =	sadd.s32 $0x186E00, s1;
	s6 =	smax.u32 s6, $0x1;
	s1 =	simm.s32 $0x9  }
.LBB2_1:
0x10: {  	[tilespmem:s2], [sflag:$0x11] =	stream.linear.gather [hbm4b:s4+s2], $0x200, $0x38;
	[tilespmem:$0x14200] =	vst v63  }
0x11: {  	_ =	swait.ge [sflag:s7], $0x200  }
0x12: {  	[sflag:s7] =	ssyncset.done $0x0  }
0x13: {  	[sflag:s7] =	ssyncadd.s32 $0xFFFFFE00  }
0x14: {  	v1 =	vld [tilespmem:$0x0];
	_ =	sdelay $0x4  }
0x15: {  	v1 =	vshll.u32 v1, $0x4  }
0x16: {  	(v2sf) =	vpush v1, $0x0  }
0x17: {  	(v2sf) =	vpush v1, $0x1;
	_ =	sdelay $0x5  }
0x18: {  	(v2sf) =	vpush v1, $0x2;
	_ =	sdelay $0x1  }
0x19: {  	(v2sf) =	vpush v1, $0x3;
	_ =	sdelay $0x5  }
0x1a: {  	s18 =	spop (v2sf);
	(v2sf) =	vpush v1, $0x4  }
0x1b: {  	s21 =	spop (v2sf);
	(v2sf) =	vpush v1, $0x5;
	_ =	sdelay $0x4  }
0x1c: {  	s18 =	sand.u32 $0xFFFFF80, s18  }
0x1d: {  	s18 =	sadd.s32 s3, s18;
	s22 =	spop (v2sf);
	(v2sf) =	vpush v1, $0x6  }
0x1e: {  	[tilespmem:s8], [sflag:$0x1] =	stream.linear.gather [hbm4b:s18+s2], $0x400, $0x38;
	[tilespmem:$0x14200] =	vst v63  }
0x1f: {  	s18 =	sand.u32 $0xFFFFF80, s21;
	s20 =	spop (v2sf);
	(v2sf) =	vpush v1, $0x7  }
0x20: {  	s19 =	simm.s32 $0x600;
	s18 =	sadd.s32 s3, s18  }
0x21: {  	[tilespmem:s19], [sflag:$0x2] =	stream.linear.gather [hbm4b:s18+s2], $0x400, $0x38;
	[tilespmem:$0x14200] =	vst v63  }
0x22: {  	s18 =	sand.u32 $0xFFFFF80, s22  }
0x23: {  	s23 =	simm.s32 $0xA00;
	s18 =	sadd.s32 s3, s18  }
0x24: {  	[tilespmem:s23], [sflag:$0x3] =	stream.linear.gather [hbm4b:s18+s2], $0x400, $0x38;
	[tilespmem:$0x14200] =	vst v63  }
0x25: {  	s18 =	sand.u32 $0xFFFFF80, s20;
	s22 =	spop (v2sf);
	(v2sf) =	vpush v1, $0x8  }
0x26: {  	s21 =	simm.s32 $0xE00;
	s18 =	sadd.s32 s3, s18;
	s20 =	spop (v2sf);
	(v2sf) =	vpush v1, $0x9  }
0x27: {  	[tilespmem:s21], [sflag:$0x4] =	stream.linear.gather [hbm4b:s18+s2], $0x400, $0x38;
	[tilespmem:$0x14200] =	vst v63  }
0x28: {  	s18 =	sand.u32 $0xFFFFF80, s22;
	(v2sf) =	vpush v1, $0xA  }
0x29: {  	s23 =	simm.s32 $0x1200;
	s18 =	sadd.s32 s3, s18  }
0x2a: {  	[tilespmem:s23], [sflag:$0x5] =	stream.linear.gather [hbm4b:s18+s2], $0x400, $0x38;
	[tilespmem:$0x14200] =	vst v63  }
0x2b: {  	s18 =	sand.u32 $0xFFFFF80, s20  }
0x2c: {  	s21 =	simm.s32 $0x1600;
	s22 =	spop (v2sf);
	s18 =	sadd.s32 s3, s18  }
0x2d: {  	(v2sf) =	vpush v1, $0xB;
	[tilespmem:s21], [sflag:$0x6] =	stream.linear.gather [hbm4b:s18+s2], $0x400, $0x38;
	[tilespmem:$0x14200] =	vst v63  }
0x2e: {  	s20 =	spop (v2sf);
	(v2sf) =	vpush v1, $0xC;
	s18 =	sand.u32 $0xFFFFF80, s22  }
0x2f: {  	s23 =	simm.s32 $0x1A00;
	s18 =	sadd.s32 s3, s18  }
0x30: {  	[tilespmem:s23], [sflag:$0x7] =	stream.linear.gather [hbm4b:s18+s2], $0x400, $0x38;
	[tilespmem:$0x14200] =	vst v63  }
0x31: {  	s18 =	sand.u32 $0xFFFFF80, s20  }
0x32: {  	s21 =	simm.s32 $0x1E00;
	s18 =	sadd.s32 s3, s18  }
0x33: {  	[tilespmem:s21], [sflag:$0x8] =	stream.linear.gather [hbm4b:s18+s2], $0x400, $0x38;
	[tilespmem:$0x14200] =	vst v63  }
0x34: {  	s22 =	spop (v2sf);
	(v2sf) =	vpush v1, $0xD  }
0x35: {  	s20 =	spop (v2sf);
	(v2sf) =	vpush v1, $0xE  }
0x36: {  	s18 =	sand.u32 $0xFFFFF80, s22  }
0x37: {  	s23 =	simm.s32 $0x2200;
	s18 =	sadd.s32 s3, s18;
	s22 =	spop (v2sf)  }
0x38: {  	(v2sf) =	vpush v1, $0xF;
	[tilespmem:s23], [sflag:$0x9] =	stream.linear.gather [hbm4b:s18+s2], $0x400, $0x38;
	[tilespmem:$0x14200] =	vst v63  }
0x39: {  	s18 =	sand.u32 $0xFFFFF80, s20  }
0x3a: {  	s21 =	simm.s32 $0x2600;
	s18 =	sadd.s32 s3, s18  }
0x3b: {  	[tilespmem:s21], [sflag:$0xA] =	stream.linear.gather [hbm4b:s18+s2], $0x400, $0x38;
	[tilespmem:$0x14200] =	vst v63  }
0x3c: {  	s23 =	spop (v2sf);
	s20 =	simm.s32 $0x2A00;
	s18 =	sand.u32 $0xFFFFF80, s22  }
0x3d: {  	s21 =	sand.u32 $0xFFFFF80, s23;
	s22 =	spop (v2sf);
	s18 =	sadd.s32 s3, s18  }
0x3e: {  	[tilespmem:s20], [sflag:$0xB] =	stream.linear.gather [hbm4b:s18+s2], $0x400, $0x38;
	[tilespmem:$0x14200] =	vst v63  }
0x3f: {  	s23 =	simm.s32 $0x2E00;
	s18 =	sadd.s32 s3, s21;
	s21 =	sand.u32 $0xFFFFF80, s22  }
0x40: {  	[tilespmem:s23], [sflag:$0xC] =	stream.linear.gather [hbm4b:s18+s2], $0x400, $0x38;
	[tilespmem:$0x14200] =	vst v63  }
0x41: {  	s18 =	sadd.s32 s3, s21;
	s23 =	simm.s32 $0x3200  }
0x42: {  	[tilespmem:s23], [sflag:$0xD] =	stream.linear.gather [hbm4b:s18+s2], $0x400, $0x38;
	[tilespmem:$0x14200] =	vst v63  }
0x43: {  	s22 =	spop (v2sf)  }
0x44: {  	s21 =	sand.u32 $0xFFFFF80, s22;
	s22 =	spop (v2sf)  }
0x45: {  	s23 =	simm.s32 $0x3600;
	s18 =	sadd.s32 s3, s21;
	s20 =	sand.u32 $0xFFFFF80, s22  }
0x46: {  	[tilespmem:s23], [sflag:$0xE] =	stream.linear.gather [hbm4b:s18+s2], $0x400, $0x38;
	[tilespmem:$0x14200] =	vst v63  }
0x47: {  	s21 =	simm.s32 $0x3A00;
	s22 =	spop (v2sf);
	s18 =	sadd.s32 s3, s20  }
0x48: {  	[tilespmem:s21], [sflag:$0xF] =	stream.linear.gather [hbm4b:s18+s2], $0x400, $0x38;
	[tilespmem:$0x14200] =	vst v63  }
0x49: {  	s18 =	sand.u32 $0xFFFFF80, s22  }
0x4a: {  	s23 =	simm.s32 $0x3E00;
	s18 =	sadd.s32 s3, s18  }
0x4b: {  	[tilespmem:s23], [sflag:$0x10] =	stream.linear.gather [hbm4b:s18+s2], $0x400, $0x38;
	[tilespmem:$0x14200] =	vst v63  }
0x4c: {  	s19 =	simm.s32 $0x4600;
	s20 =	simm.s32 $0x0;
	s18 =	simm.s32 $0xFFFFFFE0  }
.LBB2_2:
0x4d: {  	v1 =	vld [tilespmem:s20+$0x0]  }
0x4e: {  	s21 =	sadd.s32 $0x21, s18  }
0x4f: {  	s21 =	smin.u32 s21, $0x1F  }
0x50: {  	s21 =	sshll.u32 s21, $0x4  }
0x51: {  	v2 =	vld [tilespmem:s21+$0x0];
	_ =	swait.ge [sflag:s24], $0x400  }
0x52: {  	(v2sf) =	vpush v1, $0x0;
	_ =	sdelay $0xe  }
0x53: {  	s23 =	spop (v2sf)  }
0x54: {  	[sflag:s24] =	ssyncset.done $0x0;
	s21 =	sand.u32 $0x7, s23  }
0x55: {  	[sflag:s24] =	ssyncadd.s32 $0xFFFFFC00;
	s21 =	sshll.u32 s21, $0x7  }
0x56: {  	v3 =	vld [tilespmem:s21+$0x200];
	_ =	sdelay $0x4  }
0x57: {  	[tilespmem:s19+$0xFFFFFC00] =	vst v3  }
0x58: {  	v3 =	vld [tilespmem:s21+$0x210];
	_ =	sdelay $0x4  }
0x59: {  	[tilespmem:s19+$0xFFFFFC10] =	vst v3  }
0x5a: {  	v3 =	vld [tilespmem:s21+$0x220]  }
0x5b: {  	v4 =	vor.u32 s21, v0;
	_ =	sdelay $0x3  }
0x5c: {  	[tilespmem:s19+$0xFFFFFC20] =	vst v3  }
0x5d: {  	v3 =	vld.idx.msk [tilespmem:v4+s8+$0x0], $0xffff;
	_ =	sdelay $0x4  }
0x5e: {  	[tilespmem:s19+$0xFFFFFC22] =	vst v3  }
0x5f: {  	_ =	swait.ge [sflag:s25], $0x400  }
0x60: {  	(v2sf) =	vpush v1, $0x1;
	_ =	sdelay $0xe  }
0x61: {  	s22 =	spop (v2sf)  }
0x62: {  	[sflag:s25] =	ssyncset.done $0x0;
	s21 =	sand.u32 $0x7, s22  }
0x63: {  	[sflag:s25] =	ssyncadd.s32 $0xFFFFFC00;
	s21 =	sshll.u32 s21, $0x7  }
0x64: {  	v3 =	vld [tilespmem:s21+$0x600];
	_ =	sdelay $0x4  }
0x65: {  	[tilespmem:s19+$0xFFFFFC80] =	vst v3  }
0x66: {  	v3 =	vld [tilespmem:s21+$0x610];
	_ =	sdelay $0x2  }
0x67: {  	v36 =	vmov s21  }
0x68: {  	v4 =	vor.u32 $0x400, v36  }
0x69: {  	[tilespmem:s19+$0xFFFFFC90] =	vst v3;
	v3 =	vbroadcast v4, $0x0  }
0x6a: {  	v37 =	vld [tilespmem:s21+$0x620]  }
0x6b: {  	v3 =	vor.u32 v0, v3;
	_ =	sdelay $0x3  }
0x6c: {  	[tilespmem:s19+$0xFFFFFCA0] =	vst v37  }
0x6d: {  	v3 =	vld.idx.msk [tilespmem:v3+s8+$0x0], $0xffff;
	_ =	sdelay $0x4  }
0x6e: {  	[tilespmem:s19+$0xFFFFFCA2] =	vst v3  }
0x6f: {  	_ =	swait.ge [sflag:s26], $0x400  }
0x70: {  	(v2sf) =	vpush v1, $0x2;
	_ =	sdelay $0xe  }
0x71: {  	s23 =	spop (v2sf)  }
0x72: {  	[sflag:s26] =	ssyncset.done $0x0;
	s21 =	sand.u32 $0x7, s23  }
0x73: {  	[sflag:s26] =	ssyncadd.s32 $0xFFFFFC00;
	s21 =	sshll.u32 s21, $0x7  }
0x74: {  	v3 =	vld [tilespmem:s21+$0xA00];
	_ =	sdelay $0x4  }
0x75: {  	[tilespmem:s19+$0xFFFFFD00] =	vst v3  }
0x76: {  	v3 =	vld [tilespmem:s21+$0xA10];
	_ =	sdelay $0x2  }
0x77: {  	v38 =	vmov s21  }
0x78: {  	v4 =	vor.u32 $0x800, v38  }
0x79: {  	[tilespmem:s19+$0xFFFFFD10] =	vst v3;
	v3 =	vbroadcast v4, $0x0  }
0x7a: {  	v39 =	vld [tilespmem:s21+$0xA20]  }
0x7b: {  	v3 =	vor.u32 v0, v3;
	_ =	sdelay $0x3  }
0x7c: {  	[tilespmem:s19+$0xFFFFFD20] =	vst v39  }
0x7d: {  	v3 =	vld.idx.msk [tilespmem:v3+s8+$0x0], $0xffff;
	_ =	sdelay $0x4  }
0x7e: {  	[tilespmem:s19+$0xFFFFFD22] =	vst v3  }
0x7f: {  	_ =	swait.ge [sflag:s28], $0x400  }
0x80: {  	(v2sf) =	vpush v1, $0x3;
	_ =	sdelay $0xe  }
0x81: {  	s22 =	spop (v2sf)  }
0x82: {  	[sflag:s28] =	ssyncset.done $0x0;
	s21 =	sand.u32 $0x7, s22  }
0x83: {  	[sflag:s28] =	ssyncadd.s32 $0xFFFFFC00;
	s21 =	sshll.u32 s21, $0x7  }
0x84: {  	v3 =	vld [tilespmem:s21+$0xE00];
	_ =	sdelay $0x4  }
0x85: {  	[tilespmem:s19+$0xFFFFFD80] =	vst v3  }
0x86: {  	v3 =	vld [tilespmem:s21+$0xE10];
	_ =	sdelay $0x2  }
0x87: {  	v40 =	vmov s21  }
0x88: {  	v4 =	vor.u32 $0xC00, v40  }
0x89: {  	[tilespmem:s19+$0xFFFFFD90] =	vst v3;
	v3 =	vbroadcast v4, $0x0  }
0x8a: {  	v41 =	vld [tilespmem:s21+$0xE20]  }
0x8b: {  	v3 =	vor.u32 v0, v3;
	_ =	sdelay $0x3  }
0x8c: {  	[tilespmem:s19+$0xFFFFFDA0] =	vst v41  }
0x8d: {  	v3 =	vld.idx.msk [tilespmem:v3+s8+$0x0], $0xffff;
	_ =	sdelay $0x4  }
0x8e: {  	[tilespmem:s19+$0xFFFFFDA2] =	vst v3  }
0x8f: {  	_ =	swait.ge [sflag:s29], $0x400  }
0x90: {  	(v2sf) =	vpush v1, $0x4;
	_ =	sdelay $0xe  }
0x91: {  	s23 =	spop (v2sf)  }
0x92: {  	[sflag:s29] =	ssyncset.done $0x0;
	s21 =	sand.u32 $0x7, s23  }
0x93: {  	[sflag:s29] =	ssyncadd.s32 $0xFFFFFC00;
	s21 =	sshll.u32 s21, $0x7  }
0x94: {  	v3 =	vld [tilespmem:s21+$0x1200];
	_ =	sdelay $0x4  }
0x95: {  	[tilespmem:s19+$0xFFFFFE00] =	vst v3  }
0x96: {  	v3 =	vld [tilespmem:s21+$0x1210];
	_ =	sdelay $0x2  }
0x97: {  	v42 =	vmov s21  }
0x98: {  	v4 =	vor.u32 $0x1000, v42  }
0x99: {  	[tilespmem:s19+$0xFFFFFE10] =	vst v3;
	v3 =	vbroadcast v4, $0x0  }
0x9a: {  	v43 =	vld [tilespmem:s21+$0x1220]  }
0x9b: {  	v3 =	vor.u32 v0, v3;
	_ =	sdelay $0x3  }
0x9c: {  	[tilespmem:s19+$0xFFFFFE20] =	vst v43  }
0x9d: {  	v3 =	vld.idx.msk [tilespmem:v3+s8+$0x0], $0xffff;
	_ =	sdelay $0x4  }
0x9e: {  	[tilespmem:s19+$0xFFFFFE22] =	vst v3  }
0x9f: {  	_ =	swait.ge [sflag:s30], $0x400  }
0xa0: {  	(v2sf) =	vpush v1, $0x5;
	_ =	sdelay $0xe  }
0xa1: {  	s22 =	spop (v2sf)  }
0xa2: {  	[sflag:s30] =	ssyncset.done $0x0;
	s21 =	sand.u32 $0x7, s22  }
0xa3: {  	[sflag:s30] =	ssyncadd.s32 $0xFFFFFC00;
	s21 =	sshll.u32 s21, $0x7  }
0xa4: {  	v3 =	vld [tilespmem:s21+$0x1600];
	_ =	sdelay $0x4  }
0xa5: {  	[tilespmem:s19+$0xFFFFFE80] =	vst v3  }
0xa6: {  	v3 =	vld [tilespmem:s21+$0x1610];
	_ =	sdelay $0x2  }
0xa7: {  	v44 =	vmov s21  }
0xa8: {  	v4 =	vor.u32 $0x1400, v44  }
0xa9: {  	[tilespmem:s19+$0xFFFFFE90] =	vst v3;
	v3 =	vbroadcast v4, $0x0  }
0xaa: {  	v45 =	vld [tilespmem:s21+$0x1620]  }
0xab: {  	v3 =	vor.u32 v0, v3;
	_ =	sdelay $0x3  }
0xac: {  	[tilespmem:s19+$0xFFFFFEA0] =	vst v45  }
0xad: {  	v3 =	vld.idx.msk [tilespmem:v3+s8+$0x0], $0xffff;
	_ =	sdelay $0x4  }
0xae: {  	[tilespmem:s19+$0xFFFFFEA2] =	vst v3  }
0xaf: {  	_ =	swait.ge [sflag:s31], $0x400  }
0xb0: {  	(v2sf) =	vpush v1, $0x6;
	_ =	sdelay $0xe  }
0xb1: {  	s23 =	spop (v2sf)  }
0xb2: {  	[sflag:s31] =	ssyncset.done $0x0;
	s21 =	sand.u32 $0x7, s23  }
0xb3: {  	[sflag:s31] =	ssyncadd.s32 $0xFFFFFC00;
	s21 =	sshll.u32 s21, $0x7  }
0xb4: {  	v3 =	vld [tilespmem:s21+$0x1A00];
	_ =	sdelay $0x4  }
0xb5: {  	[tilespmem:s19+$0xFFFFFF00] =	vst v3  }
0xb6: {  	v3 =	vld [tilespmem:s21+$0x1A10];
	_ =	sdelay $0x2  }
0xb7: {  	v46 =	vmov s21  }
0xb8: {  	v4 =	vor.u32 $0x1800, v46  }
0xb9: {  	[tilespmem:s19+$0xFFFFFF10] =	vst v3;
	v3 =	vbroadcast v4, $0x0  }
0xba: {  	v47 =	vld [tilespmem:s21+$0x1A20]  }
0xbb: {  	v3 =	vor.u32 v0, v3;
	_ =	sdelay $0x3  }
0xbc: {  	[tilespmem:s19+$0xFFFFFF20] =	vst v47  }
0xbd: {  	v3 =	vld.idx.msk [tilespmem:v3+s8+$0x0], $0xffff;
	_ =	sdelay $0x4  }
0xbe: {  	[tilespmem:s19+$0xFFFFFF22] =	vst v3  }
0xbf: {  	_ =	swait.ge [sflag:s0], $0x400  }
0xc0: {  	(v2sf) =	vpush v1, $0x7;
	_ =	sdelay $0xe  }
0xc1: {  	s22 =	spop (v2sf)  }
0xc2: {  	[sflag:s0] =	ssyncset.done $0x0;
	s21 =	sand.u32 $0x7, s22  }
0xc3: {  	[sflag:s0] =	ssyncadd.s32 $0xFFFFFC00;
	s21 =	sshll.u32 s21, $0x7  }
0xc4: {  	v3 =	vld [tilespmem:s21+$0x1E00];
	_ =	sdelay $0x3  }
0xc5: {  	p0 =	seq.s32 s18, $0xFFFFFFFF  }
0xc6: {  	v2 =	vshll.u32 @!p0 v2, $0x4;
	[tilespmem:s19+$0xFFFFFF80] =	vst v3  }
0xc7: {  	(v2sf) =	vpush @!p0 v2, $0x0;
	v3 =	vld [tilespmem:s21+$0x1E10];
	_ =	sdelay $0x2  }
0xc8: {  	v48 =	vmov s21  }
0xc9: {  	(v2sf) =	vpush @!p0 v2, $0x1;
	v4 =	vor.u32 $0x1C00, v48  }
0xca: {  	[tilespmem:s19+$0xFFFFFF90] =	vst v3;
	v3 =	vbroadcast v4, $0x0  }
0xcb: {  	v49 =	vld [tilespmem:s21+$0x1E20]  }
0xcc: {  	v3 =	vor.u32 v0, v3  }
0xcd: {  	(v2sf) =	vpush @!p0 v2, $0x2;
	_ =	sdelay $0x2  }
0xce: {  	[tilespmem:s19+$0xFFFFFFA0] =	vst v49  }
0xcf: {  	(v2sf) =	vpush @!p0 v2, $0x3;
	v3 =	vld.idx.msk [tilespmem:v3+s8+$0x0], $0xffff;
	_ =	sdelay $0x2  }
0xd0: {  	s21 =	spop @!p0 (v2sf)  }
0xd1: {  	(v2sf) =	vpush @!p0 v2, $0x4;
	s21 =	sand.u32 @!p0 $0xFFFFF80, s21  }
0xd2: {  	s23 =	simm.s32 @!p0 $0x200;
	s22 =	sadd.s32 @!p0 s3, s21;
	s21 =	simm.s32 @!p0 $0x0;
	[tilespmem:s19+$0xFFFFFFA2] =	vst v3  }
0xd3: {  	[tilespmem:s23], [sflag:$0x1] =	stream.linear.gather @!p0 [hbm4b:s22+s21], $0x400, $0x38;
	[tilespmem:$0x14200] =	vst v63  }
0xd4: {  	s22 =	spop @!p0 (v2sf)  }
0xd5: {  	(v2sf) =	vpush @!p0 v2, $0x5;
	s22 =	sand.u32 @!p0 $0xFFFFF80, s22  }
0xd6: {  	s23 =	simm.s32 @!p0 $0x600;
	s22 =	sadd.s32 @!p0 s3, s22  }
0xd7: {  	[tilespmem:s23], [sflag:$0x2] =	stream.linear.gather @!p0 [hbm4b:s22+s21], $0x400, $0x38;
	[tilespmem:$0x14200] =	vst v63  }
0xd8: {  	s22 =	spop @!p0 (v2sf)  }
0xd9: {  	(v2sf) =	vpush @!p0 v2, $0x6;
	s22 =	sand.u32 @!p0 $0xFFFFF80, s22  }
0xda: {  	s23 =	simm.s32 @!p0 $0xA00;
	s22 =	sadd.s32 @!p0 s3, s22  }
0xdb: {  	[tilespmem:s23], [sflag:$0x3] =	stream.linear.gather @!p0 [hbm4b:s22+s21], $0x400, $0x38;
	[tilespmem:$0x14200] =	vst v63  }
0xdc: {  	s22 =	spop @!p0 (v2sf)  }
0xdd: {  	(v2sf) =	vpush @!p0 v2, $0x7;
	s22 =	sand.u32 @!p0 $0xFFFFF80, s22  }
0xde: {  	s23 =	simm.s32 @!p0 $0xE00;
	s22 =	sadd.s32 @!p0 s3, s22  }
0xdf: {  	[tilespmem:s23], [sflag:$0x4] =	stream.linear.gather @!p0 [hbm4b:s22+s21], $0x400, $0x38;
	[tilespmem:$0x14200] =	vst v63  }
0xe0: {  	s22 =	spop @!p0 (v2sf)  }
0xe1: {  	s22 =	sand.u32 @!p0 $0xFFFFF80, s22  }
0xe2: {  	s23 =	simm.s32 @!p0 $0x1200;
	s22 =	sadd.s32 @!p0 s3, s22  }
0xe3: {  	[tilespmem:s23], [sflag:$0x5] =	stream.linear.gather @!p0 [hbm4b:s22+s21], $0x400, $0x38;
	[tilespmem:$0x14200] =	vst v63  }
0xe4: {  	s22 =	spop @!p0 (v2sf)  }
0xe5: {  	s22 =	sand.u32 @!p0 $0xFFFFF80, s22  }
0xe6: {  	s23 =	simm.s32 @!p0 $0x1600;
	s22 =	sadd.s32 @!p0 s3, s22  }
0xe7: {  	[tilespmem:s23], [sflag:$0x6] =	stream.linear.gather @!p0 [hbm4b:s22+s21], $0x400, $0x38;
	[tilespmem:$0x14200] =	vst v63  }
0xe8: {  	s22 =	spop @!p0 (v2sf)  }
0xe9: {  	s22 =	sand.u32 @!p0 $0xFFFFF80, s22  }
0xea: {  	s23 =	simm.s32 @!p0 $0x1A00;
	s22 =	sadd.s32 @!p0 s3, s22  }
0xeb: {  	[tilespmem:s23], [sflag:$0x7] =	stream.linear.gather @!p0 [hbm4b:s22+s21], $0x400, $0x38;
	[tilespmem:$0x14200] =	vst v63  }
0xec: {  	s22 =	spop @!p0 (v2sf)  }
0xed: {  	s22 =	sand.u32 @!p0 $0xFFFFF80, s22  }
0xee: {  	s23 =	simm.s32 @!p0 $0x1E00;
	s22 =	sadd.s32 @!p0 s3, s22  }
0xef: {  	[tilespmem:s23], [sflag:$0x8] =	stream.linear.gather @!p0 [hbm4b:s22+s21], $0x400, $0x38;
	[tilespmem:$0x14200] =	vst v63  }
0xf0: {  	_ =	swait.ge [sflag:s1], $0x400  }
0xf1: {  	(v2sf) =	vpush v1, $0x8;
	_ =	sdelay $0xe  }
0xf2: {  	s23 =	spop (v2sf)  }
0xf3: {  	[sflag:s1] =	ssyncset.done $0x0;
	s22 =	sand.u32 $0x7, s23  }
0xf4: {  	[sflag:s1] =	ssyncadd.s32 $0xFFFFFC00;
	s22 =	sshll.u32 s22, $0x7  }
0xf5: {  	v3 =	vld [tilespmem:s22+$0x2200];
	_ =	sdelay $0x4  }
0xf6: {  	[tilespmem:s19+$0x0] =	vst v3  }
0xf7: {  	v3 =	vld [tilespmem:s22+$0x2210];
	_ =	sdelay $0x2  }
0xf8: {  	v50 =	vmov s22  }
0xf9: {  	v4 =	vor.u32 $0x2000, v50  }
0xfa: {  	[tilespmem:s19+$0x10] =	vst v3;
	v3 =	vbroadcast v4, $0x0  }
0xfb: {  	v51 =	vld [tilespmem:s22+$0x2220]  }
0xfc: {  	v3 =	vor.u32 v0, v3;
	_ =	sdelay $0x3  }
0xfd: {  	[tilespmem:s19+$0x20] =	vst v51  }
0xfe: {  	v3 =	vld.idx.msk [tilespmem:v3+s8+$0x0], $0xffff;
	_ =	sdelay $0x4  }
0xff: {  	[tilespmem:s19+$0x22] =	vst v3  }
0x100: {  	_ =	swait.ge [sflag:s9], $0x400  }
0x101: {  	(v2sf) =	vpush v1, $0x9;
	_ =	sdelay $0xe  }
0x102: {  	s23 =	spop (v2sf)  }
0x103: {  	[sflag:s9] =	ssyncset.done $0x0;
	s22 =	sand.u32 $0x7, s23  }
0x104: {  	[sflag:s9] =	ssyncadd.s32 $0xFFFFFC00;
	s22 =	sshll.u32 s22, $0x7  }
0x105: {  	v3 =	vld [tilespmem:s22+$0x2600];
	_ =	sdelay $0x4  }
0x106: {  	[tilespmem:s19+$0x80] =	vst v3  }
0x107: {  	v3 =	vld [tilespmem:s22+$0x2610];
	_ =	sdelay $0x2  }
0x108: {  	v52 =	vmov s22  }
0x109: {  	v4 =	vor.u32 $0x2400, v52  }
0x10a: {  	[tilespmem:s19+$0x90] =	vst v3;
	v3 =	vbroadcast v4, $0x0  }
0x10b: {  	v53 =	vld [tilespmem:s22+$0x2620]  }
0x10c: {  	v3 =	vor.u32 v0, v3;
	_ =	sdelay $0x3  }
0x10d: {  	[tilespmem:s19+$0xA0] =	vst v53  }
0x10e: {  	v3 =	vld.idx.msk [tilespmem:v3+s8+$0x0], $0xffff;
	_ =	sdelay $0x4  }
0x10f: {  	[tilespmem:s19+$0xA2] =	vst v3  }
0x110: {  	_ =	swait.ge [sflag:s10], $0x400  }
0x111: {  	(v2sf) =	vpush v1, $0xA;
	_ =	sdelay $0xe  }
0x112: {  	s23 =	spop (v2sf)  }
0x113: {  	[sflag:s10] =	ssyncset.done $0x0;
	s22 =	sand.u32 $0x7, s23  }
0x114: {  	[sflag:s10] =	ssyncadd.s32 $0xFFFFFC00;
	s22 =	sshll.u32 s22, $0x7  }
0x115: {  	v3 =	vld [tilespmem:s22+$0x2A00];
	_ =	sdelay $0x4  }
0x116: {  	[tilespmem:s19+$0x100] =	vst v3  }
0x117: {  	v3 =	vld [tilespmem:s22+$0x2A10];
	_ =	sdelay $0x2  }
0x118: {  	v54 =	vmov s22  }
0x119: {  	v4 =	vor.u32 $0x2800, v54  }
0x11a: {  	[tilespmem:s19+$0x110] =	vst v3;
	v3 =	vbroadcast v4, $0x0  }
0x11b: {  	v55 =	vld [tilespmem:s22+$0x2A20]  }
0x11c: {  	v3 =	vor.u32 v0, v3;
	_ =	sdelay $0x3  }
0x11d: {  	[tilespmem:s19+$0x120] =	vst v55  }
0x11e: {  	v3 =	vld.idx.msk [tilespmem:v3+s8+$0x0], $0xffff;
	_ =	sdelay $0x4  }
0x11f: {  	[tilespmem:s19+$0x122] =	vst v3  }
0x120: {  	_ =	swait.ge [sflag:s11], $0x400  }
0x121: {  	(v2sf) =	vpush v1, $0xB;
	_ =	sdelay $0xe  }
0x122: {  	s23 =	spop (v2sf)  }
0x123: {  	[sflag:s11] =	ssyncset.done $0x0;
	s22 =	sand.u32 $0x7, s23  }
0x124: {  	[sflag:s11] =	ssyncadd.s32 $0xFFFFFC00;
	s22 =	sshll.u32 s22, $0x7  }
0x125: {  	v3 =	vld [tilespmem:s22+$0x2E00];
	_ =	sdelay $0x4  }
0x126: {  	[tilespmem:s19+$0x180] =	vst v3  }
0x127: {  	v3 =	vld [tilespmem:s22+$0x2E10];
	_ =	sdelay $0x2  }
0x128: {  	v56 =	vmov s22  }
0x129: {  	v4 =	vor.u32 $0x2C00, v56  }
0x12a: {  	[tilespmem:s19+$0x190] =	vst v3;
	v3 =	vbroadcast v4, $0x0  }
0x12b: {  	v57 =	vld [tilespmem:s22+$0x2E20]  }
0x12c: {  	v3 =	vor.u32 v0, v3;
	_ =	sdelay $0x3  }
0x12d: {  	[tilespmem:s19+$0x1A0] =	vst v57  }
0x12e: {  	v3 =	vld.idx.msk [tilespmem:v3+s8+$0x0], $0xffff;
	_ =	sdelay $0x4  }
0x12f: {  	[tilespmem:s19+$0x1A2] =	vst v3  }
0x130: {  	_ =	swait.ge [sflag:s12], $0x400  }
0x131: {  	(v2sf) =	vpush v1, $0xC;
	_ =	sdelay $0xe  }
0x132: {  	s23 =	spop (v2sf)  }
0x133: {  	[sflag:s12] =	ssyncset.done $0x0;
	s22 =	sand.u32 $0x7, s23  }
0x134: {  	[sflag:s12] =	ssyncadd.s32 $0xFFFFFC00;
	s22 =	sshll.u32 s22, $0x7  }
0x135: {  	v3 =	vld [tilespmem:s22+$0x3200];
	_ =	sdelay $0x4  }
0x136: {  	[tilespmem:s19+$0x200] =	vst v3  }
0x137: {  	v3 =	vld [tilespmem:s22+$0x3210];
	_ =	sdelay $0x2  }
0x138: {  	v58 =	vmov s22  }
0x139: {  	v4 =	vor.u32 $0x3000, v58  }
0x13a: {  	[tilespmem:s19+$0x210] =	vst v3;
	v3 =	vbroadcast v4, $0x0  }
0x13b: {  	v59 =	vld [tilespmem:s22+$0x3220]  }
0x13c: {  	v3 =	vor.u32 v0, v3;
	_ =	sdelay $0x3  }
0x13d: {  	[tilespmem:s19+$0x220] =	vst v59  }
0x13e: {  	v3 =	vld.idx.msk [tilespmem:v3+s8+$0x0], $0xffff;
	_ =	sdelay $0x4  }
0x13f: {  	[tilespmem:s19+$0x222] =	vst v3  }
0x140: {  	_ =	swait.ge [sflag:s13], $0x400  }
0x141: {  	(v2sf) =	vpush v1, $0xD;
	_ =	sdelay $0xe  }
0x142: {  	s23 =	spop (v2sf)  }
0x143: {  	[sflag:s13] =	ssyncset.done $0x0;
	s22 =	sand.u32 $0x7, s23  }
0x144: {  	[sflag:s13] =	ssyncadd.s32 $0xFFFFFC00;
	s22 =	sshll.u32 s22, $0x7  }
0x145: {  	v3 =	vld [tilespmem:s22+$0x3600];
	_ =	sdelay $0x4  }
0x146: {  	[tilespmem:s19+$0x280] =	vst v3  }
0x147: {  	v3 =	vld [tilespmem:s22+$0x3610];
	_ =	sdelay $0x2  }
0x148: {  	v60 =	vmov s22  }
0x149: {  	v4 =	vor.u32 $0x3400, v60  }
0x14a: {  	[tilespmem:s19+$0x290] =	vst v3;
	v3 =	vbroadcast v4, $0x0  }
0x14b: {  	v61 =	vld [tilespmem:s22+$0x3620]  }
0x14c: {  	v3 =	vor.u32 v0, v3;
	_ =	sdelay $0x3  }
0x14d: {  	[tilespmem:s19+$0x2A0] =	vst v61  }
0x14e: {  	v3 =	vld.idx.msk [tilespmem:v3+s8+$0x0], $0xffff;
	_ =	sdelay $0x4  }
0x14f: {  	[tilespmem:s19+$0x2A2] =	vst v3  }
0x150: {  	_ =	swait.ge [sflag:s14], $0x400  }
0x151: {  	(v2sf) =	vpush v1, $0xE;
	_ =	sdelay $0xe  }
0x152: {  	s23 =	spop (v2sf)  }
0x153: {  	[sflag:s14] =	ssyncset.done $0x0;
	s22 =	sand.u32 $0x7, s23  }
0x154: {  	[sflag:s14] =	ssyncadd.s32 $0xFFFFFC00;
	s22 =	sshll.u32 s22, $0x7  }
0x155: {  	v3 =	vld [tilespmem:s22+$0x3A00];
	_ =	sdelay $0x4  }
0x156: {  	[tilespmem:s19+$0x300] =	vst v3  }
0x157: {  	v3 =	vld [tilespmem:s22+$0x3A10];
	_ =	sdelay $0x2  }
0x158: {  	v62 =	vmov s22  }
0x159: {  	v4 =	vor.u32 $0x3800, v62  }
0x15a: {  	[tilespmem:s19+$0x310] =	vst v3;
	v3 =	vbroadcast v4, $0x0  }
0x15b: {  	v63 =	vld [tilespmem:s22+$0x3A20]  }
0x15c: {  	v3 =	vor.u32 v0, v3;
	_ =	sdelay $0x3  }
0x15d: {  	[tilespmem:s19+$0x320] =	vst v63  }
0x15e: {  	v3 =	vld.idx.msk [tilespmem:v3+s8+$0x0], $0xffff;
	_ =	sdelay $0x4  }
0x15f: {  	[tilespmem:s19+$0x322] =	vst v3  }
0x160: {  	_ =	swait.ge [sflag:s15], $0x400  }
0x161: {  	(v2sf) =	vpush v1, $0xF;
	_ =	sdelay $0xe  }
0x162: {  	s23 =	spop (v2sf)  }
0x163: {  	[sflag:s15] =	ssyncset.done $0x0;
	s22 =	sand.u32 $0x7, s23  }
0x164: {  	[sflag:s15] =	ssyncadd.s32 $0xFFFFFC00;
	s22 =	sshll.u32 s22, $0x7  }
0x165: {  	v1 =	vld [tilespmem:s22+$0x3E00];
	_ =	sdelay $0x4  }
0x166: {  	[tilespmem:s19+$0x380] =	vst v1  }
0x167: {  	(v2sf) =	vpush @!p0 v2, $0x8;
	v1 =	vld [tilespmem:s22+$0x3E10];
	_ =	sdelay $0x2  }
0x168: {  	v3 =	vmov s22  }
0x169: {  	(v2sf) =	vpush @!p0 v2, $0x9;
	v3 =	vor.u32 $0x3C00, v3  }
0x16a: {  	[tilespmem:s19+$0x390] =	vst v1;
	v1 =	vbroadcast v3, $0x0  }
0x16b: {  	v3 =	vld [tilespmem:s22+$0x3E20]  }
0x16c: {  	v1 =	vor.u32 v0, v1  }
0x16d: {  	(v2sf) =	vpush @!p0 v2, $0xA;
	_ =	sdelay $0x2  }
0x16e: {  	[tilespmem:s19+$0x3A0] =	vst v3  }
0x16f: {  	(v2sf) =	vpush @!p0 v2, $0xB;
	v1 =	vld.idx.msk [tilespmem:v1+s8+$0x0], $0xffff;
	_ =	sdelay $0x2  }
0x170: {  	s22 =	spop @!p0 (v2sf)  }
0x171: {  	(v2sf) =	vpush @!p0 v2, $0xC;
	s22 =	sand.u32 @!p0 $0xFFFFF80, s22  }
0x172: {  	s23 =	simm.s32 @!p0 $0x2200;
	s22 =	sadd.s32 @!p0 s3, s22;
	[tilespmem:s19+$0x3A2] =	vst v1  }
0x173: {  	[tilespmem:s23], [sflag:$0x9] =	stream.linear.gather @!p0 [hbm4b:s22+s21], $0x400, $0x38;
	[tilespmem:$0x14200] =	vst v63  }
0x174: {  	s22 =	spop @!p0 (v2sf)  }
0x175: {  	(v2sf) =	vpush @!p0 v2, $0xD;
	s22 =	sand.u32 @!p0 $0xFFFFF80, s22  }
0x176: {  	s23 =	simm.s32 @!p0 $0x2600;
	s22 =	sadd.s32 @!p0 s3, s22  }
0x177: {  	[tilespmem:s23], [sflag:$0xA] =	stream.linear.gather @!p0 [hbm4b:s22+s21], $0x400, $0x38;
	[tilespmem:$0x14200] =	vst v63  }
0x178: {  	s22 =	spop @!p0 (v2sf)  }
0x179: {  	(v2sf) =	vpush @!p0 v2, $0xE;
	s22 =	sand.u32 @!p0 $0xFFFFF80, s22  }
0x17a: {  	s23 =	simm.s32 @!p0 $0x2A00;
	s22 =	sadd.s32 @!p0 s3, s22  }
0x17b: {  	[tilespmem:s23], [sflag:$0xB] =	stream.linear.gather @!p0 [hbm4b:s22+s21], $0x400, $0x38;
	[tilespmem:$0x14200] =	vst v63  }
0x17c: {  	s22 =	spop @!p0 (v2sf)  }
0x17d: {  	s22 =	sand.u32 @!p0 $0xFFFFF80, s22  }
0x17e: {  	(v2sf) =	vpush @!p0 v2, $0xF;
	s23 =	simm.s32 @!p0 $0x2E00;
	s22 =	sadd.s32 @!p0 s3, s22  }
0x17f: {  	[tilespmem:s23], [sflag:$0xC] =	stream.linear.gather @!p0 [hbm4b:s22+s21], $0x400, $0x38;
	[tilespmem:$0x14200] =	vst v63  }
0x180: {  	s22 =	spop @!p0 (v2sf)  }
0x181: {  	s22 =	sand.u32 @!p0 $0xFFFFF80, s22  }
0x182: {  	s23 =	simm.s32 @!p0 $0x3200;
	s22 =	sadd.s32 @!p0 s3, s22  }
0x183: {  	[tilespmem:s23], [sflag:$0xD] =	stream.linear.gather @!p0 [hbm4b:s22+s21], $0x400, $0x38;
	[tilespmem:$0x14200] =	vst v63  }
0x184: {  	s22 =	spop @!p0 (v2sf)  }
0x185: {  	s22 =	sand.u32 @!p0 $0xFFFFF80, s22  }
0x186: {  	s23 =	simm.s32 @!p0 $0x3600;
	s22 =	sadd.s32 @!p0 s3, s22  }
0x187: {  	[tilespmem:s23], [sflag:$0xE] =	stream.linear.gather @!p0 [hbm4b:s22+s21], $0x400, $0x38;
	[tilespmem:$0x14200] =	vst v63  }
0x188: {  	s18 =	sadd.s32 @!p0 $0x1, s18;
	s22 =	spop @!p0 (v2sf)  }
0x189: {  	p1 =	seq.s32 @!p0 s18, $0x0;
	s22 =	sand.u32 @!p0 $0xFFFFF80, s22  }
0x18a: {  	p1 =	por p0, p1;
	s23 =	simm.s32 @!p0 $0x3A00;
	s22 =	sadd.s32 @!p0 s3, s22  }
0x18b: {  	[tilespmem:s23], [sflag:$0xF] =	stream.linear.gather @!p0 [hbm4b:s22+s21], $0x400, $0x38;
	[tilespmem:$0x14200] =	vst v63  }
.Ltmp0:
0x18c: {  	_ = 	snop;
	(pc) =	sbr.rel @!p1 .LBB2_2-.Ltmp0, $4  }
0x18d: {  	s22 =	spop @!p0 (v2sf)  }
0x18e: {  	s20 =	sadd.s32 @!p0 $0x10, s20;
	s22 =	sand.u32 @!p0 $0xFFFFF80, s22  }
0x18f: {  	s19 =	sadd.s32 @!p0 $0x800, s19;
	s23 =	simm.s32 @!p0 $0x3E00;
	s22 =	sadd.s32 @!p0 s3, s22  }
0x190: {  	[tilespmem:s23], [sflag:$0x10] =	stream.linear.gather @!p0 [hbm4b:s22+s21], $0x400, $0x38;
	[tilespmem:$0x14200] =	vst v63  }
0x191: {  	s17 =	sadd.s32 $0x1, s17  }
0x192: {  	p0 =	sne.s32 s17, s6  }
.Ltmp1:
0x193: {  	_ = 	snop;
	(pc) =	sbr.rel @p0 .LBB2_1-.Ltmp1, $4  }
0x194: {  	[hbm4b:s5+s2] =	stream.linear.scatter [tilespmem:s16], [sflag:$0x11], $0x10000, $0x38;
	[tilespmem:$0x14200] =	vst v63  }
0x195: {  	_ =	swait.ge [sflag:s7], $0x10000  }
0x196: {  	[sflag:s7] =	ssyncset.done $0x0  }
0x197: {  	[sflag:s7] =	ssyncadd.s32 $0xFFFF0000  }
0x198: {  	_ =	sfence.sel $0x180000  }
0x199: {  	[bflag:$0x0] =	sbarrier.arrive $0xFFFF  }
0x19a: {  	_ =	strace $0x90000047  }
0x19b: {  	s0 =	stileid.u32;
	[bflag:$0x2] =	sbarrier.arrive $0xFFFF  }
0x19c: {  	p0 =	sne.s32 s0, $0x0;
	s0 =	rddreg [dreg:$0x2]  }
0x19d: {  	s0 =	sadd.s32 @!p0 $0x100000, s0  }
0x19e: {  	[sflag:s0] =	ssyncadd.tile.s32 @!p0 $0x1;
	_ =	shalt  }
.Lfunc_end2:
_tile_overlayer_lowered:
.L_overlay_start_2:
0x19f: {  	(tag) =	ssettag $0x2  }
0x1a0: {  	s0 =	rddreg [dreg:$0x0];
	s2 =	stileid.u32  }
0x1a1: {  	s1 =	rddreg [dreg:$0x1];
	p0 =	sne.s32 s2, $0x0  }
0x1a2: {  	s3 =	rddreg [dreg:$0x2];
	[bflag:$0x3] =	sbarrier.arrive $0xFFFF;
	s2 =	simm.s32 @!p0 $0x1C11  }
0x1a3: {  	[timem:s3], [sflag:s2] =	dma.local @!p0 [hbm:s0], s1  }
0x1a4: {  	s0 =	simm.s32 @!p0 $0x11  }
0x1a5: {  	_ =	swait.ge @!p0 [sflag:s0], s1  }
0x1a6: {  	s1 =	ssub.s32 @!p0 $0x0, s1;
	[sflag:s0] =	ssyncset.done @!p0 $0x0  }
0x1a7: {  	[sflag:s0] =	ssyncadd.s32 @!p0 s1  }
0x1a8: {  	[bflag:$0x3] =	sbarrier.arrive $0xFFFF  }
0x1a9: {  	_ =	shalt  }

</sc_bundles>
